<compile_context>
chip_gen: v7x
topology: tpu7x:2x2x1
jax: 0.10.2.dev20260603
libtpu: 0.0.44.dev20260713+nightly
codegen_flags: <defaults>
</compile_context>

<pallas_src>
import jax
import jax.numpy as jnp
from jax import lax
from jax.experimental import pallas as pl
from jax.experimental.pallas import tpu as pltpu
from jax.experimental.pallas import tpu_sc as plsc

VOCAB = 1000000
EMBED = 32
B, F, L = 4096, 26, 20

NC, NS = 2, 16
NW = NC * NS

SEGS = B * F
SEGS_PER_W = SEGS // NW
CHUNK_SEGS = 64
ROWS_PER_CHUNK = CHUNK_SEGS * L
GATHER_W = 128
N_GATHERS = ROWS_PER_CHUNK // GATHER_W
N_CHUNKS = SEGS_PER_W // CHUNK_SEGS

VB = 256
NBLK = (VOCAB // 128) // 2
TAIL = VOCAB - NBLK * VB
BLK_PER_W = 122
BLK_ELS = VB * EMBED


def _tr_body(tt_hbm, tail_hbm, tflat_hbm, inb0, inb1, outb0, outb1, tailb,
             isem0, isem1, osem0, osem1):
    inbs = (inb0, inb1)
    outbs = (outb0, outb1)
    isems = (isem0, isem1)
    osems = (osem0, osem1)
    cid = lax.axis_index("c")
    sid = lax.axis_index("s")
    w = sid * NC + cid
    blk0 = w * BLK_PER_W
    cvec = lax.iota(jnp.int32, 16) * EMBED

    def fire_in(i, s):
        pltpu.async_copy(tt_hbm.at[:, pl.ds(i * VB, VB)], inbs[s], isems[s])

    def transpose_block(s):
        def e_body(e, carry):
            ide = cvec + e
            vals = [inbs[s][e, pl.ds(cc * 16, 16)] for cc in range(VB // 16)]
            ids = [ide + cc * 16 * EMBED for cc in range(VB // 16)]
            for cc in range(VB // 16):
                plsc.store_scatter(outbs[s], [ids[cc]], vals[cc])
            return carry

        lax.fori_loop(0, EMBED, e_body, 0)

    fire_in(blk0, 0)
    fire_in(blk0 + 1, 1)

    def outer(g, carry):
        for s in range(2):
            i = blk0 + 2 * g + s
            pltpu.make_async_copy(
                tt_hbm.at[:, pl.ds(0, VB)], inbs[s], isems[s]).wait()

            @pl.when(g > 0)
            def _():
                pltpu.make_async_copy(
                    outbs[s], tflat_hbm.at[pl.ds(0, BLK_ELS)], osems[s]
                ).wait()

            transpose_block(s)
            pltpu.async_copy(
                outbs[s], tflat_hbm.at[pl.ds(i * BLK_ELS, BLK_ELS)], osems[s]
            )

            @pl.when(2 * g + s + 2 < BLK_PER_W)
            def _():
                fire_in(i + 2, s)

        return carry

    lax.fori_loop(0, BLK_PER_W // 2, outer, 0)
    for s in range(2):
        pltpu.make_async_copy(
            outbs[s], tflat_hbm.at[pl.ds(0, BLK_ELS)], osems[s]).wait()

    @pl.when(w >= NW - 2)
    def _():
        i = NBLK - 2 + (w - (NW - 2))
        pltpu.sync_copy(tt_hbm.at[:, pl.ds(i * VB, VB)], inb0)
        transpose_block(0)
        pltpu.sync_copy(outb0, tflat_hbm.at[pl.ds(i * BLK_ELS, BLK_ELS)])

    @pl.when(w == NW - 1)
    def _():
        pltpu.sync_copy(tail_hbm, tailb)
        pltpu.sync_copy(
            tailb, tflat_hbm.at[pl.ds(NBLK * BLK_ELS, TAIL * EMBED)])


def _gather_body(idx_hbm, table_hbm, out_hbm, idx_v, rows_v, outbuf, sem0, sem1):
    sems = (sem0, sem1)
    cid = lax.axis_index("c")
    sid = lax.axis_index("s")
    w = sid * NC + cid
    idx_base = w * (SEGS_PER_W * L)
    seg_base = w * SEGS_PER_W

    def load_and_fire(c, b):
        pltpu.sync_copy(
            idx_hbm.at[pl.ds(idx_base + c * ROWS_PER_CHUNK, ROWS_PER_CHUNK)],
            idx_v.at[b],
        )
        for j in range(N_GATHERS):
            pltpu.async_copy(
                table_hbm.at[idx_v.at[b, pl.ds(j * GATHER_W, GATHER_W)]],
                rows_v.at[b, pl.ds(j * GATHER_W, GATHER_W)],
                sems[b],
            )

    def drain(b):
        pltpu.make_async_copy(
            table_hbm.at[pl.ds(0, ROWS_PER_CHUNK)], rows_v.at[b], sems[b]
        ).wait()

    def compute(c, b):
        def seg_body(s, carry):
            r0 = s * L
            acc0 = rows_v[b, r0, pl.ds(0, 16)]
            acc1 = rows_v[b, r0, pl.ds(16, 16)]
            for j in range(1, L):
                acc0 = acc0 + rows_v[b, r0 + j, pl.ds(0, 16)]
                acc1 = acc1 + rows_v[b, r0 + j, pl.ds(16, 16)]
            outbuf[b, s, pl.ds(0, 16)] = acc0
            outbuf[b, s, pl.ds(16, 16)] = acc1
            return carry

        lax.fori_loop(0, CHUNK_SEGS, seg_body, 0)
        pltpu.sync_copy(
            outbuf.at[b],
            out_hbm.at[pl.ds(seg_base + c * CHUNK_SEGS, CHUNK_SEGS)],
        )

    load_and_fire(0, 0)
    load_and_fire(1, 1)

    def outer(g, carry):
        for b in range(2):
            c = 2 * g + b
            drain(b)
            compute(c, b)

            @pl.when(c + 2 < N_CHUNKS)
            def _():
                load_and_fire(c + 2, b)

        return carry

    lax.fori_loop(0, N_CHUNKS // 2, outer, 0)


def _mesh():
    return plsc.VectorSubcoreMesh(
        core_axis_name="c", subcore_axis_name="s", num_cores=NC, num_subcores=NS
    )


@jax.jit
def _emb(idx, tt, tail):
    tflat = pl.kernel(
        _tr_body,
        out_type=jax.ShapeDtypeStruct((VOCAB * EMBED,), jnp.float32),
        mesh=_mesh(),
        scratch_types=[
            pltpu.VMEM((EMBED, VB), jnp.float32),
            pltpu.VMEM((EMBED, VB), jnp.float32),
            pltpu.VMEM((BLK_ELS,), jnp.float32),
            pltpu.VMEM((BLK_ELS,), jnp.float32),
            pltpu.VMEM((TAIL * EMBED,), jnp.float32),
            pltpu.SemaphoreType.DMA,
            pltpu.SemaphoreType.DMA,
            pltpu.SemaphoreType.DMA,
            pltpu.SemaphoreType.DMA,
        ],
        compiler_params=pltpu.CompilerParams(
            use_tc_tiling_on_sc=True, needs_layout_passes=False
        ),
    )(tt, tail)

    table = tflat.reshape(VOCAB, EMBED)
    out = pl.kernel(
        _gather_body,
        out_type=jax.ShapeDtypeStruct((SEGS, EMBED), jnp.float32),
        mesh=_mesh(),
        scratch_types=[
            pltpu.VMEM((2, ROWS_PER_CHUNK), jnp.int32),
            pltpu.VMEM((2, ROWS_PER_CHUNK, EMBED), jnp.float32),
            pltpu.VMEM((2, CHUNK_SEGS, EMBED), jnp.float32),
            pltpu.SemaphoreType.DMA,
            pltpu.SemaphoreType.DMA,
        ],
        compiler_params=pltpu.CompilerParams(use_tc_tiling_on_sc=False),
    )(idx, table)
    return out


def kernel(input, table):
    idx = input.reshape(SEGS * L)
    tt = table.T
    tail = lax.slice(table, (NBLK * VB, 0), (VOCAB, EMBED)).reshape(TAIL * EMBED)
    out = _emb(idx, tt, tail)
    return out.reshape(B, F, EMBED)

# --- scband reference (transcript-rebuilt; emitter-appended) ---
"""Pipeline reference for scband-embeddings-3616362463335 (READ-ONLY COPY).

The authoritative reference and input builder live on the scoring server;
editing this copy changes nothing except your own understanding.
"""

import jax, jax.numpy as jnp
import numpy as np

VOCAB = 1000000
EMBED = 32
PAD = 0
B, F, L = 4096, 26, 20


def setup_inputs(seed: int = 0) -> dict:
    key = jax.random.key(seed)
    k1, k2 = jax.random.split(key)
    # indices into the embedding table (int32 is sufficient for vocab=1e6)
    inp = jax.random.randint(k1, (B, F, L), 0, VOCAB, dtype=jnp.int32)
    # learned embedding table; padding row is zero (nn.Embedding padding_idx semantics)
    table = jax.random.normal(k2, (VOCAB, EMBED), dtype=jnp.float32)
    table = table.at[PAD].set(0.0)
    return {"input": inp, "table": table}


def reference(input, table):
    # Embeddings.forward: dropout is identity at inference.
    # x = embedding(input)  -> [B, F, L, EMBED]
    x = jnp.take(table, input, axis=0)
    # out = x.sum(dim=2)    -> [B, F, EMBED]
    out = x.sum(axis=2)
    return out

if __name__ == "__main__":
    import jax
    _d = setup_inputs()
    print(jax.jit(kernel)(*tuple(_d.values())))

</pallas_src>

<mosaic_0001>
#map = affine_map<(d0, d1) -> (0, 0)>
#map1 = affine_map<(d0, d1) -> (0)>
module attributes {stable_mosaic.version = 14 : i64} {
  func.func @_tr_body(%arg0: i32, %arg1: i32, %arg2: memref<32x1000000xf32, #tpu.memory_space<hbm>>, %arg3: memref<2048xf32, #tpu.memory_space<hbm>>, %arg4: memref<32000000xf32, #tpu.memory_space<hbm>>, %arg5: memref<32x256xf32, #tpu.memory_space<vmem>>, %arg6: memref<32x256xf32, #tpu.memory_space<vmem>>, %arg7: memref<8192xf32, #tpu.memory_space<vmem>>, %arg8: memref<8192xf32, #tpu.memory_space<vmem>>, %arg9: memref<2048xf32, #tpu.memory_space<vmem>>, %arg10: memref<!tpu.dma_semaphore, #tpu.memory_space<semaphore_mem>>, %arg11: memref<!tpu.dma_semaphore, #tpu.memory_space<semaphore_mem>>, %arg12: memref<!tpu.dma_semaphore, #tpu.memory_space<semaphore_mem>>, %arg13: memref<!tpu.dma_semaphore, #tpu.memory_space<semaphore_mem>>) attributes {dimension_semantics = [#tpu.dimension_semantics<core_parallel>, #tpu.dimension_semantics<subcore_parallel>], iteration_bounds = array<i64: 2, 16>, scalar_prefetch = 0 : i64, scratch_operands = 9 : i64, tpu.core_type = #tpu.core_type<sc_vector_subcore>, window_params = [{transform_indices = #map}, {transform_indices = #map1}, {transform_indices = #map1}]} {
    %mul3A = arith.constant 2 : i32
    %mul3A_0 = arith.muli %arg1, %mul3A : i32
    %add3A = arith.addi %mul3A_0, %arg0 : i32
    %mul3A_1 = arith.constant 122 : i32
    %mul3A_2 = arith.muli %add3A, %mul3A_1 : i32
    %iota3A = tpu.iota {dimensions = array<i32: 0>} : vector<16xi32>
    %mul3A_3 = arith.constant 32 : i32
    %mul3A_4 = vector.broadcast %mul3A_3 : i32 to vector<16xi32>
    %mul3A_5 = arith.muli %iota3A, %mul3A_4 : vector<16xi32>
    %mul3A_6 = arith.constant 256 : i32
    %mul3A_7 = arith.muli %mul3A_2, %mul3A_6 : i32
    %dma_start3A = arith.constant 0 : i32
    %dma_start3A_8 = tpu.memref_slice %arg2[%dma_start3A, %mul3A_7] : memref<32x1000000xf32, #tpu.memory_space<hbm>> -> memref<32x256xf32, #tpu.memory_space<hbm>>
    %dma_start3A_9 = arith.constant 0 : i32
    %dma_start3A_10 = tpu.memref_slice %arg2[%dma_start3A_9, %mul3A_7] : memref<32x1000000xf32, #tpu.memory_space<hbm>> -> memref<32x256xf32, #tpu.memory_space<hbm>>
    tpu.enqueue_dma source(%dma_start3A_10 : memref<32x256xf32, #tpu.memory_space<hbm>>) target(%arg5 : memref<32x256xf32, #tpu.memory_space<vmem>>) target_semaphore(%arg10 : memref<!tpu.dma_semaphore, #tpu.memory_space<semaphore_mem>>)
    %add3A_11 = arith.constant 1 : i32
    %add3A_12 = arith.addi %mul3A_2, %add3A_11 : i32
    %mul3A_13 = arith.constant 256 : i32
    %mul3A_14 = arith.muli %add3A_12, %mul3A_13 : i32
    %dma_start3A_15 = arith.constant 0 : i32
    %dma_start3A_16 = tpu.memref_slice %arg2[%dma_start3A_15, %mul3A_14] : memref<32x1000000xf32, #tpu.memory_space<hbm>> -> memref<32x256xf32, #tpu.memory_space<hbm>>
    %dma_start3A_17 = arith.constant 0 : i32
    %dma_start3A_18 = tpu.memref_slice %arg2[%dma_start3A_17, %mul3A_14] : memref<32x1000000xf32, #tpu.memory_space<hbm>> -> memref<32x256xf32, #tpu.memory_space<hbm>>
    tpu.enqueue_dma source(%dma_start3A_18 : memref<32x256xf32, #tpu.memory_space<hbm>>) target(%arg6 : memref<32x256xf32, #tpu.memory_space<vmem>>) target_semaphore(%arg11 : memref<!tpu.dma_semaphore, #tpu.memory_space<semaphore_mem>>)
    %scan3A = arith.constant 0 : i32
    %scan3A_19 = arith.constant 0 : i32
    %scan3A_20 = arith.constant 61 : i32
    %scan3A_21 = arith.addi %scan3A_19, %scan3A_20 : i32
    %scan3A_22 = arith.constant 1 : i32
    scf.for %scan3A_37 = %scan3A_19 to %scan3A_21 step %scan3A_22  : i32 {
      %mul3A_38 = arith.constant 2 : i32
      %mul3A_39 = arith.muli %mul3A_38, %scan3A_37 : i32
      %add3A_40 = arith.addi %mul3A_2, %mul3A_39 : i32
      %add3A_41 = arith.constant 0 : i32
      %add3A_42 = arith.addi %add3A_40, %add3A_41 : i32
      %dma_wait3A_43 = arith.constant 0 : i32
      %dma_wait3A_44 = arith.constant 0 : i32
      %dma_wait3A_45 = tpu.memref_slice %arg2[%dma_wait3A_43, %dma_wait3A_44] : memref<32x1000000xf32, #tpu.memory_space<hbm>> -> memref<32x256xf32, #tpu.memory_space<hbm>>
      %dma_wait3A_46 = arith.constant 0 : i32
      %dma_wait3A_47 = arith.constant 0 : i32
      %dma_wait3A_48 = tpu.memref_slice %arg2[%dma_wait3A_46, %dma_wait3A_47] : memref<32x1000000xf32, #tpu.memory_space<hbm>> -> memref<32x256xf32, #tpu.memory_space<hbm>>
      tpu.wait_dma2 semaphore(%arg10 : memref<!tpu.dma_semaphore, #tpu.memory_space<semaphore_mem>>) src(%dma_wait3A_48 : memref<32x256xf32, #tpu.memory_space<hbm>>) dst(%arg5 : memref<32x256xf32, #tpu.memory_space<vmem>>)
      %gt3A = arith.constant 0 : i32
      %gt3A_49 = arith.cmpi sgt, %scan3A_37, %gt3A : i32
      %convert_element_type3A_50 = arith.extui %gt3A_49 : i1 to i32
      %cond3A_51 = arith.constant 0 : i32
      %cond3A_52 = arith.cmpi ne, %convert_element_type3A_50, %cond3A_51 : i32
      scf.if %cond3A_52 {
        %dma_wait3A_110 = arith.constant 0 : i32
        %dma_wait3A_111 = tpu.memref_slice %arg4[%dma_wait3A_110] : memref<32000000xf32, #tpu.memory_space<hbm>> -> memref<8192xf32, #tpu.memory_space<hbm>>
        %dma_wait3A_112 = arith.constant 0 : i32
        %dma_wait3A_113 = tpu.memref_slice %arg4[%dma_wait3A_112] : memref<32000000xf32, #tpu.memory_space<hbm>> -> memref<8192xf32, #tpu.memory_space<hbm>>
        tpu.wait_dma2 semaphore(%arg12 : memref<!tpu.dma_semaphore, #tpu.memory_space<semaphore_mem>>) src(%arg7 : memref<8192xf32, #tpu.memory_space<vmem>>) dst(%dma_wait3A_113 : memref<8192xf32, #tpu.memory_space<hbm>>)
      } else {
      }
      %scan3A_53 = arith.constant 0 : i32
      %scan3A_54 = arith.constant 0 : i32
      %scan3A_55 = arith.constant 32 : i32
      %scan3A_56 = arith.addi %scan3A_54, %scan3A_55 : i32
      %scan3A_57 = arith.constant 1 : i32
      scf.for %scan3A_110 = %scan3A_54 to %scan3A_56 step %scan3A_57  : i32 {
        %add3A_111 = vector.broadcast %scan3A_110 : i32 to vector<16xi32>
        %add3A_112 = arith.addi %mul3A_5, %add3A_111 : vector<16xi32>
        %get3A = arith.index_cast %scan3A_110 : i32 to index
        %get3A_113 = arith.constant 0 : index
        %get3A_114 = tpu.vector_load %arg5[%get3A, %get3A_113] {strides = array<i32>} : memref<32x256xf32, #tpu.memory_space<vmem>>, vector<16xf32>,
        %get3A_115 = arith.index_cast %scan3A_110 : i32 to index
        %get3A_116 = arith.constant 16 : index
        %get3A_117 = tpu.vector_load %arg5[%get3A_115, %get3A_116] {strides = array<i32>} : memref<32x256xf32, #tpu.memory_space<vmem>>, vector<16xf32>,
        %get3A_118 = arith.index_cast %scan3A_110 : i32 to index
        %get3A_119 = arith.constant 32 : index
        %get3A_120 = tpu.vector_load %arg5[%get3A_118, %get3A_119] {strides = array<i32>} : memref<32x256xf32, #tpu.memory_space<vmem>>, vector<16xf32>,
        %get3A_121 = arith.index_cast %scan3A_110 : i32 to index
        %get3A_122 = arith.constant 48 : index
        %get3A_123 = tpu.vector_load %arg5[%get3A_121, %get3A_122] {strides = array<i32>} : memref<32x256xf32, #tpu.memory_space<vmem>>, vector<16xf32>,
        %get3A_124 = arith.index_cast %scan3A_110 : i32 to index
        %get3A_125 = arith.constant 64 : index
        %get3A_126 = tpu.vector_load %arg5[%get3A_124, %get3A_125] {strides = array<i32>} : memref<32x256xf32, #tpu.memory_space<vmem>>, vector<16xf32>,
        %get3A_127 = arith.index_cast %scan3A_110 : i32 to index
        %get3A_128 = arith.constant 80 : index
        %get3A_129 = tpu.vector_load %arg5[%get3A_127, %get3A_128] {strides = array<i32>} : memref<32x256xf32, #tpu.memory_space<vmem>>, vector<16xf32>,
        %get3A_130 = arith.index_cast %scan3A_110 : i32 to index
        %get3A_131 = arith.constant 96 : index
        %get3A_132 = tpu.vector_load %arg5[%get3A_130, %get3A_131] {strides = array<i32>} : memref<32x256xf32, #tpu.memory_space<vmem>>, vector<16xf32>,
        %get3A_133 = arith.index_cast %scan3A_110 : i32 to index
        %get3A_134 = arith.constant 112 : index
        %get3A_135 = tpu.vector_load %arg5[%get3A_133, %get3A_134] {strides = array<i32>} : memref<32x256xf32, #tpu.memory_space<vmem>>, vector<16xf32>,
        %get3A_136 = arith.index_cast %scan3A_110 : i32 to index
        %get3A_137 = arith.constant 128 : index
        %get3A_138 = tpu.vector_load %arg5[%get3A_136, %get3A_137] {strides = array<i32>} : memref<32x256xf32, #tpu.memory_space<vmem>>, vector<16xf32>,
        %get3A_139 = arith.index_cast %scan3A_110 : i32 to index
        %get3A_140 = arith.constant 144 : index
        %get3A_141 = tpu.vector_load %arg5[%get3A_139, %get3A_140] {strides = array<i32>} : memref<32x256xf32, #tpu.memory_space<vmem>>, vector<16xf32>,
        %get3A_142 = arith.index_cast %scan3A_110 : i32 to index
        %get3A_143 = arith.constant 160 : index
        %get3A_144 = tpu.vector_load %arg5[%get3A_142, %get3A_143] {strides = array<i32>} : memref<32x256xf32, #tpu.memory_space<vmem>>, vector<16xf32>,
        %get3A_145 = arith.index_cast %scan3A_110 : i32 to index
        %get3A_146 = arith.constant 176 : index
        %get3A_147 = tpu.vector_load %arg5[%get3A_145, %get3A_146] {strides = array<i32>} : memref<32x256xf32, #tpu.memory_space<vmem>>, vector<16xf32>,
        %get3A_148 = arith.index_cast %scan3A_110 : i32 to index
        %get3A_149 = arith.constant 192 : index
        %get3A_150 = tpu.vector_load %arg5[%get3A_148, %get3A_149] {strides = array<i32>} : memref<32x256xf32, #tpu.memory_space<vmem>>, vector<16xf32>,
        %get3A_151 = arith.index_cast %scan3A_110 : i32 to index
        %get3A_152 = arith.constant 208 : index
        %get3A_153 = tpu.vector_load %arg5[%get3A_151, %get3A_152] {strides = array<i32>} : memref<32x256xf32, #tpu.memory_space<vmem>>, vector<16xf32>,
        %get3A_154 = arith.index_cast %scan3A_110 : i32 to index
        %get3A_155 = arith.constant 224 : index
        %get3A_156 = tpu.vector_load %arg5[%get3A_154, %get3A_155] {strides = array<i32>} : memref<32x256xf32, #tpu.memory_space<vmem>>, vector<16xf32>,
        %get3A_157 = arith.index_cast %scan3A_110 : i32 to index
        %get3A_158 = arith.constant 240 : index
        %get3A_159 = tpu.vector_load %arg5[%get3A_157, %get3A_158] {strides = array<i32>} : memref<32x256xf32, #tpu.memory_space<vmem>>, vector<16xf32>,
        %add3A_160 = arith.constant 0 : i32
        %add3A_161 = vector.broadcast %add3A_160 : i32 to vector<16xi32>
        %add3A_162 = arith.addi %add3A_112, %add3A_161 : vector<16xi32>
        %add3A_163 = arith.constant 512 : i32
        %add3A_164 = vector.broadcast %add3A_163 : i32 to vector<16xi32>
        %add3A_165 = arith.addi %add3A_112, %add3A_164 : vector<16xi32>
        %add3A_166 = arith.constant 1024 : i32
        %add3A_167 = vector.broadcast %add3A_166 : i32 to vector<16xi32>
        %add3A_168 = arith.addi %add3A_112, %add3A_167 : vector<16xi32>
        %add3A_169 = arith.constant 1536 : i32
        %add3A_170 = vector.broadcast %add3A_169 : i32 to vector<16xi32>
        %add3A_171 = arith.addi %add3A_112, %add3A_170 : vector<16xi32>
        %add3A_172 = arith.constant 2048 : i32
        %add3A_173 = vector.broadcast %add3A_172 : i32 to vector<16xi32>
        %add3A_174 = arith.addi %add3A_112, %add3A_173 : vector<16xi32>
        %add3A_175 = arith.constant 2560 : i32
        %add3A_176 = vector.broadcast %add3A_175 : i32 to vector<16xi32>
        %add3A_177 = arith.addi %add3A_112, %add3A_176 : vector<16xi32>
        %add3A_178 = arith.constant 3072 : i32
        %add3A_179 = vector.broadcast %add3A_178 : i32 to vector<16xi32>
        %add3A_180 = arith.addi %add3A_112, %add3A_179 : vector<16xi32>
        %add3A_181 = arith.constant 3584 : i32
        %add3A_182 = vector.broadcast %add3A_181 : i32 to vector<16xi32>
        %add3A_183 = arith.addi %add3A_112, %add3A_182 : vector<16xi32>
        %add3A_184 = arith.constant 4096 : i32
        %add3A_185 = vector.broadcast %add3A_184 : i32 to vector<16xi32>
        %add3A_186 = arith.addi %add3A_112, %add3A_185 : vector<16xi32>
        %add3A_187 = arith.constant 4608 : i32
        %add3A_188 = vector.broadcast %add3A_187 : i32 to vector<16xi32>
        %add3A_189 = arith.addi %add3A_112, %add3A_188 : vector<16xi32>
        %add3A_190 = arith.constant 5120 : i32
        %add3A_191 = vector.broadcast %add3A_190 : i32 to vector<16xi32>
        %add3A_192 = arith.addi %add3A_112, %add3A_191 : vector<16xi32>
        %add3A_193 = arith.constant 5632 : i32
        %add3A_194 = vector.broadcast %add3A_193 : i32 to vector<16xi32>
        %add3A_195 = arith.addi %add3A_112, %add3A_194 : vector<16xi32>
        %add3A_196 = arith.constant 6144 : i32
        %add3A_197 = vector.broadcast %add3A_196 : i32 to vector<16xi32>
        %add3A_198 = arith.addi %add3A_112, %add3A_197 : vector<16xi32>
        %add3A_199 = arith.constant 6656 : i32
        %add3A_200 = vector.broadcast %add3A_199 : i32 to vector<16xi32>
        %add3A_201 = arith.addi %add3A_112, %add3A_200 : vector<16xi32>
        %add3A_202 = arith.constant 7168 : i32
        %add3A_203 = vector.broadcast %add3A_202 : i32 to vector<16xi32>
        %add3A_204 = arith.addi %add3A_112, %add3A_203 : vector<16xi32>
        %add3A_205 = arith.constant 7680 : i32
        %add3A_206 = vector.broadcast %add3A_205 : i32 to vector<16xi32>
        %add3A_207 = arith.addi %add3A_112, %add3A_206 : vector<16xi32>
        tpu.vector_store_idx %arg7[%add3A_162], %get3A_114 : memref<8192xf32, #tpu.memory_space<vmem>>[vector<16xi32>], vector<16xf32>,
        tpu.vector_store_idx %arg7[%add3A_165], %get3A_117 : memref<8192xf32, #tpu.memory_space<vmem>>[vector<16xi32>], vector<16xf32>,
        tpu.vector_store_idx %arg7[%add3A_168], %get3A_120 : memref<8192xf32, #tpu.memory_space<vmem>>[vector<16xi32>], vector<16xf32>,
        tpu.vector_store_idx %arg7[%add3A_171], %get3A_123 : memref<8192xf32, #tpu.memory_space<vmem>>[vector<16xi32>], vector<16xf32>,
        tpu.vector_store_idx %arg7[%add3A_174], %get3A_126 : memref<8192xf32, #tpu.memory_space<vmem>>[vector<16xi32>], vector<16xf32>,
        tpu.vector_store_idx %arg7[%add3A_177], %get3A_129 : memref<8192xf32, #tpu.memory_space<vmem>>[vector<16xi32>], vector<16xf32>,
        tpu.vector_store_idx %arg7[%add3A_180], %get3A_132 : memref<8192xf32, #tpu.memory_space<vmem>>[vector<16xi32>], vector<16xf32>,
        tpu.vector_store_idx %arg7[%add3A_183], %get3A_135 : memref<8192xf32, #tpu.memory_space<vmem>>[vector<16xi32>], vector<16xf32>,
        tpu.vector_store_idx %arg7[%add3A_186], %get3A_138 : memref<8192xf32, #tpu.memory_space<vmem>>[vector<16xi32>], vector<16xf32>,
        tpu.vector_store_idx %arg7[%add3A_189], %get3A_141 : memref<8192xf32, #tpu.memory_space<vmem>>[vector<16xi32>], vector<16xf32>,
        tpu.vector_store_idx %arg7[%add3A_192], %get3A_144 : memref<8192xf32, #tpu.memory_space<vmem>>[vector<16xi32>], vector<16xf32>,
        tpu.vector_store_idx %arg7[%add3A_195], %get3A_147 : memref<8192xf32, #tpu.memory_space<vmem>>[vector<16xi32>], vector<16xf32>,
        tpu.vector_store_idx %arg7[%add3A_198], %get3A_150 : memref<8192xf32, #tpu.memory_space<vmem>>[vector<16xi32>], vector<16xf32>,
        tpu.vector_store_idx %arg7[%add3A_201], %get3A_153 : memref<8192xf32, #tpu.memory_space<vmem>>[vector<16xi32>], vector<16xf32>,
        tpu.vector_store_idx %arg7[%add3A_204], %get3A_156 : memref<8192xf32, #tpu.memory_space<vmem>>[vector<16xi32>], vector<16xf32>,
        tpu.vector_store_idx %arg7[%add3A_207], %get3A_159 : memref<8192xf32, #tpu.memory_space<vmem>>[vector<16xi32>], vector<16xf32>,
      }
      %scan3A_58 = arith.constant 32 : i32
      %mul3A_59 = arith.constant 8192 : i32
      %mul3A_60 = arith.muli %add3A_42, %mul3A_59 : i32
      %dma_start3A_61 = tpu.memref_slice %arg4[%mul3A_60] : memref<32000000xf32, #tpu.memory_space<hbm>> -> memref<8192xf32, #tpu.memory_space<hbm>>
      %dma_start3A_62 = tpu.memref_slice %arg4[%mul3A_60] : memref<32000000xf32, #tpu.memory_space<hbm>> -> memref<8192xf32, #tpu.memory_space<hbm>>
      tpu.enqueue_dma source(%arg7 : memref<8192xf32, #tpu.memory_space<vmem>>) target(%dma_start3A_62 : memref<8192xf32, #tpu.memory_space<hbm>>) target_semaphore(%arg12 : memref<!tpu.dma_semaphore, #tpu.memory_space<semaphore_mem>>)
      %mul3A_63 = arith.constant 2 : i32
      %mul3A_64 = arith.muli %mul3A_63, %scan3A_37 : i32
      %add3A_65 = arith.constant 0 : i32
      %add3A_66 = arith.addi %mul3A_64, %add3A_65 : i32
      %add3A_67 = arith.constant 2 : i32
      %add3A_68 = arith.addi %add3A_66, %add3A_67 : i32
      %lt3A = arith.constant 122 : i32
      %lt3A_69 = arith.cmpi slt, %add3A_68, %lt3A : i32
      %convert_element_type3A_70 = arith.extui %lt3A_69 : i1 to i32
      %cond3A_71 = arith.constant 0 : i32
      %cond3A_72 = arith.cmpi ne, %convert_element_type3A_70, %cond3A_71 : i32
      scf.if %cond3A_72 {
        %add3A_110 = arith.constant 2 : i32
        %add3A_111 = arith.addi %add3A_42, %add3A_110 : i32
        %mul3A_112 = arith.constant 256 : i32
        %mul3A_113 = arith.muli %add3A_111, %mul3A_112 : i32
        %dma_start3A_114 = arith.constant 0 : i32
        %dma_start3A_115 = tpu.memref_slice %arg2[%dma_start3A_114, %mul3A_113] : memref<32x1000000xf32, #tpu.memory_space<hbm>> -> memref<32x256xf32, #tpu.memory_space<hbm>>
        %dma_start3A_116 = arith.constant 0 : i32
        %dma_start3A_117 = tpu.memref_slice %arg2[%dma_start3A_116, %mul3A_113] : memref<32x1000000xf32, #tpu.memory_space<hbm>> -> memref<32x256xf32, #tpu.memory_space<hbm>>
        tpu.enqueue_dma source(%dma_start3A_117 : memref<32x256xf32, #tpu.memory_space<hbm>>) target(%arg5 : memref<32x256xf32, #tpu.memory_space<vmem>>) target_semaphore(%arg10 : memref<!tpu.dma_semaphore, #tpu.memory_space<semaphore_mem>>)
      } else {
      }
      %mul3A_73 = arith.constant 2 : i32
      %mul3A_74 = arith.muli %mul3A_73, %scan3A_37 : i32
      %add3A_75 = arith.addi %mul3A_2, %mul3A_74 : i32
      %add3A_76 = arith.constant 1 : i32
      %add3A_77 = arith.addi %add3A_75, %add3A_76 : i32
      %dma_wait3A_78 = arith.constant 0 : i32
      %dma_wait3A_79 = arith.constant 0 : i32
      %dma_wait3A_80 = tpu.memref_slice %arg2[%dma_wait3A_78, %dma_wait3A_79] : memref<32x1000000xf32, #tpu.memory_space<hbm>> -> memref<32x256xf32, #tpu.memory_space<hbm>>
      %dma_wait3A_81 = arith.constant 0 : i32
      %dma_wait3A_82 = arith.constant 0 : i32
      %dma_wait3A_83 = tpu.memref_slice %arg2[%dma_wait3A_81, %dma_wait3A_82] : memref<32x1000000xf32, #tpu.memory_space<hbm>> -> memref<32x256xf32, #tpu.memory_space<hbm>>
      tpu.wait_dma2 semaphore(%arg11 : memref<!tpu.dma_semaphore, #tpu.memory_space<semaphore_mem>>) src(%dma_wait3A_83 : memref<32x256xf32, #tpu.memory_space<hbm>>) dst(%arg6 : memref<32x256xf32, #tpu.memory_space<vmem>>)
      %gt3A_84 = arith.constant 0 : i32
      %gt3A_85 = arith.cmpi sgt, %scan3A_37, %gt3A_84 : i32
      %convert_element_type3A_86 = arith.extui %gt3A_85 : i1 to i32
      %cond3A_87 = arith.constant 0 : i32
      %cond3A_88 = arith.cmpi ne, %convert_element_type3A_86, %cond3A_87 : i32
      scf.if %cond3A_88 {
        %dma_wait3A_110 = arith.constant 0 : i32
        %dma_wait3A_111 = tpu.memref_slice %arg4[%dma_wait3A_110] : memref<32000000xf32, #tpu.memory_space<hbm>> -> memref<8192xf32, #tpu.memory_space<hbm>>
        %dma_wait3A_112 = arith.constant 0 : i32
        %dma_wait3A_113 = tpu.memref_slice %arg4[%dma_wait3A_112] : memref<32000000xf32, #tpu.memory_space<hbm>> -> memref<8192xf32, #tpu.memory_space<hbm>>
        tpu.wait_dma2 semaphore(%arg13 : memref<!tpu.dma_semaphore, #tpu.memory_space<semaphore_mem>>) src(%arg8 : memref<8192xf32, #tpu.memory_space<vmem>>) dst(%dma_wait3A_113 : memref<8192xf32, #tpu.memory_space<hbm>>)
      } else {
      }
      %scan3A_89 = arith.constant 0 : i32
      %scan3A_90 = arith.constant 0 : i32
      %scan3A_91 = arith.constant 32 : i32
      %scan3A_92 = arith.addi %scan3A_90, %scan3A_91 : i32
      %scan3A_93 = arith.constant 1 : i32
      scf.for %scan3A_110 = %scan3A_90 to %scan3A_92 step %scan3A_93  : i32 {
        %add3A_111 = vector.broadcast %scan3A_110 : i32 to vector<16xi32>
        %add3A_112 = arith.addi %mul3A_5, %add3A_111 : vector<16xi32>
        %get3A = arith.index_cast %scan3A_110 : i32 to index
        %get3A_113 = arith.constant 0 : index
        %get3A_114 = tpu.vector_load %arg6[%get3A, %get3A_113] {strides = array<i32>} : memref<32x256xf32, #tpu.memory_space<vmem>>, vector<16xf32>,
        %get3A_115 = arith.index_cast %scan3A_110 : i32 to index
        %get3A_116 = arith.constant 16 : index
        %get3A_117 = tpu.vector_load %arg6[%get3A_115, %get3A_116] {strides = array<i32>} : memref<32x256xf32, #tpu.memory_space<vmem>>, vector<16xf32>,
        %get3A_118 = arith.index_cast %scan3A_110 : i32 to index
        %get3A_119 = arith.constant 32 : index
        %get3A_120 = tpu.vector_load %arg6[%get3A_118, %get3A_119] {strides = array<i32>} : memref<32x256xf32, #tpu.memory_space<vmem>>, vector<16xf32>,
        %get3A_121 = arith.index_cast %scan3A_110 : i32 to index
        %get3A_122 = arith.constant 48 : index
        %get3A_123 = tpu.vector_load %arg6[%get3A_121, %get3A_122] {strides = array<i32>} : memref<32x256xf32, #tpu.memory_space<vmem>>, vector<16xf32>,
        %get3A_124 = arith.index_cast %scan3A_110 : i32 to index
        %get3A_125 = arith.constant 64 : index
        %get3A_126 = tpu.vector_load %arg6[%get3A_124, %get3A_125] {strides = array<i32>} : memref<32x256xf32, #tpu.memory_space<vmem>>, vector<16xf32>,
        %get3A_127 = arith.index_cast %scan3A_110 : i32 to index
        %get3A_128 = arith.constant 80 : index
        %get3A_129 = tpu.vector_load %arg6[%get3A_127, %get3A_128] {strides = array<i32>} : memref<32x256xf32, #tpu.memory_space<vmem>>, vector<16xf32>,
        %get3A_130 = arith.index_cast %scan3A_110 : i32 to index
        %get3A_131 = arith.constant 96 : index
        %get3A_132 = tpu.vector_load %arg6[%get3A_130, %get3A_131] {strides = array<i32>} : memref<32x256xf32, #tpu.memory_space<vmem>>, vector<16xf32>,
        %get3A_133 = arith.index_cast %scan3A_110 : i32 to index
        %get3A_134 = arith.constant 112 : index
        %get3A_135 = tpu.vector_load %arg6[%get3A_133, %get3A_134] {strides = array<i32>} : memref<32x256xf32, #tpu.memory_space<vmem>>, vector<16xf32>,
        %get3A_136 = arith.index_cast %scan3A_110 : i32 to index
        %get3A_137 = arith.constant 128 : index
        %get3A_138 = tpu.vector_load %arg6[%get3A_136, %get3A_137] {strides = array<i32>} : memref<32x256xf32, #tpu.memory_space<vmem>>, vector<16xf32>,
        %get3A_139 = arith.index_cast %scan3A_110 : i32 to index
        %get3A_140 = arith.constant 144 : index
        %get3A_141 = tpu.vector_load %arg6[%get3A_139, %get3A_140] {strides = array<i32>} : memref<32x256xf32, #tpu.memory_space<vmem>>, vector<16xf32>,
        %get3A_142 = arith.index_cast %scan3A_110 : i32 to index
        %get3A_143 = arith.constant 160 : index
        %get3A_144 = tpu.vector_load %arg6[%get3A_142, %get3A_143] {strides = array<i32>} : memref<32x256xf32, #tpu.memory_space<vmem>>, vector<16xf32>,
        %get3A_145 = arith.index_cast %scan3A_110 : i32 to index
        %get3A_146 = arith.constant 176 : index
        %get3A_147 = tpu.vector_load %arg6[%get3A_145, %get3A_146] {strides = array<i32>} : memref<32x256xf32, #tpu.memory_space<vmem>>, vector<16xf32>,
        %get3A_148 = arith.index_cast %scan3A_110 : i32 to index
        %get3A_149 = arith.constant 192 : index
        %get3A_150 = tpu.vector_load %arg6[%get3A_148, %get3A_149] {strides = array<i32>} : memref<32x256xf32, #tpu.memory_space<vmem>>, vector<16xf32>,
        %get3A_151 = arith.index_cast %scan3A_110 : i32 to index
        %get3A_152 = arith.constant 208 : index
        %get3A_153 = tpu.vector_load %arg6[%get3A_151, %get3A_152] {strides = array<i32>} : memref<32x256xf32, #tpu.memory_space<vmem>>, vector<16xf32>,
        %get3A_154 = arith.index_cast %scan3A_110 : i32 to index
        %get3A_155 = arith.constant 224 : index
        %get3A_156 = tpu.vector_load %arg6[%get3A_154, %get3A_155] {strides = array<i32>} : memref<32x256xf32, #tpu.memory_space<vmem>>, vector<16xf32>,
        %get3A_157 = arith.index_cast %scan3A_110 : i32 to index
        %get3A_158 = arith.constant 240 : index
        %get3A_159 = tpu.vector_load %arg6[%get3A_157, %get3A_158] {strides = array<i32>} : memref<32x256xf32, #tpu.memory_space<vmem>>, vector<16xf32>,
        %add3A_160 = arith.constant 0 : i32
        %add3A_161 = vector.broadcast %add3A_160 : i32 to vector<16xi32>
        %add3A_162 = arith.addi %add3A_112, %add3A_161 : vector<16xi32>
        %add3A_163 = arith.constant 512 : i32
        %add3A_164 = vector.broadcast %add3A_163 : i32 to vector<16xi32>
        %add3A_165 = arith.addi %add3A_112, %add3A_164 : vector<16xi32>
        %add3A_166 = arith.constant 1024 : i32
        %add3A_167 = vector.broadcast %add3A_166 : i32 to vector<16xi32>
        %add3A_168 = arith.addi %add3A_112, %add3A_167 : vector<16xi32>
        %add3A_169 = arith.constant 1536 : i32
        %add3A_170 = vector.broadcast %add3A_169 : i32 to vector<16xi32>
        %add3A_171 = arith.addi %add3A_112, %add3A_170 : vector<16xi32>
        %add3A_172 = arith.constant 2048 : i32
        %add3A_173 = vector.broadcast %add3A_172 : i32 to vector<16xi32>
        %add3A_174 = arith.addi %add3A_112, %add3A_173 : vector<16xi32>
        %add3A_175 = arith.constant 2560 : i32
        %add3A_176 = vector.broadcast %add3A_175 : i32 to vector<16xi32>
        %add3A_177 = arith.addi %add3A_112, %add3A_176 : vector<16xi32>
        %add3A_178 = arith.constant 3072 : i32
        %add3A_179 = vector.broadcast %add3A_178 : i32 to vector<16xi32>
        %add3A_180 = arith.addi %add3A_112, %add3A_179 : vector<16xi32>
        %add3A_181 = arith.constant 3584 : i32
        %add3A_182 = vector.broadcast %add3A_181 : i32 to vector<16xi32>
        %add3A_183 = arith.addi %add3A_112, %add3A_182 : vector<16xi32>
        %add3A_184 = arith.constant 4096 : i32
        %add3A_185 = vector.broadcast %add3A_184 : i32 to vector<16xi32>
        %add3A_186 = arith.addi %add3A_112, %add3A_185 : vector<16xi32>
        %add3A_187 = arith.constant 4608 : i32
        %add3A_188 = vector.broadcast %add3A_187 : i32 to vector<16xi32>
        %add3A_189 = arith.addi %add3A_112, %add3A_188 : vector<16xi32>
        %add3A_190 = arith.constant 5120 : i32
        %add3A_191 = vector.broadcast %add3A_190 : i32 to vector<16xi32>
        %add3A_192 = arith.addi %add3A_112, %add3A_191 : vector<16xi32>
        %add3A_193 = arith.constant 5632 : i32
        %add3A_194 = vector.broadcast %add3A_193 : i32 to vector<16xi32>
        %add3A_195 = arith.addi %add3A_112, %add3A_194 : vector<16xi32>
        %add3A_196 = arith.constant 6144 : i32
        %add3A_197 = vector.broadcast %add3A_196 : i32 to vector<16xi32>
        %add3A_198 = arith.addi %add3A_112, %add3A_197 : vector<16xi32>
        %add3A_199 = arith.constant 6656 : i32
        %add3A_200 = vector.broadcast %add3A_199 : i32 to vector<16xi32>
        %add3A_201 = arith.addi %add3A_112, %add3A_200 : vector<16xi32>
        %add3A_202 = arith.constant 7168 : i32
        %add3A_203 = vector.broadcast %add3A_202 : i32 to vector<16xi32>
        %add3A_204 = arith.addi %add3A_112, %add3A_203 : vector<16xi32>
        %add3A_205 = arith.constant 7680 : i32
        %add3A_206 = vector.broadcast %add3A_205 : i32 to vector<16xi32>
        %add3A_207 = arith.addi %add3A_112, %add3A_206 : vector<16xi32>
        tpu.vector_store_idx %arg8[%add3A_162], %get3A_114 : memref<8192xf32, #tpu.memory_space<vmem>>[vector<16xi32>], vector<16xf32>,
        tpu.vector_store_idx %arg8[%add3A_165], %get3A_117 : memref<8192xf32, #tpu.memory_space<vmem>>[vector<16xi32>], vector<16xf32>,
        tpu.vector_store_idx %arg8[%add3A_168], %get3A_120 : memref<8192xf32, #tpu.memory_space<vmem>>[vector<16xi32>], vector<16xf32>,
        tpu.vector_store_idx %arg8[%add3A_171], %get3A_123 : memref<8192xf32, #tpu.memory_space<vmem>>[vector<16xi32>], vector<16xf32>,
        tpu.vector_store_idx %arg8[%add3A_174], %get3A_126 : memref<8192xf32, #tpu.memory_space<vmem>>[vector<16xi32>], vector<16xf32>,
        tpu.vector_store_idx %arg8[%add3A_177], %get3A_129 : memref<8192xf32, #tpu.memory_space<vmem>>[vector<16xi32>], vector<16xf32>,
        tpu.vector_store_idx %arg8[%add3A_180], %get3A_132 : memref<8192xf32, #tpu.memory_space<vmem>>[vector<16xi32>], vector<16xf32>,
        tpu.vector_store_idx %arg8[%add3A_183], %get3A_135 : memref<8192xf32, #tpu.memory_space<vmem>>[vector<16xi32>], vector<16xf32>,
        tpu.vector_store_idx %arg8[%add3A_186], %get3A_138 : memref<8192xf32, #tpu.memory_space<vmem>>[vector<16xi32>], vector<16xf32>,
        tpu.vector_store_idx %arg8[%add3A_189], %get3A_141 : memref<8192xf32, #tpu.memory_space<vmem>>[vector<16xi32>], vector<16xf32>,
        tpu.vector_store_idx %arg8[%add3A_192], %get3A_144 : memref<8192xf32, #tpu.memory_space<vmem>>[vector<16xi32>], vector<16xf32>,
        tpu.vector_store_idx %arg8[%add3A_195], %get3A_147 : memref<8192xf32, #tpu.memory_space<vmem>>[vector<16xi32>], vector<16xf32>,
        tpu.vector_store_idx %arg8[%add3A_198], %get3A_150 : memref<8192xf32, #tpu.memory_space<vmem>>[vector<16xi32>], vector<16xf32>,
        tpu.vector_store_idx %arg8[%add3A_201], %get3A_153 : memref<8192xf32, #tpu.memory_space<vmem>>[vector<16xi32>], vector<16xf32>,
        tpu.vector_store_idx %arg8[%add3A_204], %get3A_156 : memref<8192xf32, #tpu.memory_space<vmem>>[vector<16xi32>], vector<16xf32>,
        tpu.vector_store_idx %arg8[%add3A_207], %get3A_159 : memref<8192xf32, #tpu.memory_space<vmem>>[vector<16xi32>], vector<16xf32>,
      }
      %scan3A_94 = arith.constant 32 : i32
      %mul3A_95 = arith.constant 8192 : i32
      %mul3A_96 = arith.muli %add3A_77, %mul3A_95 : i32
      %dma_start3A_97 = tpu.memref_slice %arg4[%mul3A_96] : memref<32000000xf32, #tpu.memory_space<hbm>> -> memref<8192xf32, #tpu.memory_space<hbm>>
      %dma_start3A_98 = tpu.memref_slice %arg4[%mul3A_96] : memref<32000000xf32, #tpu.memory_space<hbm>> -> memref<8192xf32, #tpu.memory_space<hbm>>
      tpu.enqueue_dma source(%arg8 : memref<8192xf32, #tpu.memory_space<vmem>>) target(%dma_start3A_98 : memref<8192xf32, #tpu.memory_space<hbm>>) target_semaphore(%arg13 : memref<!tpu.dma_semaphore, #tpu.memory_space<semaphore_mem>>)
      %mul3A_99 = arith.constant 2 : i32
      %mul3A_100 = arith.muli %mul3A_99, %scan3A_37 : i32
      %add3A_101 = arith.constant 1 : i32
      %add3A_102 = arith.addi %mul3A_100, %add3A_101 : i32
      %add3A_103 = arith.constant 2 : i32
      %add3A_104 = arith.addi %add3A_102, %add3A_103 : i32
      %lt3A_105 = arith.constant 122 : i32
      %lt3A_106 = arith.cmpi slt, %add3A_104, %lt3A_105 : i32
      %convert_element_type3A_107 = arith.extui %lt3A_106 : i1 to i32
      %cond3A_108 = arith.constant 0 : i32
      %cond3A_109 = arith.cmpi ne, %convert_element_type3A_107, %cond3A_108 : i32
      scf.if %cond3A_109 {
        %add3A_110 = arith.constant 2 : i32
        %add3A_111 = arith.addi %add3A_77, %add3A_110 : i32
        %mul3A_112 = arith.constant 256 : i32
        %mul3A_113 = arith.muli %add3A_111, %mul3A_112 : i32
        %dma_start3A_114 = arith.constant 0 : i32
        %dma_start3A_115 = tpu.memref_slice %arg2[%dma_start3A_114, %mul3A_113] : memref<32x1000000xf32, #tpu.memory_space<hbm>> -> memref<32x256xf32, #tpu.memory_space<hbm>>
        %dma_start3A_116 = arith.constant 0 : i32
        %dma_start3A_117 = tpu.memref_slice %arg2[%dma_start3A_116, %mul3A_113] : memref<32x1000000xf32, #tpu.memory_space<hbm>> -> memref<32x256xf32, #tpu.memory_space<hbm>>
        tpu.enqueue_dma source(%dma_start3A_117 : memref<32x256xf32, #tpu.memory_space<hbm>>) target(%arg6 : memref<32x256xf32, #tpu.memory_space<vmem>>) target_semaphore(%arg11 : memref<!tpu.dma_semaphore, #tpu.memory_space<semaphore_mem>>)
      } else {
      }
    }
    %scan3A_23 = arith.constant 61 : i32
    %dma_wait3A = arith.constant 0 : i32
    %dma_wait3A_24 = tpu.memref_slice %arg4[%dma_wait3A] : memref<32000000xf32, #tpu.memory_space<hbm>> -> memref<8192xf32, #tpu.memory_space<hbm>>
    %dma_wait3A_25 = arith.constant 0 : i32
    %dma_wait3A_26 = tpu.memref_slice %arg4[%dma_wait3A_25] : memref<32000000xf32, #tpu.memory_space<hbm>> -> memref<8192xf32, #tpu.memory_space<hbm>>
    tpu.wait_dma2 semaphore(%arg12 : memref<!tpu.dma_semaphore, #tpu.memory_space<semaphore_mem>>) src(%arg7 : memref<8192xf32, #tpu.memory_space<vmem>>) dst(%dma_wait3A_26 : memref<8192xf32, #tpu.memory_space<hbm>>)
    %dma_wait3A_27 = arith.constant 0 : i32
    %dma_wait3A_28 = tpu.memref_slice %arg4[%dma_wait3A_27] : memref<32000000xf32, #tpu.memory_space<hbm>> -> memref<8192xf32, #tpu.memory_space<hbm>>
    %dma_wait3A_29 = arith.constant 0 : i32
    %dma_wait3A_30 = tpu.memref_slice %arg4[%dma_wait3A_29] : memref<32000000xf32, #tpu.memory_space<hbm>> -> memref<8192xf32, #tpu.memory_space<hbm>>
    tpu.wait_dma2 semaphore(%arg13 : memref<!tpu.dma_semaphore, #tpu.memory_space<semaphore_mem>>) src(%arg8 : memref<8192xf32, #tpu.memory_space<vmem>>) dst(%dma_wait3A_30 : memref<8192xf32, #tpu.memory_space<hbm>>)
    %ge3A = arith.constant 30 : i32
    %ge3A_31 = arith.cmpi sge, %add3A, %ge3A : i32
    %convert_element_type3A = arith.extui %ge3A_31 : i1 to i32
    %cond3A = arith.constant 0 : i32
    %cond3A_32 = arith.cmpi ne, %convert_element_type3A, %cond3A : i32
    scf.if %cond3A_32 {
      %sub3A = arith.constant 30 : i32
      %sub3A_37 = arith.subi %add3A, %sub3A : i32
      %add3A_38 = arith.constant 3904 : i32
      %add3A_39 = arith.addi %add3A_38, %sub3A_37 : i32
      %mul3A_40 = arith.constant 256 : i32
      %mul3A_41 = arith.muli %add3A_39, %mul3A_40 : i32
      "tpu.region"() ({
        %run_scoped3A = tpu.sem_alloc : memref<!tpu.dma_semaphore, #tpu.memory_space<semaphore_mem>>
        %dma_start3A_50 = arith.constant 0 : i32
        %dma_start3A_51 = tpu.memref_slice %arg2[%dma_start3A_50, %mul3A_41] : memref<32x1000000xf32, #tpu.memory_space<hbm>> -> memref<32x256xf32, #tpu.memory_space<hbm>>
        %dma_start3A_52 = arith.constant 0 : i32
        %dma_start3A_53 = tpu.memref_slice %arg2[%dma_start3A_52, %mul3A_41] : memref<32x1000000xf32, #tpu.memory_space<hbm>> -> memref<32x256xf32, #tpu.memory_space<hbm>>
        tpu.enqueue_dma source(%dma_start3A_53 : memref<32x256xf32, #tpu.memory_space<hbm>>) target(%arg5 : memref<32x256xf32, #tpu.memory_space<vmem>>) target_semaphore(%run_scoped3A : memref<!tpu.dma_semaphore, #tpu.memory_space<semaphore_mem>>)
        %dma_wait3A_54 = arith.constant 0 : i32
        %dma_wait3A_55 = tpu.memref_slice %arg2[%dma_wait3A_54, %mul3A_41] : memref<32x1000000xf32, #tpu.memory_space<hbm>> -> memref<32x256xf32, #tpu.memory_space<hbm>>
        %dma_wait3A_56 = arith.constant 0 : i32
        %dma_wait3A_57 = tpu.memref_slice %arg2[%dma_wait3A_56, %mul3A_41] : memref<32x1000000xf32, #tpu.memory_space<hbm>> -> memref<32x256xf32, #tpu.memory_space<hbm>>
        tpu.wait_dma2 semaphore(%run_scoped3A : memref<!tpu.dma_semaphore, #tpu.memory_space<semaphore_mem>>) src(%dma_wait3A_57 : memref<32x256xf32, #tpu.memory_space<hbm>>) dst(%arg5 : memref<32x256xf32, #tpu.memory_space<vmem>>)
        tpu.yield
      }) : () -> ()
      %scan3A_42 = arith.constant 0 : i32
      %scan3A_43 = arith.constant 0 : i32
      %scan3A_44 = arith.constant 32 : i32
      %scan3A_45 = arith.addi %scan3A_43, %scan3A_44 : i32
      %scan3A_46 = arith.constant 1 : i32
      scf.for %scan3A_50 = %scan3A_43 to %scan3A_45 step %scan3A_46  : i32 {
        %add3A_51 = vector.broadcast %scan3A_50 : i32 to vector<16xi32>
        %add3A_52 = arith.addi %mul3A_5, %add3A_51 : vector<16xi32>
        %get3A = arith.index_cast %scan3A_50 : i32 to index
        %get3A_53 = arith.constant 0 : index
        %get3A_54 = tpu.vector_load %arg5[%get3A, %get3A_53] {strides = array<i32>} : memref<32x256xf32, #tpu.memory_space<vmem>>, vector<16xf32>,
        %get3A_55 = arith.index_cast %scan3A_50 : i32 to index
        %get3A_56 = arith.constant 16 : index
        %get3A_57 = tpu.vector_load %arg5[%get3A_55, %get3A_56] {strides = array<i32>} : memref<32x256xf32, #tpu.memory_space<vmem>>, vector<16xf32>,
        %get3A_58 = arith.index_cast %scan3A_50 : i32 to index
        %get3A_59 = arith.constant 32 : index
        %get3A_60 = tpu.vector_load %arg5[%get3A_58, %get3A_59] {strides = array<i32>} : memref<32x256xf32, #tpu.memory_space<vmem>>, vector<16xf32>,
        %get3A_61 = arith.index_cast %scan3A_50 : i32 to index
        %get3A_62 = arith.constant 48 : index
        %get3A_63 = tpu.vector_load %arg5[%get3A_61, %get3A_62] {strides = array<i32>} : memref<32x256xf32, #tpu.memory_space<vmem>>, vector<16xf32>,
        %get3A_64 = arith.index_cast %scan3A_50 : i32 to index
        %get3A_65 = arith.constant 64 : index
        %get3A_66 = tpu.vector_load %arg5[%get3A_64, %get3A_65] {strides = array<i32>} : memref<32x256xf32, #tpu.memory_space<vmem>>, vector<16xf32>,
        %get3A_67 = arith.index_cast %scan3A_50 : i32 to index
        %get3A_68 = arith.constant 80 : index
        %get3A_69 = tpu.vector_load %arg5[%get3A_67, %get3A_68] {strides = array<i32>} : memref<32x256xf32, #tpu.memory_space<vmem>>, vector<16xf32>,
        %get3A_70 = arith.index_cast %scan3A_50 : i32 to index
        %get3A_71 = arith.constant 96 : index
        %get3A_72 = tpu.vector_load %arg5[%get3A_70, %get3A_71] {strides = array<i32>} : memref<32x256xf32, #tpu.memory_space<vmem>>, vector<16xf32>,
        %get3A_73 = arith.index_cast %scan3A_50 : i32 to index
        %get3A_74 = arith.constant 112 : index
        %get3A_75 = tpu.vector_load %arg5[%get3A_73, %get3A_74] {strides = array<i32>} : memref<32x256xf32, #tpu.memory_space<vmem>>, vector<16xf32>,
        %get3A_76 = arith.index_cast %scan3A_50 : i32 to index
        %get3A_77 = arith.constant 128 : index
        %get3A_78 = tpu.vector_load %arg5[%get3A_76, %get3A_77] {strides = array<i32>} : memref<32x256xf32, #tpu.memory_space<vmem>>, vector<16xf32>,
        %get3A_79 = arith.index_cast %scan3A_50 : i32 to index
        %get3A_80 = arith.constant 144 : index
        %get3A_81 = tpu.vector_load %arg5[%get3A_79, %get3A_80] {strides = array<i32>} : memref<32x256xf32, #tpu.memory_space<vmem>>, vector<16xf32>,
        %get3A_82 = arith.index_cast %scan3A_50 : i32 to index
        %get3A_83 = arith.constant 160 : index
        %get3A_84 = tpu.vector_load %arg5[%get3A_82, %get3A_83] {strides = array<i32>} : memref<32x256xf32, #tpu.memory_space<vmem>>, vector<16xf32>,
        %get3A_85 = arith.index_cast %scan3A_50 : i32 to index
        %get3A_86 = arith.constant 176 : index
        %get3A_87 = tpu.vector_load %arg5[%get3A_85, %get3A_86] {strides = array<i32>} : memref<32x256xf32, #tpu.memory_space<vmem>>, vector<16xf32>,
        %get3A_88 = arith.index_cast %scan3A_50 : i32 to index
        %get3A_89 = arith.constant 192 : index
        %get3A_90 = tpu.vector_load %arg5[%get3A_88, %get3A_89] {strides = array<i32>} : memref<32x256xf32, #tpu.memory_space<vmem>>, vector<16xf32>,
        %get3A_91 = arith.index_cast %scan3A_50 : i32 to index
        %get3A_92 = arith.constant 208 : index
        %get3A_93 = tpu.vector_load %arg5[%get3A_91, %get3A_92] {strides = array<i32>} : memref<32x256xf32, #tpu.memory_space<vmem>>, vector<16xf32>,
        %get3A_94 = arith.index_cast %scan3A_50 : i32 to index
        %get3A_95 = arith.constant 224 : index
        %get3A_96 = tpu.vector_load %arg5[%get3A_94, %get3A_95] {strides = array<i32>} : memref<32x256xf32, #tpu.memory_space<vmem>>, vector<16xf32>,
        %get3A_97 = arith.index_cast %scan3A_50 : i32 to index
        %get3A_98 = arith.constant 240 : index
        %get3A_99 = tpu.vector_load %arg5[%get3A_97, %get3A_98] {strides = array<i32>} : memref<32x256xf32, #tpu.memory_space<vmem>>, vector<16xf32>,
        %add3A_100 = arith.constant 0 : i32
        %add3A_101 = vector.broadcast %add3A_100 : i32 to vector<16xi32>
        %add3A_102 = arith.addi %add3A_52, %add3A_101 : vector<16xi32>
        %add3A_103 = arith.constant 512 : i32
        %add3A_104 = vector.broadcast %add3A_103 : i32 to vector<16xi32>
        %add3A_105 = arith.addi %add3A_52, %add3A_104 : vector<16xi32>
        %add3A_106 = arith.constant 1024 : i32
        %add3A_107 = vector.broadcast %add3A_106 : i32 to vector<16xi32>
        %add3A_108 = arith.addi %add3A_52, %add3A_107 : vector<16xi32>
        %add3A_109 = arith.constant 1536 : i32
        %add3A_110 = vector.broadcast %add3A_109 : i32 to vector<16xi32>
        %add3A_111 = arith.addi %add3A_52, %add3A_110 : vector<16xi32>
        %add3A_112 = arith.constant 2048 : i32
        %add3A_113 = vector.broadcast %add3A_112 : i32 to vector<16xi32>
        %add3A_114 = arith.addi %add3A_52, %add3A_113 : vector<16xi32>
        %add3A_115 = arith.constant 2560 : i32
        %add3A_116 = vector.broadcast %add3A_115 : i32 to vector<16xi32>
        %add3A_117 = arith.addi %add3A_52, %add3A_116 : vector<16xi32>
        %add3A_118 = arith.constant 3072 : i32
        %add3A_119 = vector.broadcast %add3A_118 : i32 to vector<16xi32>
        %add3A_120 = arith.addi %add3A_52, %add3A_119 : vector<16xi32>
        %add3A_121 = arith.constant 3584 : i32
        %add3A_122 = vector.broadcast %add3A_121 : i32 to vector<16xi32>
        %add3A_123 = arith.addi %add3A_52, %add3A_122 : vector<16xi32>
        %add3A_124 = arith.constant 4096 : i32
        %add3A_125 = vector.broadcast %add3A_124 : i32 to vector<16xi32>
        %add3A_126 = arith.addi %add3A_52, %add3A_125 : vector<16xi32>
        %add3A_127 = arith.constant 4608 : i32
        %add3A_128 = vector.broadcast %add3A_127 : i32 to vector<16xi32>
        %add3A_129 = arith.addi %add3A_52, %add3A_128 : vector<16xi32>
        %add3A_130 = arith.constant 5120 : i32
        %add3A_131 = vector.broadcast %add3A_130 : i32 to vector<16xi32>
        %add3A_132 = arith.addi %add3A_52, %add3A_131 : vector<16xi32>
        %add3A_133 = arith.constant 5632 : i32
        %add3A_134 = vector.broadcast %add3A_133 : i32 to vector<16xi32>
        %add3A_135 = arith.addi %add3A_52, %add3A_134 : vector<16xi32>
        %add3A_136 = arith.constant 6144 : i32
        %add3A_137 = vector.broadcast %add3A_136 : i32 to vector<16xi32>
        %add3A_138 = arith.addi %add3A_52, %add3A_137 : vector<16xi32>
        %add3A_139 = arith.constant 6656 : i32
        %add3A_140 = vector.broadcast %add3A_139 : i32 to vector<16xi32>
        %add3A_141 = arith.addi %add3A_52, %add3A_140 : vector<16xi32>
        %add3A_142 = arith.constant 7168 : i32
        %add3A_143 = vector.broadcast %add3A_142 : i32 to vector<16xi32>
        %add3A_144 = arith.addi %add3A_52, %add3A_143 : vector<16xi32>
        %add3A_145 = arith.constant 7680 : i32
        %add3A_146 = vector.broadcast %add3A_145 : i32 to vector<16xi32>
        %add3A_147 = arith.addi %add3A_52, %add3A_146 : vector<16xi32>
        tpu.vector_store_idx %arg7[%add3A_102], %get3A_54 : memref<8192xf32, #tpu.memory_space<vmem>>[vector<16xi32>], vector<16xf32>,
        tpu.vector_store_idx %arg7[%add3A_105], %get3A_57 : memref<8192xf32, #tpu.memory_space<vmem>>[vector<16xi32>], vector<16xf32>,
        tpu.vector_store_idx %arg7[%add3A_108], %get3A_60 : memref<8192xf32, #tpu.memory_space<vmem>>[vector<16xi32>], vector<16xf32>,
        tpu.vector_store_idx %arg7[%add3A_111], %get3A_63 : memref<8192xf32, #tpu.memory_space<vmem>>[vector<16xi32>], vector<16xf32>,
        tpu.vector_store_idx %arg7[%add3A_114], %get3A_66 : memref<8192xf32, #tpu.memory_space<vmem>>[vector<16xi32>], vector<16xf32>,
        tpu.vector_store_idx %arg7[%add3A_117], %get3A_69 : memref<8192xf32, #tpu.memory_space<vmem>>[vector<16xi32>], vector<16xf32>,
        tpu.vector_store_idx %arg7[%add3A_120], %get3A_72 : memref<8192xf32, #tpu.memory_space<vmem>>[vector<16xi32>], vector<16xf32>,
        tpu.vector_store_idx %arg7[%add3A_123], %get3A_75 : memref<8192xf32, #tpu.memory_space<vmem>>[vector<16xi32>], vector<16xf32>,
        tpu.vector_store_idx %arg7[%add3A_126], %get3A_78 : memref<8192xf32, #tpu.memory_space<vmem>>[vector<16xi32>], vector<16xf32>,
        tpu.vector_store_idx %arg7[%add3A_129], %get3A_81 : memref<8192xf32, #tpu.memory_space<vmem>>[vector<16xi32>], vector<16xf32>,
        tpu.vector_store_idx %arg7[%add3A_132], %get3A_84 : memref<8192xf32, #tpu.memory_space<vmem>>[vector<16xi32>], vector<16xf32>,
        tpu.vector_store_idx %arg7[%add3A_135], %get3A_87 : memref<8192xf32, #tpu.memory_space<vmem>>[vector<16xi32>], vector<16xf32>,
        tpu.vector_store_idx %arg7[%add3A_138], %get3A_90 : memref<8192xf32, #tpu.memory_space<vmem>>[vector<16xi32>], vector<16xf32>,
        tpu.vector_store_idx %arg7[%add3A_141], %get3A_93 : memref<8192xf32, #tpu.memory_space<vmem>>[vector<16xi32>], vector<16xf32>,
        tpu.vector_store_idx %arg7[%add3A_144], %get3A_96 : memref<8192xf32, #tpu.memory_space<vmem>>[vector<16xi32>], vector<16xf32>,
        tpu.vector_store_idx %arg7[%add3A_147], %get3A_99 : memref<8192xf32, #tpu.memory_space<vmem>>[vector<16xi32>], vector<16xf32>,
      }
      %scan3A_47 = arith.constant 32 : i32
      %mul3A_48 = arith.constant 8192 : i32
      %mul3A_49 = arith.muli %add3A_39, %mul3A_48 : i32
      "tpu.region"() ({
        %run_scoped3A = tpu.sem_alloc : memref<!tpu.dma_semaphore, #tpu.memory_space<semaphore_mem>>
        %dma_start3A_50 = tpu.memref_slice %arg4[%mul3A_49] : memref<32000000xf32, #tpu.memory_space<hbm>> -> memref<8192xf32, #tpu.memory_space<hbm>>
        %dma_start3A_51 = tpu.memref_slice %arg4[%mul3A_49] : memref<32000000xf32, #tpu.memory_space<hbm>> -> memref<8192xf32, #tpu.memory_space<hbm>>
        tpu.enqueue_dma source(%arg7 : memref<8192xf32, #tpu.memory_space<vmem>>) target(%dma_start3A_51 : memref<8192xf32, #tpu.memory_space<hbm>>) target_semaphore(%run_scoped3A : memref<!tpu.dma_semaphore, #tpu.memory_space<semaphore_mem>>)
        %dma_wait3A_52 = tpu.memref_slice %arg4[%mul3A_49] : memref<32000000xf32, #tpu.memory_space<hbm>> -> memref<8192xf32, #tpu.memory_space<hbm>>
        %dma_wait3A_53 = tpu.memref_slice %arg4[%mul3A_49] : memref<32000000xf32, #tpu.memory_space<hbm>> -> memref<8192xf32, #tpu.memory_space<hbm>>
        tpu.wait_dma2 semaphore(%run_scoped3A : memref<!tpu.dma_semaphore, #tpu.memory_space<semaphore_mem>>) src(%arg7 : memref<8192xf32, #tpu.memory_space<vmem>>) dst(%dma_wait3A_53 : memref<8192xf32, #tpu.memory_space<hbm>>)
        tpu.yield
      }) : () -> ()
    } else {
    }
    %eq3A = arith.constant 31 : i32
    %eq3A_33 = arith.cmpi eq, %add3A, %eq3A : i32
    %convert_element_type3A_34 = arith.extui %eq3A_33 : i1 to i32
    %cond3A_35 = arith.constant 0 : i32
    %cond3A_36 = arith.cmpi ne, %convert_element_type3A_34, %cond3A_35 : i32
    scf.if %cond3A_36 {
      "tpu.region"() ({
        %run_scoped3A = tpu.sem_alloc : memref<!tpu.dma_semaphore, #tpu.memory_space<semaphore_mem>>
        tpu.enqueue_dma source(%arg3 : memref<2048xf32, #tpu.memory_space<hbm>>) target(%arg9 : memref<2048xf32, #tpu.memory_space<vmem>>) target_semaphore(%run_scoped3A : memref<!tpu.dma_semaphore, #tpu.memory_space<semaphore_mem>>)
        tpu.wait_dma2 semaphore(%run_scoped3A : memref<!tpu.dma_semaphore, #tpu.memory_space<semaphore_mem>>) src(%arg3 : memref<2048xf32, #tpu.memory_space<hbm>>) dst(%arg9 : memref<2048xf32, #tpu.memory_space<vmem>>)
        tpu.yield
      }) : () -> ()
      "tpu.region"() ({
        %run_scoped3A = tpu.sem_alloc : memref<!tpu.dma_semaphore, #tpu.memory_space<semaphore_mem>>
        %dma_start3A_37 = arith.constant 31997952 : i32
        %dma_start3A_38 = tpu.memref_slice %arg4[%dma_start3A_37] : memref<32000000xf32, #tpu.memory_space<hbm>> -> memref<2048xf32, #tpu.memory_space<hbm>>
        %dma_start3A_39 = arith.constant 31997952 : i32
        %dma_start3A_40 = tpu.memref_slice %arg4[%dma_start3A_39] : memref<32000000xf32, #tpu.memory_space<hbm>> -> memref<2048xf32, #tpu.memory_space<hbm>>
        tpu.enqueue_dma source(%arg9 : memref<2048xf32, #tpu.memory_space<vmem>>) target(%dma_start3A_40 : memref<2048xf32, #tpu.memory_space<hbm>>) target_semaphore(%run_scoped3A : memref<!tpu.dma_semaphore, #tpu.memory_space<semaphore_mem>>)
        %dma_wait3A_41 = arith.constant 31997952 : i32
        %dma_wait3A_42 = tpu.memref_slice %arg4[%dma_wait3A_41] : memref<32000000xf32, #tpu.memory_space<hbm>> -> memref<2048xf32, #tpu.memory_space<hbm>>
        %dma_wait3A_43 = arith.constant 31997952 : i32
        %dma_wait3A_44 = tpu.memref_slice %arg4[%dma_wait3A_43] : memref<32000000xf32, #tpu.memory_space<hbm>> -> memref<2048xf32, #tpu.memory_space<hbm>>
        tpu.wait_dma2 semaphore(%run_scoped3A : memref<!tpu.dma_semaphore, #tpu.memory_space<semaphore_mem>>) src(%arg9 : memref<2048xf32, #tpu.memory_space<vmem>>) dst(%dma_wait3A_44 : memref<2048xf32, #tpu.memory_space<hbm>>)
        tpu.yield
      }) : () -> ()
    } else {
    }
    return
  }
}

#map = affine_map<(d0, d1) -> (0)>
#map1 = affine_map<(d0, d1) -> (0, 0)>
module attributes {stable_mosaic.version = 14 : i64} {
  func.func @_gather_body(%arg0: i32, %arg1: i32, %arg2: memref<2129920xi32, #tpu.memory_space<hbm>>, %arg3: memref<1000000x32xf32, #tpu.memory_space<hbm>>, %arg4: memref<106496x32xf32, #tpu.memory_space<hbm>>, %arg5: memref<2x1280xi32, #tpu.memory_space<vmem>>, %arg6: memref<2x1280x32xf32, #tpu.memory_space<vmem>>, %arg7: memref<2x64x32xf32, #tpu.memory_space<vmem>>, %arg8: memref<!tpu.dma_semaphore, #tpu.memory_space<semaphore_mem>>, %arg9: memref<!tpu.dma_semaphore, #tpu.memory_space<semaphore_mem>>) attributes {dimension_semantics = [#tpu.dimension_semantics<core_parallel>, #tpu.dimension_semantics<subcore_parallel>], iteration_bounds = array<i64: 2, 16>, scalar_prefetch = 0 : i64, scratch_operands = 5 : i64, tpu.core_type = #tpu.core_type<sc_vector_subcore>, window_params = [{transform_indices = #map}, {transform_indices = #map1}, {transform_indices = #map1}]} {
    %mul3A = arith.constant 2 : i32
    %mul3A_0 = arith.muli %arg1, %mul3A : i32
    %add3A = arith.addi %mul3A_0, %arg0 : i32
    %mul3A_1 = arith.constant 66560 : i32
    %mul3A_2 = arith.muli %add3A, %mul3A_1 : i32
    %mul3A_3 = arith.constant 3328 : i32
    %mul3A_4 = arith.muli %add3A, %mul3A_3 : i32
    %add3A_5 = arith.constant 0 : i32
    %add3A_6 = arith.addi %mul3A_2, %add3A_5 : i32
    %run_scoped3A = arith.constant 0 : i32
    "tpu.region"() ({
      %run_scoped3A_254 = tpu.sem_alloc : memref<!tpu.dma_semaphore, #tpu.memory_space<semaphore_mem>>
      %dma_start3A_255 = arith.constant 0 : i32
      %dma_start3A_256 = tpu.memref_slice %arg5[%run_scoped3A, %dma_start3A_255] : memref<2x1280xi32, #tpu.memory_space<vmem>> -> memref<1x1280xi32, #tpu.memory_space<vmem>>
      %dma_start3A_257 = tpu.memref_squeeze %dma_start3A_256 : memref<1x1280xi32, #tpu.memory_space<vmem>> -> memref<1280xi32, #tpu.memory_space<vmem>>
      %dma_start3A_258 = tpu.memref_slice %arg2[%add3A_6] : memref<2129920xi32, #tpu.memory_space<hbm>> -> memref<1280xi32, #tpu.memory_space<hbm>>
      %dma_start3A_259 = arith.constant 0 : i32
      %dma_start3A_260 = tpu.memref_slice %arg5[%run_scoped3A, %dma_start3A_259] : memref<2x1280xi32, #tpu.memory_space<vmem>> -> memref<1x1280xi32, #tpu.memory_space<vmem>>
      %dma_start3A_261 = tpu.memref_squeeze %dma_start3A_260 : memref<1x1280xi32, #tpu.memory_space<vmem>> -> memref<1280xi32, #tpu.memory_space<vmem>>
      %dma_start3A_262 = tpu.memref_slice %arg2[%add3A_6] : memref<2129920xi32, #tpu.memory_space<hbm>> -> memref<1280xi32, #tpu.memory_space<hbm>>
      tpu.enqueue_dma source(%dma_start3A_262 : memref<1280xi32, #tpu.memory_space<hbm>>) target(%dma_start3A_261 : memref<1280xi32, #tpu.memory_space<vmem>>) target_semaphore(%run_scoped3A_254 : memref<!tpu.dma_semaphore, #tpu.memory_space<semaphore_mem>>)
      %dma_wait3A = arith.constant 0 : i32
      %dma_wait3A_263 = tpu.memref_slice %arg5[%run_scoped3A, %dma_wait3A] : memref<2x1280xi32, #tpu.memory_space<vmem>> -> memref<1x1280xi32, #tpu.memory_space<vmem>>
      %dma_wait3A_264 = tpu.memref_squeeze %dma_wait3A_263 : memref<1x1280xi32, #tpu.memory_space<vmem>> -> memref<1280xi32, #tpu.memory_space<vmem>>
      %dma_wait3A_265 = tpu.memref_slice %arg2[%add3A_6] : memref<2129920xi32, #tpu.memory_space<hbm>> -> memref<1280xi32, #tpu.memory_space<hbm>>
      %dma_wait3A_266 = arith.constant 0 : i32
      %dma_wait3A_267 = tpu.memref_slice %arg5[%run_scoped3A, %dma_wait3A_266] : memref<2x1280xi32, #tpu.memory_space<vmem>> -> memref<1x1280xi32, #tpu.memory_space<vmem>>
      %dma_wait3A_268 = tpu.memref_squeeze %dma_wait3A_267 : memref<1x1280xi32, #tpu.memory_space<vmem>> -> memref<1280xi32, #tpu.memory_space<vmem>>
      %dma_wait3A_269 = tpu.memref_slice %arg2[%add3A_6] : memref<2129920xi32, #tpu.memory_space<hbm>> -> memref<1280xi32, #tpu.memory_space<hbm>>
      tpu.wait_dma2 semaphore(%run_scoped3A_254 : memref<!tpu.dma_semaphore, #tpu.memory_space<semaphore_mem>>) src(%dma_wait3A_269 : memref<1280xi32, #tpu.memory_space<hbm>>) dst(%dma_wait3A_268 : memref<1280xi32, #tpu.memory_space<vmem>>)
      tpu.yield
    }) : () -> ()
    %dma_start3A = arith.constant 0 : i32
    %dma_start3A_7 = arith.constant 0 : i32
    %dma_start3A_8 = arith.constant 0 : i32
    %dma_start3A_9 = arith.constant 0 : i32
    %dma_start3A_10 = tpu.memref_slice %arg6[%dma_start3A_7, %dma_start3A_8, %dma_start3A_9] : memref<2x1280x32xf32, #tpu.memory_space<vmem>> -> memref<1x128x32xf32, #tpu.memory_space<vmem>>
    %dma_start3A_11 = tpu.memref_squeeze %dma_start3A_10 : memref<1x128x32xf32, #tpu.memory_space<vmem>> -> memref<128x32xf32, #tpu.memory_space<vmem>>
    %dma_start3A_12 = arith.constant 0 : i32
    %dma_start3A_13 = tpu.memref_slice %arg5[%dma_start3A, %dma_start3A_12] : memref<2x1280xi32, #tpu.memory_space<vmem>> -> memref<1x128xi32, #tpu.memory_space<vmem>>
    %dma_start3A_14 = tpu.memref_squeeze %dma_start3A_13 : memref<1x128xi32, #tpu.memory_space<vmem>> -> memref<128xi32, #tpu.memory_space<vmem>>
    %dma_start3A_15 = arith.constant 0 : i32
    %dma_start3A_16 = arith.constant 0 : i32
    %dma_start3A_17 = tpu.memref_slice %arg3[%dma_start3A_15, %dma_start3A_16] : memref<1000000x32xf32, #tpu.memory_space<hbm>> -> memref<1000000x32xf32, #tpu.memory_space<hbm>>
    tpu.enqueue_indirect_dma source(%dma_start3A_17 : memref<1000000x32xf32, #tpu.memory_space<hbm>>) target(%dma_start3A_11 : memref<128x32xf32, #tpu.memory_space<vmem>>) offsets(%dma_start3A_14 : memref<128xi32, #tpu.memory_space<vmem>>) semaphore(%arg8 : memref<!tpu.dma_semaphore, #tpu.memory_space<semaphore_mem>>)
    %dma_start3A_18 = arith.constant 0 : i32
    %dma_start3A_19 = arith.constant 0 : i32
    %dma_start3A_20 = arith.constant 128 : i32
    %dma_start3A_21 = arith.constant 0 : i32
    %dma_start3A_22 = tpu.memref_slice %arg6[%dma_start3A_19, %dma_start3A_20, %dma_start3A_21] : memref<2x1280x32xf32, #tpu.memory_space<vmem>> -> memref<1x128x32xf32, #tpu.memory_space<vmem>>
    %dma_start3A_23 = tpu.memref_squeeze %dma_start3A_22 : memref<1x128x32xf32, #tpu.memory_space<vmem>> -> memref<128x32xf32, #tpu.memory_space<vmem>>
    %dma_start3A_24 = arith.constant 128 : i32
    %dma_start3A_25 = tpu.memref_slice %arg5[%dma_start3A_18, %dma_start3A_24] : memref<2x1280xi32, #tpu.memory_space<vmem>> -> memref<1x128xi32, #tpu.memory_space<vmem>>
    %dma_start3A_26 = tpu.memref_squeeze %dma_start3A_25 : memref<1x128xi32, #tpu.memory_space<vmem>> -> memref<128xi32, #tpu.memory_space<vmem>>
    %dma_start3A_27 = arith.constant 0 : i32
    %dma_start3A_28 = arith.constant 0 : i32
    %dma_start3A_29 = tpu.memref_slice %arg3[%dma_start3A_27, %dma_start3A_28] : memref<1000000x32xf32, #tpu.memory_space<hbm>> -> memref<1000000x32xf32, #tpu.memory_space<hbm>>
    tpu.enqueue_indirect_dma source(%dma_start3A_29 : memref<1000000x32xf32, #tpu.memory_space<hbm>>) target(%dma_start3A_23 : memref<128x32xf32, #tpu.memory_space<vmem>>) offsets(%dma_start3A_26 : memref<128xi32, #tpu.memory_space<vmem>>) semaphore(%arg8 : memref<!tpu.dma_semaphore, #tpu.memory_space<semaphore_mem>>)
    %dma_start3A_30 = arith.constant 0 : i32
    %dma_start3A_31 = arith.constant 0 : i32
    %dma_start3A_32 = arith.constant 256 : i32
    %dma_start3A_33 = arith.constant 0 : i32
    %dma_start3A_34 = tpu.memref_slice %arg6[%dma_start3A_31, %dma_start3A_32, %dma_start3A_33] : memref<2x1280x32xf32, #tpu.memory_space<vmem>> -> memref<1x128x32xf32, #tpu.memory_space<vmem>>
    %dma_start3A_35 = tpu.memref_squeeze %dma_start3A_34 : memref<1x128x32xf32, #tpu.memory_space<vmem>> -> memref<128x32xf32, #tpu.memory_space<vmem>>
    %dma_start3A_36 = arith.constant 256 : i32
    %dma_start3A_37 = tpu.memref_slice %arg5[%dma_start3A_30, %dma_start3A_36] : memref<2x1280xi32, #tpu.memory_space<vmem>> -> memref<1x128xi32, #tpu.memory_space<vmem>>
    %dma_start3A_38 = tpu.memref_squeeze %dma_start3A_37 : memref<1x128xi32, #tpu.memory_space<vmem>> -> memref<128xi32, #tpu.memory_space<vmem>>
    %dma_start3A_39 = arith.constant 0 : i32
    %dma_start3A_40 = arith.constant 0 : i32
    %dma_start3A_41 = tpu.memref_slice %arg3[%dma_start3A_39, %dma_start3A_40] : memref<1000000x32xf32, #tpu.memory_space<hbm>> -> memref<1000000x32xf32, #tpu.memory_space<hbm>>
    tpu.enqueue_indirect_dma source(%dma_start3A_41 : memref<1000000x32xf32, #tpu.memory_space<hbm>>) target(%dma_start3A_35 : memref<128x32xf32, #tpu.memory_space<vmem>>) offsets(%dma_start3A_38 : memref<128xi32, #tpu.memory_space<vmem>>) semaphore(%arg8 : memref<!tpu.dma_semaphore, #tpu.memory_space<semaphore_mem>>)
    %dma_start3A_42 = arith.constant 0 : i32
    %dma_start3A_43 = arith.constant 0 : i32
    %dma_start3A_44 = arith.constant 384 : i32
    %dma_start3A_45 = arith.constant 0 : i32
    %dma_start3A_46 = tpu.memref_slice %arg6[%dma_start3A_43, %dma_start3A_44, %dma_start3A_45] : memref<2x1280x32xf32, #tpu.memory_space<vmem>> -> memref<1x128x32xf32, #tpu.memory_space<vmem>>
    %dma_start3A_47 = tpu.memref_squeeze %dma_start3A_46 : memref<1x128x32xf32, #tpu.memory_space<vmem>> -> memref<128x32xf32, #tpu.memory_space<vmem>>
    %dma_start3A_48 = arith.constant 384 : i32
    %dma_start3A_49 = tpu.memref_slice %arg5[%dma_start3A_42, %dma_start3A_48] : memref<2x1280xi32, #tpu.memory_space<vmem>> -> memref<1x128xi32, #tpu.memory_space<vmem>>
    %dma_start3A_50 = tpu.memref_squeeze %dma_start3A_49 : memref<1x128xi32, #tpu.memory_space<vmem>> -> memref<128xi32, #tpu.memory_space<vmem>>
    %dma_start3A_51 = arith.constant 0 : i32
    %dma_start3A_52 = arith.constant 0 : i32
    %dma_start3A_53 = tpu.memref_slice %arg3[%dma_start3A_51, %dma_start3A_52] : memref<1000000x32xf32, #tpu.memory_space<hbm>> -> memref<1000000x32xf32, #tpu.memory_space<hbm>>
    tpu.enqueue_indirect_dma source(%dma_start3A_53 : memref<1000000x32xf32, #tpu.memory_space<hbm>>) target(%dma_start3A_47 : memref<128x32xf32, #tpu.memory_space<vmem>>) offsets(%dma_start3A_50 : memref<128xi32, #tpu.memory_space<vmem>>) semaphore(%arg8 : memref<!tpu.dma_semaphore, #tpu.memory_space<semaphore_mem>>)
    %dma_start3A_54 = arith.constant 0 : i32
    %dma_start3A_55 = arith.constant 0 : i32
    %dma_start3A_56 = arith.constant 512 : i32
    %dma_start3A_57 = arith.constant 0 : i32
    %dma_start3A_58 = tpu.memref_slice %arg6[%dma_start3A_55, %dma_start3A_56, %dma_start3A_57] : memref<2x1280x32xf32, #tpu.memory_space<vmem>> -> memref<1x128x32xf32, #tpu.memory_space<vmem>>
    %dma_start3A_59 = tpu.memref_squeeze %dma_start3A_58 : memref<1x128x32xf32, #tpu.memory_space<vmem>> -> memref<128x32xf32, #tpu.memory_space<vmem>>
    %dma_start3A_60 = arith.constant 512 : i32
    %dma_start3A_61 = tpu.memref_slice %arg5[%dma_start3A_54, %dma_start3A_60] : memref<2x1280xi32, #tpu.memory_space<vmem>> -> memref<1x128xi32, #tpu.memory_space<vmem>>
    %dma_start3A_62 = tpu.memref_squeeze %dma_start3A_61 : memref<1x128xi32, #tpu.memory_space<vmem>> -> memref<128xi32, #tpu.memory_space<vmem>>
    %dma_start3A_63 = arith.constant 0 : i32
    %dma_start3A_64 = arith.constant 0 : i32
    %dma_start3A_65 = tpu.memref_slice %arg3[%dma_start3A_63, %dma_start3A_64] : memref<1000000x32xf32, #tpu.memory_space<hbm>> -> memref<1000000x32xf32, #tpu.memory_space<hbm>>
    tpu.enqueue_indirect_dma source(%dma_start3A_65 : memref<1000000x32xf32, #tpu.memory_space<hbm>>) target(%dma_start3A_59 : memref<128x32xf32, #tpu.memory_space<vmem>>) offsets(%dma_start3A_62 : memref<128xi32, #tpu.memory_space<vmem>>) semaphore(%arg8 : memref<!tpu.dma_semaphore, #tpu.memory_space<semaphore_mem>>)
    %dma_start3A_66 = arith.constant 0 : i32
    %dma_start3A_67 = arith.constant 0 : i32
    %dma_start3A_68 = arith.constant 640 : i32
    %dma_start3A_69 = arith.constant 0 : i32
    %dma_start3A_70 = tpu.memref_slice %arg6[%dma_start3A_67, %dma_start3A_68, %dma_start3A_69] : memref<2x1280x32xf32, #tpu.memory_space<vmem>> -> memref<1x128x32xf32, #tpu.memory_space<vmem>>
    %dma_start3A_71 = tpu.memref_squeeze %dma_start3A_70 : memref<1x128x32xf32, #tpu.memory_space<vmem>> -> memref<128x32xf32, #tpu.memory_space<vmem>>
    %dma_start3A_72 = arith.constant 640 : i32
    %dma_start3A_73 = tpu.memref_slice %arg5[%dma_start3A_66, %dma_start3A_72] : memref<2x1280xi32, #tpu.memory_space<vmem>> -> memref<1x128xi32, #tpu.memory_space<vmem>>
    %dma_start3A_74 = tpu.memref_squeeze %dma_start3A_73 : memref<1x128xi32, #tpu.memory_space<vmem>> -> memref<128xi32, #tpu.memory_space<vmem>>
    %dma_start3A_75 = arith.constant 0 : i32
    %dma_start3A_76 = arith.constant 0 : i32
    %dma_start3A_77 = tpu.memref_slice %arg3[%dma_start3A_75, %dma_start3A_76] : memref<1000000x32xf32, #tpu.memory_space<hbm>> -> memref<1000000x32xf32, #tpu.memory_space<hbm>>
    tpu.enqueue_indirect_dma source(%dma_start3A_77 : memref<1000000x32xf32, #tpu.memory_space<hbm>>) target(%dma_start3A_71 : memref<128x32xf32, #tpu.memory_space<vmem>>) offsets(%dma_start3A_74 : memref<128xi32, #tpu.memory_space<vmem>>) semaphore(%arg8 : memref<!tpu.dma_semaphore, #tpu.memory_space<semaphore_mem>>)
    %dma_start3A_78 = arith.constant 0 : i32
    %dma_start3A_79 = arith.constant 0 : i32
    %dma_start3A_80 = arith.constant 768 : i32
    %dma_start3A_81 = arith.constant 0 : i32
    %dma_start3A_82 = tpu.memref_slice %arg6[%dma_start3A_79, %dma_start3A_80, %dma_start3A_81] : memref<2x1280x32xf32, #tpu.memory_space<vmem>> -> memref<1x128x32xf32, #tpu.memory_space<vmem>>
    %dma_start3A_83 = tpu.memref_squeeze %dma_start3A_82 : memref<1x128x32xf32, #tpu.memory_space<vmem>> -> memref<128x32xf32, #tpu.memory_space<vmem>>
    %dma_start3A_84 = arith.constant 768 : i32
    %dma_start3A_85 = tpu.memref_slice %arg5[%dma_start3A_78, %dma_start3A_84] : memref<2x1280xi32, #tpu.memory_space<vmem>> -> memref<1x128xi32, #tpu.memory_space<vmem>>
    %dma_start3A_86 = tpu.memref_squeeze %dma_start3A_85 : memref<1x128xi32, #tpu.memory_space<vmem>> -> memref<128xi32, #tpu.memory_space<vmem>>
    %dma_start3A_87 = arith.constant 0 : i32
    %dma_start3A_88 = arith.constant 0 : i32
    %dma_start3A_89 = tpu.memref_slice %arg3[%dma_start3A_87, %dma_start3A_88] : memref<1000000x32xf32, #tpu.memory_space<hbm>> -> memref<1000000x32xf32, #tpu.memory_space<hbm>>
    tpu.enqueue_indirect_dma source(%dma_start3A_89 : memref<1000000x32xf32, #tpu.memory_space<hbm>>) target(%dma_start3A_83 : memref<128x32xf32, #tpu.memory_space<vmem>>) offsets(%dma_start3A_86 : memref<128xi32, #tpu.memory_space<vmem>>) semaphore(%arg8 : memref<!tpu.dma_semaphore, #tpu.memory_space<semaphore_mem>>)
    %dma_start3A_90 = arith.constant 0 : i32
    %dma_start3A_91 = arith.constant 0 : i32
    %dma_start3A_92 = arith.constant 896 : i32
    %dma_start3A_93 = arith.constant 0 : i32
    %dma_start3A_94 = tpu.memref_slice %arg6[%dma_start3A_91, %dma_start3A_92, %dma_start3A_93] : memref<2x1280x32xf32, #tpu.memory_space<vmem>> -> memref<1x128x32xf32, #tpu.memory_space<vmem>>
    %dma_start3A_95 = tpu.memref_squeeze %dma_start3A_94 : memref<1x128x32xf32, #tpu.memory_space<vmem>> -> memref<128x32xf32, #tpu.memory_space<vmem>>
    %dma_start3A_96 = arith.constant 896 : i32
    %dma_start3A_97 = tpu.memref_slice %arg5[%dma_start3A_90, %dma_start3A_96] : memref<2x1280xi32, #tpu.memory_space<vmem>> -> memref<1x128xi32, #tpu.memory_space<vmem>>
    %dma_start3A_98 = tpu.memref_squeeze %dma_start3A_97 : memref<1x128xi32, #tpu.memory_space<vmem>> -> memref<128xi32, #tpu.memory_space<vmem>>
    %dma_start3A_99 = arith.constant 0 : i32
    %dma_start3A_100 = arith.constant 0 : i32
    %dma_start3A_101 = tpu.memref_slice %arg3[%dma_start3A_99, %dma_start3A_100] : memref<1000000x32xf32, #tpu.memory_space<hbm>> -> memref<1000000x32xf32, #tpu.memory_space<hbm>>
    tpu.enqueue_indirect_dma source(%dma_start3A_101 : memref<1000000x32xf32, #tpu.memory_space<hbm>>) target(%dma_start3A_95 : memref<128x32xf32, #tpu.memory_space<vmem>>) offsets(%dma_start3A_98 : memref<128xi32, #tpu.memory_space<vmem>>) semaphore(%arg8 : memref<!tpu.dma_semaphore, #tpu.memory_space<semaphore_mem>>)
    %dma_start3A_102 = arith.constant 0 : i32
    %dma_start3A_103 = arith.constant 0 : i32
    %dma_start3A_104 = arith.constant 1024 : i32
    %dma_start3A_105 = arith.constant 0 : i32
    %dma_start3A_106 = tpu.memref_slice %arg6[%dma_start3A_103, %dma_start3A_104, %dma_start3A_105] : memref<2x1280x32xf32, #tpu.memory_space<vmem>> -> memref<1x128x32xf32, #tpu.memory_space<vmem>>
    %dma_start3A_107 = tpu.memref_squeeze %dma_start3A_106 : memref<1x128x32xf32, #tpu.memory_space<vmem>> -> memref<128x32xf32, #tpu.memory_space<vmem>>
    %dma_start3A_108 = arith.constant 1024 : i32
    %dma_start3A_109 = tpu.memref_slice %arg5[%dma_start3A_102, %dma_start3A_108] : memref<2x1280xi32, #tpu.memory_space<vmem>> -> memref<1x128xi32, #tpu.memory_space<vmem>>
    %dma_start3A_110 = tpu.memref_squeeze %dma_start3A_109 : memref<1x128xi32, #tpu.memory_space<vmem>> -> memref<128xi32, #tpu.memory_space<vmem>>
    %dma_start3A_111 = arith.constant 0 : i32
    %dma_start3A_112 = arith.constant 0 : i32
    %dma_start3A_113 = tpu.memref_slice %arg3[%dma_start3A_111, %dma_start3A_112] : memref<1000000x32xf32, #tpu.memory_space<hbm>> -> memref<1000000x32xf32, #tpu.memory_space<hbm>>
    tpu.enqueue_indirect_dma source(%dma_start3A_113 : memref<1000000x32xf32, #tpu.memory_space<hbm>>) target(%dma_start3A_107 : memref<128x32xf32, #tpu.memory_space<vmem>>) offsets(%dma_start3A_110 : memref<128xi32, #tpu.memory_space<vmem>>) semaphore(%arg8 : memref<!tpu.dma_semaphore, #tpu.memory_space<semaphore_mem>>)
    %dma_start3A_114 = arith.constant 0 : i32
    %dma_start3A_115 = arith.constant 0 : i32
    %dma_start3A_116 = arith.constant 1152 : i32
    %dma_start3A_117 = arith.constant 0 : i32
    %dma_start3A_118 = tpu.memref_slice %arg6[%dma_start3A_115, %dma_start3A_116, %dma_start3A_117] : memref<2x1280x32xf32, #tpu.memory_space<vmem>> -> memref<1x128x32xf32, #tpu.memory_space<vmem>>
    %dma_start3A_119 = tpu.memref_squeeze %dma_start3A_118 : memref<1x128x32xf32, #tpu.memory_space<vmem>> -> memref<128x32xf32, #tpu.memory_space<vmem>>
    %dma_start3A_120 = arith.constant 1152 : i32
    %dma_start3A_121 = tpu.memref_slice %arg5[%dma_start3A_114, %dma_start3A_120] : memref<2x1280xi32, #tpu.memory_space<vmem>> -> memref<1x128xi32, #tpu.memory_space<vmem>>
    %dma_start3A_122 = tpu.memref_squeeze %dma_start3A_121 : memref<1x128xi32, #tpu.memory_space<vmem>> -> memref<128xi32, #tpu.memory_space<vmem>>
    %dma_start3A_123 = arith.constant 0 : i32
    %dma_start3A_124 = arith.constant 0 : i32
    %dma_start3A_125 = tpu.memref_slice %arg3[%dma_start3A_123, %dma_start3A_124] : memref<1000000x32xf32, #tpu.memory_space<hbm>> -> memref<1000000x32xf32, #tpu.memory_space<hbm>>
    tpu.enqueue_indirect_dma source(%dma_start3A_125 : memref<1000000x32xf32, #tpu.memory_space<hbm>>) target(%dma_start3A_119 : memref<128x32xf32, #tpu.memory_space<vmem>>) offsets(%dma_start3A_122 : memref<128xi32, #tpu.memory_space<vmem>>) semaphore(%arg8 : memref<!tpu.dma_semaphore, #tpu.memory_space<semaphore_mem>>)
    %add3A_126 = arith.constant 1280 : i32
    %add3A_127 = arith.addi %mul3A_2, %add3A_126 : i32
    %run_scoped3A_128 = arith.constant 1 : i32
    "tpu.region"() ({
      %run_scoped3A_254 = tpu.sem_alloc : memref<!tpu.dma_semaphore, #tpu.memory_space<semaphore_mem>>
      %dma_start3A_255 = arith.constant 0 : i32
      %dma_start3A_256 = tpu.memref_slice %arg5[%run_scoped3A_128, %dma_start3A_255] : memref<2x1280xi32, #tpu.memory_space<vmem>> -> memref<1x1280xi32, #tpu.memory_space<vmem>>
      %dma_start3A_257 = tpu.memref_squeeze %dma_start3A_256 : memref<1x1280xi32, #tpu.memory_space<vmem>> -> memref<1280xi32, #tpu.memory_space<vmem>>
      %dma_start3A_258 = tpu.memref_slice %arg2[%add3A_127] : memref<2129920xi32, #tpu.memory_space<hbm>> -> memref<1280xi32, #tpu.memory_space<hbm>>
      %dma_start3A_259 = arith.constant 0 : i32
      %dma_start3A_260 = tpu.memref_slice %arg5[%run_scoped3A_128, %dma_start3A_259] : memref<2x1280xi32, #tpu.memory_space<vmem>> -> memref<1x1280xi32, #tpu.memory_space<vmem>>
      %dma_start3A_261 = tpu.memref_squeeze %dma_start3A_260 : memref<1x1280xi32, #tpu.memory_space<vmem>> -> memref<1280xi32, #tpu.memory_space<vmem>>
      %dma_start3A_262 = tpu.memref_slice %arg2[%add3A_127] : memref<2129920xi32, #tpu.memory_space<hbm>> -> memref<1280xi32, #tpu.memory_space<hbm>>
      tpu.enqueue_dma source(%dma_start3A_262 : memref<1280xi32, #tpu.memory_space<hbm>>) target(%dma_start3A_261 : memref<1280xi32, #tpu.memory_space<vmem>>) target_semaphore(%run_scoped3A_254 : memref<!tpu.dma_semaphore, #tpu.memory_space<semaphore_mem>>)
      %dma_wait3A = arith.constant 0 : i32
      %dma_wait3A_263 = tpu.memref_slice %arg5[%run_scoped3A_128, %dma_wait3A] : memref<2x1280xi32, #tpu.memory_space<vmem>> -> memref<1x1280xi32, #tpu.memory_space<vmem>>
      %dma_wait3A_264 = tpu.memref_squeeze %dma_wait3A_263 : memref<1x1280xi32, #tpu.memory_space<vmem>> -> memref<1280xi32, #tpu.memory_space<vmem>>
      %dma_wait3A_265 = tpu.memref_slice %arg2[%add3A_127] : memref<2129920xi32, #tpu.memory_space<hbm>> -> memref<1280xi32, #tpu.memory_space<hbm>>
      %dma_wait3A_266 = arith.constant 0 : i32
      %dma_wait3A_267 = tpu.memref_slice %arg5[%run_scoped3A_128, %dma_wait3A_266] : memref<2x1280xi32, #tpu.memory_space<vmem>> -> memref<1x1280xi32, #tpu.memory_space<vmem>>
      %dma_wait3A_268 = tpu.memref_squeeze %dma_wait3A_267 : memref<1x1280xi32, #tpu.memory_space<vmem>> -> memref<1280xi32, #tpu.memory_space<vmem>>
      %dma_wait3A_269 = tpu.memref_slice %arg2[%add3A_127] : memref<2129920xi32, #tpu.memory_space<hbm>> -> memref<1280xi32, #tpu.memory_space<hbm>>
      tpu.wait_dma2 semaphore(%run_scoped3A_254 : memref<!tpu.dma_semaphore, #tpu.memory_space<semaphore_mem>>) src(%dma_wait3A_269 : memref<1280xi32, #tpu.memory_space<hbm>>) dst(%dma_wait3A_268 : memref<1280xi32, #tpu.memory_space<vmem>>)
      tpu.yield
    }) : () -> ()
    %dma_start3A_129 = arith.constant 1 : i32
    %dma_start3A_130 = arith.constant 1 : i32
    %dma_start3A_131 = arith.constant 0 : i32
    %dma_start3A_132 = arith.constant 0 : i32
    %dma_start3A_133 = tpu.memref_slice %arg6[%dma_start3A_130, %dma_start3A_131, %dma_start3A_132] : memref<2x1280x32xf32, #tpu.memory_space<vmem>> -> memref<1x128x32xf32, #tpu.memory_space<vmem>>
    %dma_start3A_134 = tpu.memref_squeeze %dma_start3A_133 : memref<1x128x32xf32, #tpu.memory_space<vmem>> -> memref<128x32xf32, #tpu.memory_space<vmem>>
    %dma_start3A_135 = arith.constant 0 : i32
    %dma_start3A_136 = tpu.memref_slice %arg5[%dma_start3A_129, %dma_start3A_135] : memref<2x1280xi32, #tpu.memory_space<vmem>> -> memref<1x128xi32, #tpu.memory_space<vmem>>
    %dma_start3A_137 = tpu.memref_squeeze %dma_start3A_136 : memref<1x128xi32, #tpu.memory_space<vmem>> -> memref<128xi32, #tpu.memory_space<vmem>>
    %dma_start3A_138 = arith.constant 0 : i32
    %dma_start3A_139 = arith.constant 0 : i32
    %dma_start3A_140 = tpu.memref_slice %arg3[%dma_start3A_138, %dma_start3A_139] : memref<1000000x32xf32, #tpu.memory_space<hbm>> -> memref<1000000x32xf32, #tpu.memory_space<hbm>>
    tpu.enqueue_indirect_dma source(%dma_start3A_140 : memref<1000000x32xf32, #tpu.memory_space<hbm>>) target(%dma_start3A_134 : memref<128x32xf32, #tpu.memory_space<vmem>>) offsets(%dma_start3A_137 : memref<128xi32, #tpu.memory_space<vmem>>) semaphore(%arg9 : memref<!tpu.dma_semaphore, #tpu.memory_space<semaphore_mem>>)
    %dma_start3A_141 = arith.constant 1 : i32
    %dma_start3A_142 = arith.constant 1 : i32
    %dma_start3A_143 = arith.constant 128 : i32
    %dma_start3A_144 = arith.constant 0 : i32
    %dma_start3A_145 = tpu.memref_slice %arg6[%dma_start3A_142, %dma_start3A_143, %dma_start3A_144] : memref<2x1280x32xf32, #tpu.memory_space<vmem>> -> memref<1x128x32xf32, #tpu.memory_space<vmem>>
    %dma_start3A_146 = tpu.memref_squeeze %dma_start3A_145 : memref<1x128x32xf32, #tpu.memory_space<vmem>> -> memref<128x32xf32, #tpu.memory_space<vmem>>
    %dma_start3A_147 = arith.constant 128 : i32
    %dma_start3A_148 = tpu.memref_slice %arg5[%dma_start3A_141, %dma_start3A_147] : memref<2x1280xi32, #tpu.memory_space<vmem>> -> memref<1x128xi32, #tpu.memory_space<vmem>>
    %dma_start3A_149 = tpu.memref_squeeze %dma_start3A_148 : memref<1x128xi32, #tpu.memory_space<vmem>> -> memref<128xi32, #tpu.memory_space<vmem>>
    %dma_start3A_150 = arith.constant 0 : i32
    %dma_start3A_151 = arith.constant 0 : i32
    %dma_start3A_152 = tpu.memref_slice %arg3[%dma_start3A_150, %dma_start3A_151] : memref<1000000x32xf32, #tpu.memory_space<hbm>> -> memref<1000000x32xf32, #tpu.memory_space<hbm>>
    tpu.enqueue_indirect_dma source(%dma_start3A_152 : memref<1000000x32xf32, #tpu.memory_space<hbm>>) target(%dma_start3A_146 : memref<128x32xf32, #tpu.memory_space<vmem>>) offsets(%dma_start3A_149 : memref<128xi32, #tpu.memory_space<vmem>>) semaphore(%arg9 : memref<!tpu.dma_semaphore, #tpu.memory_space<semaphore_mem>>)
    %dma_start3A_153 = arith.constant 1 : i32
    %dma_start3A_154 = arith.constant 1 : i32
    %dma_start3A_155 = arith.constant 256 : i32
    %dma_start3A_156 = arith.constant 0 : i32
    %dma_start3A_157 = tpu.memref_slice %arg6[%dma_start3A_154, %dma_start3A_155, %dma_start3A_156] : memref<2x1280x32xf32, #tpu.memory_space<vmem>> -> memref<1x128x32xf32, #tpu.memory_space<vmem>>
    %dma_start3A_158 = tpu.memref_squeeze %dma_start3A_157 : memref<1x128x32xf32, #tpu.memory_space<vmem>> -> memref<128x32xf32, #tpu.memory_space<vmem>>
    %dma_start3A_159 = arith.constant 256 : i32
    %dma_start3A_160 = tpu.memref_slice %arg5[%dma_start3A_153, %dma_start3A_159] : memref<2x1280xi32, #tpu.memory_space<vmem>> -> memref<1x128xi32, #tpu.memory_space<vmem>>
    %dma_start3A_161 = tpu.memref_squeeze %dma_start3A_160 : memref<1x128xi32, #tpu.memory_space<vmem>> -> memref<128xi32, #tpu.memory_space<vmem>>
    %dma_start3A_162 = arith.constant 0 : i32
    %dma_start3A_163 = arith.constant 0 : i32
    %dma_start3A_164 = tpu.memref_slice %arg3[%dma_start3A_162, %dma_start3A_163] : memref<1000000x32xf32, #tpu.memory_space<hbm>> -> memref<1000000x32xf32, #tpu.memory_space<hbm>>
    tpu.enqueue_indirect_dma source(%dma_start3A_164 : memref<1000000x32xf32, #tpu.memory_space<hbm>>) target(%dma_start3A_158 : memref<128x32xf32, #tpu.memory_space<vmem>>) offsets(%dma_start3A_161 : memref<128xi32, #tpu.memory_space<vmem>>) semaphore(%arg9 : memref<!tpu.dma_semaphore, #tpu.memory_space<semaphore_mem>>)
    %dma_start3A_165 = arith.constant 1 : i32
    %dma_start3A_166 = arith.constant 1 : i32
    %dma_start3A_167 = arith.constant 384 : i32
    %dma_start3A_168 = arith.constant 0 : i32
    %dma_start3A_169 = tpu.memref_slice %arg6[%dma_start3A_166, %dma_start3A_167, %dma_start3A_168] : memref<2x1280x32xf32, #tpu.memory_space<vmem>> -> memref<1x128x32xf32, #tpu.memory_space<vmem>>
    %dma_start3A_170 = tpu.memref_squeeze %dma_start3A_169 : memref<1x128x32xf32, #tpu.memory_space<vmem>> -> memref<128x32xf32, #tpu.memory_space<vmem>>
    %dma_start3A_171 = arith.constant 384 : i32
    %dma_start3A_172 = tpu.memref_slice %arg5[%dma_start3A_165, %dma_start3A_171] : memref<2x1280xi32, #tpu.memory_space<vmem>> -> memref<1x128xi32, #tpu.memory_space<vmem>>
    %dma_start3A_173 = tpu.memref_squeeze %dma_start3A_172 : memref<1x128xi32, #tpu.memory_space<vmem>> -> memref<128xi32, #tpu.memory_space<vmem>>
    %dma_start3A_174 = arith.constant 0 : i32
    %dma_start3A_175 = arith.constant 0 : i32
    %dma_start3A_176 = tpu.memref_slice %arg3[%dma_start3A_174, %dma_start3A_175] : memref<1000000x32xf32, #tpu.memory_space<hbm>> -> memref<1000000x32xf32, #tpu.memory_space<hbm>>
    tpu.enqueue_indirect_dma source(%dma_start3A_176 : memref<1000000x32xf32, #tpu.memory_space<hbm>>) target(%dma_start3A_170 : memref<128x32xf32, #tpu.memory_space<vmem>>) offsets(%dma_start3A_173 : memref<128xi32, #tpu.memory_space<vmem>>) semaphore(%arg9 : memref<!tpu.dma_semaphore, #tpu.memory_space<semaphore_mem>>)
    %dma_start3A_177 = arith.constant 1 : i32
    %dma_start3A_178 = arith.constant 1 : i32
    %dma_start3A_179 = arith.constant 512 : i32
    %dma_start3A_180 = arith.constant 0 : i32
    %dma_start3A_181 = tpu.memref_slice %arg6[%dma_start3A_178, %dma_start3A_179, %dma_start3A_180] : memref<2x1280x32xf32, #tpu.memory_space<vmem>> -> memref<1x128x32xf32, #tpu.memory_space<vmem>>
    %dma_start3A_182 = tpu.memref_squeeze %dma_start3A_181 : memref<1x128x32xf32, #tpu.memory_space<vmem>> -> memref<128x32xf32, #tpu.memory_space<vmem>>
    %dma_start3A_183 = arith.constant 512 : i32
    %dma_start3A_184 = tpu.memref_slice %arg5[%dma_start3A_177, %dma_start3A_183] : memref<2x1280xi32, #tpu.memory_space<vmem>> -> memref<1x128xi32, #tpu.memory_space<vmem>>
    %dma_start3A_185 = tpu.memref_squeeze %dma_start3A_184 : memref<1x128xi32, #tpu.memory_space<vmem>> -> memref<128xi32, #tpu.memory_space<vmem>>
    %dma_start3A_186 = arith.constant 0 : i32
    %dma_start3A_187 = arith.constant 0 : i32
    %dma_start3A_188 = tpu.memref_slice %arg3[%dma_start3A_186, %dma_start3A_187] : memref<1000000x32xf32, #tpu.memory_space<hbm>> -> memref<1000000x32xf32, #tpu.memory_space<hbm>>
    tpu.enqueue_indirect_dma source(%dma_start3A_188 : memref<1000000x32xf32, #tpu.memory_space<hbm>>) target(%dma_start3A_182 : memref<128x32xf32, #tpu.memory_space<vmem>>) offsets(%dma_start3A_185 : memref<128xi32, #tpu.memory_space<vmem>>) semaphore(%arg9 : memref<!tpu.dma_semaphore, #tpu.memory_space<semaphore_mem>>)
    %dma_start3A_189 = arith.constant 1 : i32
    %dma_start3A_190 = arith.constant 1 : i32
    %dma_start3A_191 = arith.constant 640 : i32
    %dma_start3A_192 = arith.constant 0 : i32
    %dma_start3A_193 = tpu.memref_slice %arg6[%dma_start3A_190, %dma_start3A_191, %dma_start3A_192] : memref<2x1280x32xf32, #tpu.memory_space<vmem>> -> memref<1x128x32xf32, #tpu.memory_space<vmem>>
    %dma_start3A_194 = tpu.memref_squeeze %dma_start3A_193 : memref<1x128x32xf32, #tpu.memory_space<vmem>> -> memref<128x32xf32, #tpu.memory_space<vmem>>
    %dma_start3A_195 = arith.constant 640 : i32
    %dma_start3A_196 = tpu.memref_slice %arg5[%dma_start3A_189, %dma_start3A_195] : memref<2x1280xi32, #tpu.memory_space<vmem>> -> memref<1x128xi32, #tpu.memory_space<vmem>>
    %dma_start3A_197 = tpu.memref_squeeze %dma_start3A_196 : memref<1x128xi32, #tpu.memory_space<vmem>> -> memref<128xi32, #tpu.memory_space<vmem>>
    %dma_start3A_198 = arith.constant 0 : i32
    %dma_start3A_199 = arith.constant 0 : i32
    %dma_start3A_200 = tpu.memref_slice %arg3[%dma_start3A_198, %dma_start3A_199] : memref<1000000x32xf32, #tpu.memory_space<hbm>> -> memref<1000000x32xf32, #tpu.memory_space<hbm>>
    tpu.enqueue_indirect_dma source(%dma_start3A_200 : memref<1000000x32xf32, #tpu.memory_space<hbm>>) target(%dma_start3A_194 : memref<128x32xf32, #tpu.memory_space<vmem>>) offsets(%dma_start3A_197 : memref<128xi32, #tpu.memory_space<vmem>>) semaphore(%arg9 : memref<!tpu.dma_semaphore, #tpu.memory_space<semaphore_mem>>)
    %dma_start3A_201 = arith.constant 1 : i32
    %dma_start3A_202 = arith.constant 1 : i32
    %dma_start3A_203 = arith.constant 768 : i32
    %dma_start3A_204 = arith.constant 0 : i32
    %dma_start3A_205 = tpu.memref_slice %arg6[%dma_start3A_202, %dma_start3A_203, %dma_start3A_204] : memref<2x1280x32xf32, #tpu.memory_space<vmem>> -> memref<1x128x32xf32, #tpu.memory_space<vmem>>
    %dma_start3A_206 = tpu.memref_squeeze %dma_start3A_205 : memref<1x128x32xf32, #tpu.memory_space<vmem>> -> memref<128x32xf32, #tpu.memory_space<vmem>>
    %dma_start3A_207 = arith.constant 768 : i32
    %dma_start3A_208 = tpu.memref_slice %arg5[%dma_start3A_201, %dma_start3A_207] : memref<2x1280xi32, #tpu.memory_space<vmem>> -> memref<1x128xi32, #tpu.memory_space<vmem>>
    %dma_start3A_209 = tpu.memref_squeeze %dma_start3A_208 : memref<1x128xi32, #tpu.memory_space<vmem>> -> memref<128xi32, #tpu.memory_space<vmem>>
    %dma_start3A_210 = arith.constant 0 : i32
    %dma_start3A_211 = arith.constant 0 : i32
    %dma_start3A_212 = tpu.memref_slice %arg3[%dma_start3A_210, %dma_start3A_211] : memref<1000000x32xf32, #tpu.memory_space<hbm>> -> memref<1000000x32xf32, #tpu.memory_space<hbm>>
    tpu.enqueue_indirect_dma source(%dma_start3A_212 : memref<1000000x32xf32, #tpu.memory_space<hbm>>) target(%dma_start3A_206 : memref<128x32xf32, #tpu.memory_space<vmem>>) offsets(%dma_start3A_209 : memref<128xi32, #tpu.memory_space<vmem>>) semaphore(%arg9 : memref<!tpu.dma_semaphore, #tpu.memory_space<semaphore_mem>>)
    %dma_start3A_213 = arith.constant 1 : i32
    %dma_start3A_214 = arith.constant 1 : i32
    %dma_start3A_215 = arith.constant 896 : i32
    %dma_start3A_216 = arith.constant 0 : i32
    %dma_start3A_217 = tpu.memref_slice %arg6[%dma_start3A_214, %dma_start3A_215, %dma_start3A_216] : memref<2x1280x32xf32, #tpu.memory_space<vmem>> -> memref<1x128x32xf32, #tpu.memory_space<vmem>>
    %dma_start3A_218 = tpu.memref_squeeze %dma_start3A_217 : memref<1x128x32xf32, #tpu.memory_space<vmem>> -> memref<128x32xf32, #tpu.memory_space<vmem>>
    %dma_start3A_219 = arith.constant 896 : i32
    %dma_start3A_220 = tpu.memref_slice %arg5[%dma_start3A_213, %dma_start3A_219] : memref<2x1280xi32, #tpu.memory_space<vmem>> -> memref<1x128xi32, #tpu.memory_space<vmem>>
    %dma_start3A_221 = tpu.memref_squeeze %dma_start3A_220 : memref<1x128xi32, #tpu.memory_space<vmem>> -> memref<128xi32, #tpu.memory_space<vmem>>
    %dma_start3A_222 = arith.constant 0 : i32
    %dma_start3A_223 = arith.constant 0 : i32
    %dma_start3A_224 = tpu.memref_slice %arg3[%dma_start3A_222, %dma_start3A_223] : memref<1000000x32xf32, #tpu.memory_space<hbm>> -> memref<1000000x32xf32, #tpu.memory_space<hbm>>
    tpu.enqueue_indirect_dma source(%dma_start3A_224 : memref<1000000x32xf32, #tpu.memory_space<hbm>>) target(%dma_start3A_218 : memref<128x32xf32, #tpu.memory_space<vmem>>) offsets(%dma_start3A_221 : memref<128xi32, #tpu.memory_space<vmem>>) semaphore(%arg9 : memref<!tpu.dma_semaphore, #tpu.memory_space<semaphore_mem>>)
    %dma_start3A_225 = arith.constant 1 : i32
    %dma_start3A_226 = arith.constant 1 : i32
    %dma_start3A_227 = arith.constant 1024 : i32
    %dma_start3A_228 = arith.constant 0 : i32
    %dma_start3A_229 = tpu.memref_slice %arg6[%dma_start3A_226, %dma_start3A_227, %dma_start3A_228] : memref<2x1280x32xf32, #tpu.memory_space<vmem>> -> memref<1x128x32xf32, #tpu.memory_space<vmem>>
    %dma_start3A_230 = tpu.memref_squeeze %dma_start3A_229 : memref<1x128x32xf32, #tpu.memory_space<vmem>> -> memref<128x32xf32, #tpu.memory_space<vmem>>
    %dma_start3A_231 = arith.constant 1024 : i32
    %dma_start3A_232 = tpu.memref_slice %arg5[%dma_start3A_225, %dma_start3A_231] : memref<2x1280xi32, #tpu.memory_space<vmem>> -> memref<1x128xi32, #tpu.memory_space<vmem>>
    %dma_start3A_233 = tpu.memref_squeeze %dma_start3A_232 : memref<1x128xi32, #tpu.memory_space<vmem>> -> memref<128xi32, #tpu.memory_space<vmem>>
    %dma_start3A_234 = arith.constant 0 : i32
    %dma_start3A_235 = arith.constant 0 : i32
    %dma_start3A_236 = tpu.memref_slice %arg3[%dma_start3A_234, %dma_start3A_235] : memref<1000000x32xf32, #tpu.memory_space<hbm>> -> memref<1000000x32xf32, #tpu.memory_space<hbm>>
    tpu.enqueue_indirect_dma source(%dma_start3A_236 : memref<1000000x32xf32, #tpu.memory_space<hbm>>) target(%dma_start3A_230 : memref<128x32xf32, #tpu.memory_space<vmem>>) offsets(%dma_start3A_233 : memref<128xi32, #tpu.memory_space<vmem>>) semaphore(%arg9 : memref<!tpu.dma_semaphore, #tpu.memory_space<semaphore_mem>>)
    %dma_start3A_237 = arith.constant 1 : i32
    %dma_start3A_238 = arith.constant 1 : i32
    %dma_start3A_239 = arith.constant 1152 : i32
    %dma_start3A_240 = arith.constant 0 : i32
    %dma_start3A_241 = tpu.memref_slice %arg6[%dma_start3A_238, %dma_start3A_239, %dma_start3A_240] : memref<2x1280x32xf32, #tpu.memory_space<vmem>> -> memref<1x128x32xf32, #tpu.memory_space<vmem>>
    %dma_start3A_242 = tpu.memref_squeeze %dma_start3A_241 : memref<1x128x32xf32, #tpu.memory_space<vmem>> -> memref<128x32xf32, #tpu.memory_space<vmem>>
    %dma_start3A_243 = arith.constant 1152 : i32
    %dma_start3A_244 = tpu.memref_slice %arg5[%dma_start3A_237, %dma_start3A_243] : memref<2x1280xi32, #tpu.memory_space<vmem>> -> memref<1x128xi32, #tpu.memory_space<vmem>>
    %dma_start3A_245 = tpu.memref_squeeze %dma_start3A_244 : memref<1x128xi32, #tpu.memory_space<vmem>> -> memref<128xi32, #tpu.memory_space<vmem>>
    %dma_start3A_246 = arith.constant 0 : i32
    %dma_start3A_247 = arith.constant 0 : i32
    %dma_start3A_248 = tpu.memref_slice %arg3[%dma_start3A_246, %dma_start3A_247] : memref<1000000x32xf32, #tpu.memory_space<hbm>> -> memref<1000000x32xf32, #tpu.memory_space<hbm>>
    tpu.enqueue_indirect_dma source(%dma_start3A_248 : memref<1000000x32xf32, #tpu.memory_space<hbm>>) target(%dma_start3A_242 : memref<128x32xf32, #tpu.memory_space<vmem>>) offsets(%dma_start3A_245 : memref<128xi32, #tpu.memory_space<vmem>>) semaphore(%arg9 : memref<!tpu.dma_semaphore, #tpu.memory_space<semaphore_mem>>)
    %scan3A = arith.constant 0 : i32
    %scan3A_249 = arith.constant 0 : i32
    %scan3A_250 = arith.constant 26 : i32
    %scan3A_251 = arith.addi %scan3A_249, %scan3A_250 : i32
    %scan3A_252 = arith.constant 1 : i32
    scf.for %scan3A_254 = %scan3A_249 to %scan3A_251 step %scan3A_252  : i32 {
      %mul3A_255 = arith.constant 2 : i32
      %mul3A_256 = arith.muli %mul3A_255, %scan3A_254 : i32
      %add3A_257 = arith.constant 0 : i32
      %add3A_258 = arith.addi %mul3A_256, %add3A_257 : i32
      %dma_wait3A = arith.constant 0 : i32
      %dma_wait3A_259 = arith.constant 0 : i32
      %dma_wait3A_260 = arith.constant 0 : i32
      %dma_wait3A_261 = tpu.memref_slice %arg6[%dma_wait3A, %dma_wait3A_259, %dma_wait3A_260] : memref<2x1280x32xf32, #tpu.memory_space<vmem>> -> memref<1x1280x32xf32, #tpu.memory_space<vmem>>
      %dma_wait3A_262 = tpu.memref_squeeze %dma_wait3A_261 : memref<1x1280x32xf32, #tpu.memory_space<vmem>> -> memref<1280x32xf32, #tpu.memory_space<vmem>>
      %dma_wait3A_263 = arith.constant 0 : i32
      %dma_wait3A_264 = arith.constant 0 : i32
      %dma_wait3A_265 = tpu.memref_slice %arg3[%dma_wait3A_263, %dma_wait3A_264] : memref<1000000x32xf32, #tpu.memory_space<hbm>> -> memref<1280x32xf32, #tpu.memory_space<hbm>>
      %dma_wait3A_266 = arith.constant 0 : i32
      %dma_wait3A_267 = arith.constant 0 : i32
      %dma_wait3A_268 = tpu.memref_slice %arg6[%dma_wait3A, %dma_wait3A_266, %dma_wait3A_267] : memref<2x1280x32xf32, #tpu.memory_space<vmem>> -> memref<1x1280x32xf32, #tpu.memory_space<vmem>>
      %dma_wait3A_269 = tpu.memref_squeeze %dma_wait3A_268 : memref<1x1280x32xf32, #tpu.memory_space<vmem>> -> memref<1280x32xf32, #tpu.memory_space<vmem>>
      %dma_wait3A_270 = arith.constant 0 : i32
      %dma_wait3A_271 = arith.constant 0 : i32
      %dma_wait3A_272 = tpu.memref_slice %arg3[%dma_wait3A_270, %dma_wait3A_271] : memref<1000000x32xf32, #tpu.memory_space<hbm>> -> memref<1280x32xf32, #tpu.memory_space<hbm>>
      tpu.wait_dma2 semaphore(%arg8 : memref<!tpu.dma_semaphore, #tpu.memory_space<semaphore_mem>>) src(%dma_wait3A_272 : memref<1280x32xf32, #tpu.memory_space<hbm>>) dst(%dma_wait3A_269 : memref<1280x32xf32, #tpu.memory_space<vmem>>)
      %scan3A_273 = arith.constant 0 : i32
      %scan3A_274 = arith.constant 0 : i32
      %scan3A_275 = arith.constant 64 : i32
      %scan3A_276 = arith.addi %scan3A_274, %scan3A_275 : i32
      %scan3A_277 = arith.constant 1 : i32
      scf.for %scan3A_323 = %scan3A_274 to %scan3A_276 step %scan3A_277  : i32 {
        %mul3A_324 = arith.constant 20 : i32
        %mul3A_325 = arith.muli %scan3A_323, %mul3A_324 : i32
        %get3A = arith.constant 0 : i32
        %get3A_326 = arith.index_cast %get3A : i32 to index
        %get3A_327 = arith.index_cast %mul3A_325 : i32 to index
        %get3A_328 = arith.constant 0 : index
        %get3A_329 = tpu.vector_load %arg6[%get3A_326, %get3A_327, %get3A_328] {strides = array<i32>} : memref<2x1280x32xf32, #tpu.memory_space<vmem>>, vector<1x1x16xf32>,
        %get3A_330 = vector.shape_cast %get3A_329 : vector<1x1x16xf32> to vector<16xf32>
        %get3A_331 = arith.constant 0 : i32
        %get3A_332 = arith.index_cast %get3A_331 : i32 to index
        %get3A_333 = arith.index_cast %mul3A_325 : i32 to index
        %get3A_334 = arith.constant 16 : index
        %get3A_335 = tpu.vector_load %arg6[%get3A_332, %get3A_333, %get3A_334] {strides = array<i32>} : memref<2x1280x32xf32, #tpu.memory_space<vmem>>, vector<1x1x16xf32>,
        %get3A_336 = vector.shape_cast %get3A_335 : vector<1x1x16xf32> to vector<16xf32>
        %add3A_337 = arith.constant 1 : i32
        %add3A_338 = arith.addi %mul3A_325, %add3A_337 : i32
        %get3A_339 = arith.constant 0 : i32
        %get3A_340 = arith.index_cast %get3A_339 : i32 to index
        %get3A_341 = arith.index_cast %add3A_338 : i32 to index
        %get3A_342 = arith.constant 0 : index
        %get3A_343 = tpu.vector_load %arg6[%get3A_340, %get3A_341, %get3A_342] {strides = array<i32>} : memref<2x1280x32xf32, #tpu.memory_space<vmem>>, vector<1x1x16xf32>,
        %get3A_344 = vector.shape_cast %get3A_343 : vector<1x1x16xf32> to vector<16xf32>
        %add3A_345 = arith.addf %get3A_330, %get3A_344 : vector<16xf32>
        %add3A_346 = arith.constant 1 : i32
        %add3A_347 = arith.addi %mul3A_325, %add3A_346 : i32
        %get3A_348 = arith.constant 0 : i32
        %get3A_349 = arith.index_cast %get3A_348 : i32 to index
        %get3A_350 = arith.index_cast %add3A_347 : i32 to index
        %get3A_351 = arith.constant 16 : index
        %get3A_352 = tpu.vector_load %arg6[%get3A_349, %get3A_350, %get3A_351] {strides = array<i32>} : memref<2x1280x32xf32, #tpu.memory_space<vmem>>, vector<1x1x16xf32>,
        %get3A_353 = vector.shape_cast %get3A_352 : vector<1x1x16xf32> to vector<16xf32>
        %add3A_354 = arith.addf %get3A_336, %get3A_353 : vector<16xf32>
        %add3A_355 = arith.constant 2 : i32
        %add3A_356 = arith.addi %mul3A_325, %add3A_355 : i32
        %get3A_357 = arith.constant 0 : i32
        %get3A_358 = arith.index_cast %get3A_357 : i32 to index
        %get3A_359 = arith.index_cast %add3A_356 : i32 to index
        %get3A_360 = arith.constant 0 : index
        %get3A_361 = tpu.vector_load %arg6[%get3A_358, %get3A_359, %get3A_360] {strides = array<i32>} : memref<2x1280x32xf32, #tpu.memory_space<vmem>>, vector<1x1x16xf32>,
        %get3A_362 = vector.shape_cast %get3A_361 : vector<1x1x16xf32> to vector<16xf32>
        %add3A_363 = arith.addf %add3A_345, %get3A_362 : vector<16xf32>
        %add3A_364 = arith.constant 2 : i32
        %add3A_365 = arith.addi %mul3A_325, %add3A_364 : i32
        %get3A_366 = arith.constant 0 : i32
        %get3A_367 = arith.index_cast %get3A_366 : i32 to index
        %get3A_368 = arith.index_cast %add3A_365 : i32 to index
        %get3A_369 = arith.constant 16 : index
        %get3A_370 = tpu.vector_load %arg6[%get3A_367, %get3A_368, %get3A_369] {strides = array<i32>} : memref<2x1280x32xf32, #tpu.memory_space<vmem>>, vector<1x1x16xf32>,
        %get3A_371 = vector.shape_cast %get3A_370 : vector<1x1x16xf32> to vector<16xf32>
        %add3A_372 = arith.addf %add3A_354, %get3A_371 : vector<16xf32>
        %add3A_373 = arith.constant 3 : i32
        %add3A_374 = arith.addi %mul3A_325, %add3A_373 : i32
        %get3A_375 = arith.constant 0 : i32
        %get3A_376 = arith.index_cast %get3A_375 : i32 to index
        %get3A_377 = arith.index_cast %add3A_374 : i32 to index
        %get3A_378 = arith.constant 0 : index
        %get3A_379 = tpu.vector_load %arg6[%get3A_376, %get3A_377, %get3A_378] {strides = array<i32>} : memref<2x1280x32xf32, #tpu.memory_space<vmem>>, vector<1x1x16xf32>,
        %get3A_380 = vector.shape_cast %get3A_379 : vector<1x1x16xf32> to vector<16xf32>
        %add3A_381 = arith.addf %add3A_363, %get3A_380 : vector<16xf32>
        %add3A_382 = arith.constant 3 : i32
        %add3A_383 = arith.addi %mul3A_325, %add3A_382 : i32
        %get3A_384 = arith.constant 0 : i32
        %get3A_385 = arith.index_cast %get3A_384 : i32 to index
        %get3A_386 = arith.index_cast %add3A_383 : i32 to index
        %get3A_387 = arith.constant 16 : index
        %get3A_388 = tpu.vector_load %arg6[%get3A_385, %get3A_386, %get3A_387] {strides = array<i32>} : memref<2x1280x32xf32, #tpu.memory_space<vmem>>, vector<1x1x16xf32>,
        %get3A_389 = vector.shape_cast %get3A_388 : vector<1x1x16xf32> to vector<16xf32>
        %add3A_390 = arith.addf %add3A_372, %get3A_389 : vector<16xf32>
        %add3A_391 = arith.constant 4 : i32
        %add3A_392 = arith.addi %mul3A_325, %add3A_391 : i32
        %get3A_393 = arith.constant 0 : i32
        %get3A_394 = arith.index_cast %get3A_393 : i32 to index
        %get3A_395 = arith.index_cast %add3A_392 : i32 to index
        %get3A_396 = arith.constant 0 : index
        %get3A_397 = tpu.vector_load %arg6[%get3A_394, %get3A_395, %get3A_396] {strides = array<i32>} : memref<2x1280x32xf32, #tpu.memory_space<vmem>>, vector<1x1x16xf32>,
        %get3A_398 = vector.shape_cast %get3A_397 : vector<1x1x16xf32> to vector<16xf32>
        %add3A_399 = arith.addf %add3A_381, %get3A_398 : vector<16xf32>
        %add3A_400 = arith.constant 4 : i32
        %add3A_401 = arith.addi %mul3A_325, %add3A_400 : i32
        %get3A_402 = arith.constant 0 : i32
        %get3A_403 = arith.index_cast %get3A_402 : i32 to index
        %get3A_404 = arith.index_cast %add3A_401 : i32 to index
        %get3A_405 = arith.constant 16 : index
        %get3A_406 = tpu.vector_load %arg6[%get3A_403, %get3A_404, %get3A_405] {strides = array<i32>} : memref<2x1280x32xf32, #tpu.memory_space<vmem>>, vector<1x1x16xf32>,
        %get3A_407 = vector.shape_cast %get3A_406 : vector<1x1x16xf32> to vector<16xf32>
        %add3A_408 = arith.addf %add3A_390, %get3A_407 : vector<16xf32>
        %add3A_409 = arith.constant 5 : i32
        %add3A_410 = arith.addi %mul3A_325, %add3A_409 : i32
        %get3A_411 = arith.constant 0 : i32
        %get3A_412 = arith.index_cast %get3A_411 : i32 to index
        %get3A_413 = arith.index_cast %add3A_410 : i32 to index
        %get3A_414 = arith.constant 0 : index
        %get3A_415 = tpu.vector_load %arg6[%get3A_412, %get3A_413, %get3A_414] {strides = array<i32>} : memref<2x1280x32xf32, #tpu.memory_space<vmem>>, vector<1x1x16xf32>,
        %get3A_416 = vector.shape_cast %get3A_415 : vector<1x1x16xf32> to vector<16xf32>
        %add3A_417 = arith.addf %add3A_399, %get3A_416 : vector<16xf32>
        %add3A_418 = arith.constant 5 : i32
        %add3A_419 = arith.addi %mul3A_325, %add3A_418 : i32
        %get3A_420 = arith.constant 0 : i32
        %get3A_421 = arith.index_cast %get3A_420 : i32 to index
        %get3A_422 = arith.index_cast %add3A_419 : i32 to index
        %get3A_423 = arith.constant 16 : index
        %get3A_424 = tpu.vector_load %arg6[%get3A_421, %get3A_422, %get3A_423] {strides = array<i32>} : memref<2x1280x32xf32, #tpu.memory_space<vmem>>, vector<1x1x16xf32>,
        %get3A_425 = vector.shape_cast %get3A_424 : vector<1x1x16xf32> to vector<16xf32>
        %add3A_426 = arith.addf %add3A_408, %get3A_425 : vector<16xf32>
        %add3A_427 = arith.constant 6 : i32
        %add3A_428 = arith.addi %mul3A_325, %add3A_427 : i32
        %get3A_429 = arith.constant 0 : i32
        %get3A_430 = arith.index_cast %get3A_429 : i32 to index
        %get3A_431 = arith.index_cast %add3A_428 : i32 to index
        %get3A_432 = arith.constant 0 : index
        %get3A_433 = tpu.vector_load %arg6[%get3A_430, %get3A_431, %get3A_432] {strides = array<i32>} : memref<2x1280x32xf32, #tpu.memory_space<vmem>>, vector<1x1x16xf32>,
        %get3A_434 = vector.shape_cast %get3A_433 : vector<1x1x16xf32> to vector<16xf32>
        %add3A_435 = arith.addf %add3A_417, %get3A_434 : vector<16xf32>
        %add3A_436 = arith.constant 6 : i32
        %add3A_437 = arith.addi %mul3A_325, %add3A_436 : i32
        %get3A_438 = arith.constant 0 : i32
        %get3A_439 = arith.index_cast %get3A_438 : i32 to index
        %get3A_440 = arith.index_cast %add3A_437 : i32 to index
        %get3A_441 = arith.constant 16 : index
        %get3A_442 = tpu.vector_load %arg6[%get3A_439, %get3A_440, %get3A_441] {strides = array<i32>} : memref<2x1280x32xf32, #tpu.memory_space<vmem>>, vector<1x1x16xf32>,
        %get3A_443 = vector.shape_cast %get3A_442 : vector<1x1x16xf32> to vector<16xf32>
        %add3A_444 = arith.addf %add3A_426, %get3A_443 : vector<16xf32>
        %add3A_445 = arith.constant 7 : i32
        %add3A_446 = arith.addi %mul3A_325, %add3A_445 : i32
        %get3A_447 = arith.constant 0 : i32
        %get3A_448 = arith.index_cast %get3A_447 : i32 to index
        %get3A_449 = arith.index_cast %add3A_446 : i32 to index
        %get3A_450 = arith.constant 0 : index
        %get3A_451 = tpu.vector_load %arg6[%get3A_448, %get3A_449, %get3A_450] {strides = array<i32>} : memref<2x1280x32xf32, #tpu.memory_space<vmem>>, vector<1x1x16xf32>,
        %get3A_452 = vector.shape_cast %get3A_451 : vector<1x1x16xf32> to vector<16xf32>
        %add3A_453 = arith.addf %add3A_435, %get3A_452 : vector<16xf32>
        %add3A_454 = arith.constant 7 : i32
        %add3A_455 = arith.addi %mul3A_325, %add3A_454 : i32
        %get3A_456 = arith.constant 0 : i32
        %get3A_457 = arith.index_cast %get3A_456 : i32 to index
        %get3A_458 = arith.index_cast %add3A_455 : i32 to index
        %get3A_459 = arith.constant 16 : index
        %get3A_460 = tpu.vector_load %arg6[%get3A_457, %get3A_458, %get3A_459] {strides = array<i32>} : memref<2x1280x32xf32, #tpu.memory_space<vmem>>, vector<1x1x16xf32>,
        %get3A_461 = vector.shape_cast %get3A_460 : vector<1x1x16xf32> to vector<16xf32>
        %add3A_462 = arith.addf %add3A_444, %get3A_461 : vector<16xf32>
        %add3A_463 = arith.constant 8 : i32
        %add3A_464 = arith.addi %mul3A_325, %add3A_463 : i32
        %get3A_465 = arith.constant 0 : i32
        %get3A_466 = arith.index_cast %get3A_465 : i32 to index
        %get3A_467 = arith.index_cast %add3A_464 : i32 to index
        %get3A_468 = arith.constant 0 : index
        %get3A_469 = tpu.vector_load %arg6[%get3A_466, %get3A_467, %get3A_468] {strides = array<i32>} : memref<2x1280x32xf32, #tpu.memory_space<vmem>>, vector<1x1x16xf32>,
        %get3A_470 = vector.shape_cast %get3A_469 : vector<1x1x16xf32> to vector<16xf32>
        %add3A_471 = arith.addf %add3A_453, %get3A_470 : vector<16xf32>
        %add3A_472 = arith.constant 8 : i32
        %add3A_473 = arith.addi %mul3A_325, %add3A_472 : i32
        %get3A_474 = arith.constant 0 : i32
        %get3A_475 = arith.index_cast %get3A_474 : i32 to index
        %get3A_476 = arith.index_cast %add3A_473 : i32 to index
        %get3A_477 = arith.constant 16 : index
        %get3A_478 = tpu.vector_load %arg6[%get3A_475, %get3A_476, %get3A_477] {strides = array<i32>} : memref<2x1280x32xf32, #tpu.memory_space<vmem>>, vector<1x1x16xf32>,
        %get3A_479 = vector.shape_cast %get3A_478 : vector<1x1x16xf32> to vector<16xf32>
        %add3A_480 = arith.addf %add3A_462, %get3A_479 : vector<16xf32>
        %add3A_481 = arith.constant 9 : i32
        %add3A_482 = arith.addi %mul3A_325, %add3A_481 : i32
        %get3A_483 = arith.constant 0 : i32
        %get3A_484 = arith.index_cast %get3A_483 : i32 to index
        %get3A_485 = arith.index_cast %add3A_482 : i32 to index
        %get3A_486 = arith.constant 0 : index
        %get3A_487 = tpu.vector_load %arg6[%get3A_484, %get3A_485, %get3A_486] {strides = array<i32>} : memref<2x1280x32xf32, #tpu.memory_space<vmem>>, vector<1x1x16xf32>,
        %get3A_488 = vector.shape_cast %get3A_487 : vector<1x1x16xf32> to vector<16xf32>
        %add3A_489 = arith.addf %add3A_471, %get3A_488 : vector<16xf32>
        %add3A_490 = arith.constant 9 : i32
        %add3A_491 = arith.addi %mul3A_325, %add3A_490 : i32
        %get3A_492 = arith.constant 0 : i32
        %get3A_493 = arith.index_cast %get3A_492 : i32 to index
        %get3A_494 = arith.index_cast %add3A_491 : i32 to index
        %get3A_495 = arith.constant 16 : index
        %get3A_496 = tpu.vector_load %arg6[%get3A_493, %get3A_494, %get3A_495] {strides = array<i32>} : memref<2x1280x32xf32, #tpu.memory_space<vmem>>, vector<1x1x16xf32>,
        %get3A_497 = vector.shape_cast %get3A_496 : vector<1x1x16xf32> to vector<16xf32>
        %add3A_498 = arith.addf %add3A_480, %get3A_497 : vector<16xf32>
        %add3A_499 = arith.constant 10 : i32
        %add3A_500 = arith.addi %mul3A_325, %add3A_499 : i32
        %get3A_501 = arith.constant 0 : i32
        %get3A_502 = arith.index_cast %get3A_501 : i32 to index
        %get3A_503 = arith.index_cast %add3A_500 : i32 to index
        %get3A_504 = arith.constant 0 : index
        %get3A_505 = tpu.vector_load %arg6[%get3A_502, %get3A_503, %get3A_504] {strides = array<i32>} : memref<2x1280x32xf32, #tpu.memory_space<vmem>>, vector<1x1x16xf32>,
        %get3A_506 = vector.shape_cast %get3A_505 : vector<1x1x16xf32> to vector<16xf32>
        %add3A_507 = arith.addf %add3A_489, %get3A_506 : vector<16xf32>
        %add3A_508 = arith.constant 10 : i32
        %add3A_509 = arith.addi %mul3A_325, %add3A_508 : i32
        %get3A_510 = arith.constant 0 : i32
        %get3A_511 = arith.index_cast %get3A_510 : i32 to index
        %get3A_512 = arith.index_cast %add3A_509 : i32 to index
        %get3A_513 = arith.constant 16 : index
        %get3A_514 = tpu.vector_load %arg6[%get3A_511, %get3A_512, %get3A_513] {strides = array<i32>} : memref<2x1280x32xf32, #tpu.memory_space<vmem>>, vector<1x1x16xf32>,
        %get3A_515 = vector.shape_cast %get3A_514 : vector<1x1x16xf32> to vector<16xf32>
        %add3A_516 = arith.addf %add3A_498, %get3A_515 : vector<16xf32>
        %add3A_517 = arith.constant 11 : i32
        %add3A_518 = arith.addi %mul3A_325, %add3A_517 : i32
        %get3A_519 = arith.constant 0 : i32
        %get3A_520 = arith.index_cast %get3A_519 : i32 to index
        %get3A_521 = arith.index_cast %add3A_518 : i32 to index
        %get3A_522 = arith.constant 0 : index
        %get3A_523 = tpu.vector_load %arg6[%get3A_520, %get3A_521, %get3A_522] {strides = array<i32>} : memref<2x1280x32xf32, #tpu.memory_space<vmem>>, vector<1x1x16xf32>,
        %get3A_524 = vector.shape_cast %get3A_523 : vector<1x1x16xf32> to vector<16xf32>
        %add3A_525 = arith.addf %add3A_507, %get3A_524 : vector<16xf32>
        %add3A_526 = arith.constant 11 : i32
        %add3A_527 = arith.addi %mul3A_325, %add3A_526 : i32
        %get3A_528 = arith.constant 0 : i32
        %get3A_529 = arith.index_cast %get3A_528 : i32 to index
        %get3A_530 = arith.index_cast %add3A_527 : i32 to index
        %get3A_531 = arith.constant 16 : index
        %get3A_532 = tpu.vector_load %arg6[%get3A_529, %get3A_530, %get3A_531] {strides = array<i32>} : memref<2x1280x32xf32, #tpu.memory_space<vmem>>, vector<1x1x16xf32>,
        %get3A_533 = vector.shape_cast %get3A_532 : vector<1x1x16xf32> to vector<16xf32>
        %add3A_534 = arith.addf %add3A_516, %get3A_533 : vector<16xf32>
        %add3A_535 = arith.constant 12 : i32
        %add3A_536 = arith.addi %mul3A_325, %add3A_535 : i32
        %get3A_537 = arith.constant 0 : i32
        %get3A_538 = arith.index_cast %get3A_537 : i32 to index
        %get3A_539 = arith.index_cast %add3A_536 : i32 to index
        %get3A_540 = arith.constant 0 : index
        %get3A_541 = tpu.vector_load %arg6[%get3A_538, %get3A_539, %get3A_540] {strides = array<i32>} : memref<2x1280x32xf32, #tpu.memory_space<vmem>>, vector<1x1x16xf32>,
        %get3A_542 = vector.shape_cast %get3A_541 : vector<1x1x16xf32> to vector<16xf32>
        %add3A_543 = arith.addf %add3A_525, %get3A_542 : vector<16xf32>
        %add3A_544 = arith.constant 12 : i32
        %add3A_545 = arith.addi %mul3A_325, %add3A_544 : i32
        %get3A_546 = arith.constant 0 : i32
        %get3A_547 = arith.index_cast %get3A_546 : i32 to index
        %get3A_548 = arith.index_cast %add3A_545 : i32 to index
        %get3A_549 = arith.constant 16 : index
        %get3A_550 = tpu.vector_load %arg6[%get3A_547, %get3A_548, %get3A_549] {strides = array<i32>} : memref<2x1280x32xf32, #tpu.memory_space<vmem>>, vector<1x1x16xf32>,
        %get3A_551 = vector.shape_cast %get3A_550 : vector<1x1x16xf32> to vector<16xf32>
        %add3A_552 = arith.addf %add3A_534, %get3A_551 : vector<16xf32>
        %add3A_553 = arith.constant 13 : i32
        %add3A_554 = arith.addi %mul3A_325, %add3A_553 : i32
        %get3A_555 = arith.constant 0 : i32
        %get3A_556 = arith.index_cast %get3A_555 : i32 to index
        %get3A_557 = arith.index_cast %add3A_554 : i32 to index
        %get3A_558 = arith.constant 0 : index
        %get3A_559 = tpu.vector_load %arg6[%get3A_556, %get3A_557, %get3A_558] {strides = array<i32>} : memref<2x1280x32xf32, #tpu.memory_space<vmem>>, vector<1x1x16xf32>,
        %get3A_560 = vector.shape_cast %get3A_559 : vector<1x1x16xf32> to vector<16xf32>
        %add3A_561 = arith.addf %add3A_543, %get3A_560 : vector<16xf32>
        %add3A_562 = arith.constant 13 : i32
        %add3A_563 = arith.addi %mul3A_325, %add3A_562 : i32
        %get3A_564 = arith.constant 0 : i32
        %get3A_565 = arith.index_cast %get3A_564 : i32 to index
        %get3A_566 = arith.index_cast %add3A_563 : i32 to index
        %get3A_567 = arith.constant 16 : index
        %get3A_568 = tpu.vector_load %arg6[%get3A_565, %get3A_566, %get3A_567] {strides = array<i32>} : memref<2x1280x32xf32, #tpu.memory_space<vmem>>, vector<1x1x16xf32>,
        %get3A_569 = vector.shape_cast %get3A_568 : vector<1x1x16xf32> to vector<16xf32>
        %add3A_570 = arith.addf %add3A_552, %get3A_569 : vector<16xf32>
        %add3A_571 = arith.constant 14 : i32
        %add3A_572 = arith.addi %mul3A_325, %add3A_571 : i32
        %get3A_573 = arith.constant 0 : i32
        %get3A_574 = arith.index_cast %get3A_573 : i32 to index
        %get3A_575 = arith.index_cast %add3A_572 : i32 to index
        %get3A_576 = arith.constant 0 : index
        %get3A_577 = tpu.vector_load %arg6[%get3A_574, %get3A_575, %get3A_576] {strides = array<i32>} : memref<2x1280x32xf32, #tpu.memory_space<vmem>>, vector<1x1x16xf32>,
        %get3A_578 = vector.shape_cast %get3A_577 : vector<1x1x16xf32> to vector<16xf32>
        %add3A_579 = arith.addf %add3A_561, %get3A_578 : vector<16xf32>
        %add3A_580 = arith.constant 14 : i32
        %add3A_581 = arith.addi %mul3A_325, %add3A_580 : i32
        %get3A_582 = arith.constant 0 : i32
        %get3A_583 = arith.index_cast %get3A_582 : i32 to index
        %get3A_584 = arith.index_cast %add3A_581 : i32 to index
        %get3A_585 = arith.constant 16 : index
        %get3A_586 = tpu.vector_load %arg6[%get3A_583, %get3A_584, %get3A_585] {strides = array<i32>} : memref<2x1280x32xf32, #tpu.memory_space<vmem>>, vector<1x1x16xf32>,
        %get3A_587 = vector.shape_cast %get3A_586 : vector<1x1x16xf32> to vector<16xf32>
        %add3A_588 = arith.addf %add3A_570, %get3A_587 : vector<16xf32>
        %add3A_589 = arith.constant 15 : i32
        %add3A_590 = arith.addi %mul3A_325, %add3A_589 : i32
        %get3A_591 = arith.constant 0 : i32
        %get3A_592 = arith.index_cast %get3A_591 : i32 to index
        %get3A_593 = arith.index_cast %add3A_590 : i32 to index
        %get3A_594 = arith.constant 0 : index
        %get3A_595 = tpu.vector_load %arg6[%get3A_592, %get3A_593, %get3A_594] {strides = array<i32>} : memref<2x1280x32xf32, #tpu.memory_space<vmem>>, vector<1x1x16xf32>,
        %get3A_596 = vector.shape_cast %get3A_595 : vector<1x1x16xf32> to vector<16xf32>
        %add3A_597 = arith.addf %add3A_579, %get3A_596 : vector<16xf32>
        %add3A_598 = arith.constant 15 : i32
        %add3A_599 = arith.addi %mul3A_325, %add3A_598 : i32
        %get3A_600 = arith.constant 0 : i32
        %get3A_601 = arith.index_cast %get3A_600 : i32 to index
        %get3A_602 = arith.index_cast %add3A_599 : i32 to index
        %get3A_603 = arith.constant 16 : index
        %get3A_604 = tpu.vector_load %arg6[%get3A_601, %get3A_602, %get3A_603] {strides = array<i32>} : memref<2x1280x32xf32, #tpu.memory_space<vmem>>, vector<1x1x16xf32>,
        %get3A_605 = vector.shape_cast %get3A_604 : vector<1x1x16xf32> to vector<16xf32>
        %add3A_606 = arith.addf %add3A_588, %get3A_605 : vector<16xf32>
        %add3A_607 = arith.constant 16 : i32
        %add3A_608 = arith.addi %mul3A_325, %add3A_607 : i32
        %get3A_609 = arith.constant 0 : i32
        %get3A_610 = arith.index_cast %get3A_609 : i32 to index
        %get3A_611 = arith.index_cast %add3A_608 : i32 to index
        %get3A_612 = arith.constant 0 : index
        %get3A_613 = tpu.vector_load %arg6[%get3A_610, %get3A_611, %get3A_612] {strides = array<i32>} : memref<2x1280x32xf32, #tpu.memory_space<vmem>>, vector<1x1x16xf32>,
        %get3A_614 = vector.shape_cast %get3A_613 : vector<1x1x16xf32> to vector<16xf32>
        %add3A_615 = arith.addf %add3A_597, %get3A_614 : vector<16xf32>
        %add3A_616 = arith.constant 16 : i32
        %add3A_617 = arith.addi %mul3A_325, %add3A_616 : i32
        %get3A_618 = arith.constant 0 : i32
        %get3A_619 = arith.index_cast %get3A_618 : i32 to index
        %get3A_620 = arith.index_cast %add3A_617 : i32 to index
        %get3A_621 = arith.constant 16 : index
        %get3A_622 = tpu.vector_load %arg6[%get3A_619, %get3A_620, %get3A_621] {strides = array<i32>} : memref<2x1280x32xf32, #tpu.memory_space<vmem>>, vector<1x1x16xf32>,
        %get3A_623 = vector.shape_cast %get3A_622 : vector<1x1x16xf32> to vector<16xf32>
        %add3A_624 = arith.addf %add3A_606, %get3A_623 : vector<16xf32>
        %add3A_625 = arith.constant 17 : i32
        %add3A_626 = arith.addi %mul3A_325, %add3A_625 : i32
        %get3A_627 = arith.constant 0 : i32
        %get3A_628 = arith.index_cast %get3A_627 : i32 to index
        %get3A_629 = arith.index_cast %add3A_626 : i32 to index
        %get3A_630 = arith.constant 0 : index
        %get3A_631 = tpu.vector_load %arg6[%get3A_628, %get3A_629, %get3A_630] {strides = array<i32>} : memref<2x1280x32xf32, #tpu.memory_space<vmem>>, vector<1x1x16xf32>,
        %get3A_632 = vector.shape_cast %get3A_631 : vector<1x1x16xf32> to vector<16xf32>
        %add3A_633 = arith.addf %add3A_615, %get3A_632 : vector<16xf32>
        %add3A_634 = arith.constant 17 : i32
        %add3A_635 = arith.addi %mul3A_325, %add3A_634 : i32
        %get3A_636 = arith.constant 0 : i32
        %get3A_637 = arith.index_cast %get3A_636 : i32 to index
        %get3A_638 = arith.index_cast %add3A_635 : i32 to index
        %get3A_639 = arith.constant 16 : index
        %get3A_640 = tpu.vector_load %arg6[%get3A_637, %get3A_638, %get3A_639] {strides = array<i32>} : memref<2x1280x32xf32, #tpu.memory_space<vmem>>, vector<1x1x16xf32>,
        %get3A_641 = vector.shape_cast %get3A_640 : vector<1x1x16xf32> to vector<16xf32>
        %add3A_642 = arith.addf %add3A_624, %get3A_641 : vector<16xf32>
        %add3A_643 = arith.constant 18 : i32
        %add3A_644 = arith.addi %mul3A_325, %add3A_643 : i32
        %get3A_645 = arith.constant 0 : i32
        %get3A_646 = arith.index_cast %get3A_645 : i32 to index
        %get3A_647 = arith.index_cast %add3A_644 : i32 to index
        %get3A_648 = arith.constant 0 : index
        %get3A_649 = tpu.vector_load %arg6[%get3A_646, %get3A_647, %get3A_648] {strides = array<i32>} : memref<2x1280x32xf32, #tpu.memory_space<vmem>>, vector<1x1x16xf32>,
        %get3A_650 = vector.shape_cast %get3A_649 : vector<1x1x16xf32> to vector<16xf32>
        %add3A_651 = arith.addf %add3A_633, %get3A_650 : vector<16xf32>
        %add3A_652 = arith.constant 18 : i32
        %add3A_653 = arith.addi %mul3A_325, %add3A_652 : i32
        %get3A_654 = arith.constant 0 : i32
        %get3A_655 = arith.index_cast %get3A_654 : i32 to index
        %get3A_656 = arith.index_cast %add3A_653 : i32 to index
        %get3A_657 = arith.constant 16 : index
        %get3A_658 = tpu.vector_load %arg6[%get3A_655, %get3A_656, %get3A_657] {strides = array<i32>} : memref<2x1280x32xf32, #tpu.memory_space<vmem>>, vector<1x1x16xf32>,
        %get3A_659 = vector.shape_cast %get3A_658 : vector<1x1x16xf32> to vector<16xf32>
        %add3A_660 = arith.addf %add3A_642, %get3A_659 : vector<16xf32>
        %add3A_661 = arith.constant 19 : i32
        %add3A_662 = arith.addi %mul3A_325, %add3A_661 : i32
        %get3A_663 = arith.constant 0 : i32
        %get3A_664 = arith.index_cast %get3A_663 : i32 to index
        %get3A_665 = arith.index_cast %add3A_662 : i32 to index
        %get3A_666 = arith.constant 0 : index
        %get3A_667 = tpu.vector_load %arg6[%get3A_664, %get3A_665, %get3A_666] {strides = array<i32>} : memref<2x1280x32xf32, #tpu.memory_space<vmem>>, vector<1x1x16xf32>,
        %get3A_668 = vector.shape_cast %get3A_667 : vector<1x1x16xf32> to vector<16xf32>
        %add3A_669 = arith.addf %add3A_651, %get3A_668 : vector<16xf32>
        %add3A_670 = arith.constant 19 : i32
        %add3A_671 = arith.addi %mul3A_325, %add3A_670 : i32
        %get3A_672 = arith.constant 0 : i32
        %get3A_673 = arith.index_cast %get3A_672 : i32 to index
        %get3A_674 = arith.index_cast %add3A_671 : i32 to index
        %get3A_675 = arith.constant 16 : index
        %get3A_676 = tpu.vector_load %arg6[%get3A_673, %get3A_674, %get3A_675] {strides = array<i32>} : memref<2x1280x32xf32, #tpu.memory_space<vmem>>, vector<1x1x16xf32>,
        %get3A_677 = vector.shape_cast %get3A_676 : vector<1x1x16xf32> to vector<16xf32>
        %add3A_678 = arith.addf %add3A_660, %get3A_677 : vector<16xf32>
        %swap3A = arith.constant 0 : i32
        %swap3A_679 = arith.index_cast %swap3A : i32 to index
        %swap3A_680 = arith.index_cast %scan3A_323 : i32 to index
        %swap3A_681 = arith.constant 0 : index
        %swap3A_682 = tpu.vector_load %arg7[%swap3A_679, %swap3A_680, %swap3A_681] {strides = array<i32>} : memref<2x64x32xf32, #tpu.memory_space<vmem>>, vector<1x1x16xf32>,
        %swap3A_683 = vector.shape_cast %swap3A_682 : vector<1x1x16xf32> to vector<16xf32>
        %swap3A_684 = vector.shape_cast %add3A_669 : vector<16xf32> to vector<1x1x16xf32>
        tpu.vector_store %arg7[%swap3A_679, %swap3A_680, %swap3A_681], %swap3A_684 {strides = array<i32>} : memref<2x64x32xf32, #tpu.memory_space<vmem>>, vector<1x1x16xf32>,
        %swap3A_685 = arith.constant 0 : i32
        %swap3A_686 = arith.index_cast %swap3A_685 : i32 to index
        %swap3A_687 = arith.index_cast %scan3A_323 : i32 to index
        %swap3A_688 = arith.constant 16 : index
        %swap3A_689 = tpu.vector_load %arg7[%swap3A_686, %swap3A_687, %swap3A_688] {strides = array<i32>} : memref<2x64x32xf32, #tpu.memory_space<vmem>>, vector<1x1x16xf32>,
        %swap3A_690 = vector.shape_cast %swap3A_689 : vector<1x1x16xf32> to vector<16xf32>
        %swap3A_691 = vector.shape_cast %add3A_678 : vector<16xf32> to vector<1x1x16xf32>
        tpu.vector_store %arg7[%swap3A_686, %swap3A_687, %swap3A_688], %swap3A_691 {strides = array<i32>} : memref<2x64x32xf32, #tpu.memory_space<vmem>>, vector<1x1x16xf32>,
      }
      %scan3A_278 = arith.constant 64 : i32
      %mul3A_279 = arith.constant 64 : i32
      %mul3A_280 = arith.muli %add3A_258, %mul3A_279 : i32
      %add3A_281 = arith.addi %mul3A_4, %mul3A_280 : i32
      %run_scoped3A_282 = arith.constant 0 : i32
      "tpu.region"() ({
        %run_scoped3A_323 = tpu.sem_alloc : memref<!tpu.dma_semaphore, #tpu.memory_space<semaphore_mem>>
        %dma_start3A_324 = arith.constant 0 : i32
        %dma_start3A_325 = arith.constant 0 : i32
        %dma_start3A_326 = tpu.memref_slice %arg7[%run_scoped3A_282, %dma_start3A_324, %dma_start3A_325] : memref<2x64x32xf32, #tpu.memory_space<vmem>> -> memref<1x64x32xf32, #tpu.memory_space<vmem>>
        %dma_start3A_327 = tpu.memref_squeeze %dma_start3A_326 : memref<1x64x32xf32, #tpu.memory_space<vmem>> -> memref<64x32xf32, #tpu.memory_space<vmem>>
        %dma_start3A_328 = arith.constant 0 : i32
        %dma_start3A_329 = tpu.memref_slice %arg4[%add3A_281, %dma_start3A_328] : memref<106496x32xf32, #tpu.memory_space<hbm>> -> memref<64x32xf32, #tpu.memory_space<hbm>>
        %dma_start3A_330 = arith.constant 0 : i32
        %dma_start3A_331 = tpu.memref_slice %arg4[%add3A_281, %dma_start3A_330] : memref<106496x32xf32, #tpu.memory_space<hbm>> -> memref<64x32xf32, #tpu.memory_space<hbm>>
        %dma_start3A_332 = arith.constant 0 : i32
        %dma_start3A_333 = arith.constant 0 : i32
        %dma_start3A_334 = tpu.memref_slice %arg7[%run_scoped3A_282, %dma_start3A_332, %dma_start3A_333] : memref<2x64x32xf32, #tpu.memory_space<vmem>> -> memref<1x64x32xf32, #tpu.memory_space<vmem>>
        %dma_start3A_335 = tpu.memref_squeeze %dma_start3A_334 : memref<1x64x32xf32, #tpu.memory_space<vmem>> -> memref<64x32xf32, #tpu.memory_space<vmem>>
        tpu.enqueue_dma source(%dma_start3A_335 : memref<64x32xf32, #tpu.memory_space<vmem>>) target(%dma_start3A_331 : memref<64x32xf32, #tpu.memory_space<hbm>>) target_semaphore(%run_scoped3A_323 : memref<!tpu.dma_semaphore, #tpu.memory_space<semaphore_mem>>)
        %dma_wait3A_336 = arith.constant 0 : i32
        %dma_wait3A_337 = arith.constant 0 : i32
        %dma_wait3A_338 = tpu.memref_slice %arg7[%run_scoped3A_282, %dma_wait3A_336, %dma_wait3A_337] : memref<2x64x32xf32, #tpu.memory_space<vmem>> -> memref<1x64x32xf32, #tpu.memory_space<vmem>>
        %dma_wait3A_339 = tpu.memref_squeeze %dma_wait3A_338 : memref<1x64x32xf32, #tpu.memory_space<vmem>> -> memref<64x32xf32, #tpu.memory_space<vmem>>
        %dma_wait3A_340 = arith.constant 0 : i32
        %dma_wait3A_341 = tpu.memref_slice %arg4[%add3A_281, %dma_wait3A_340] : memref<106496x32xf32, #tpu.memory_space<hbm>> -> memref<64x32xf32, #tpu.memory_space<hbm>>
        %dma_wait3A_342 = arith.constant 0 : i32
        %dma_wait3A_343 = tpu.memref_slice %arg4[%add3A_281, %dma_wait3A_342] : memref<106496x32xf32, #tpu.memory_space<hbm>> -> memref<64x32xf32, #tpu.memory_space<hbm>>
        %dma_wait3A_344 = arith.constant 0 : i32
        %dma_wait3A_345 = arith.constant 0 : i32
        %dma_wait3A_346 = tpu.memref_slice %arg7[%run_scoped3A_282, %dma_wait3A_344, %dma_wait3A_345] : memref<2x64x32xf32, #tpu.memory_space<vmem>> -> memref<1x64x32xf32, #tpu.memory_space<vmem>>
        %dma_wait3A_347 = tpu.memref_squeeze %dma_wait3A_346 : memref<1x64x32xf32, #tpu.memory_space<vmem>> -> memref<64x32xf32, #tpu.memory_space<vmem>>
        tpu.wait_dma2 semaphore(%run_scoped3A_323 : memref<!tpu.dma_semaphore, #tpu.memory_space<semaphore_mem>>) src(%dma_wait3A_347 : memref<64x32xf32, #tpu.memory_space<vmem>>) dst(%dma_wait3A_343 : memref<64x32xf32, #tpu.memory_space<hbm>>)
        tpu.yield
      }) : () -> ()
      %add3A_283 = arith.constant 2 : i32
      %add3A_284 = arith.addi %add3A_258, %add3A_283 : i32
      %lt3A = arith.constant 52 : i32
      %lt3A_285 = arith.cmpi slt, %add3A_284, %lt3A : i32
      %convert_element_type3A = arith.extui %lt3A_285 : i1 to i32
      %cond3A = arith.constant 0 : i32
      %cond3A_286 = arith.cmpi ne, %convert_element_type3A, %cond3A : i32
      scf.if %cond3A_286 {
        %add3A_323 = arith.constant 2 : i32
        %add3A_324 = arith.addi %add3A_258, %add3A_323 : i32
        %mul3A_325 = arith.constant 1280 : i32
        %mul3A_326 = arith.muli %add3A_324, %mul3A_325 : i32
        %add3A_327 = arith.addi %mul3A_2, %mul3A_326 : i32
        %run_scoped3A_328 = arith.constant 0 : i32
        "tpu.region"() ({
          %run_scoped3A_449 = tpu.sem_alloc : memref<!tpu.dma_semaphore, #tpu.memory_space<semaphore_mem>>
          %dma_start3A_450 = arith.constant 0 : i32
          %dma_start3A_451 = tpu.memref_slice %arg5[%run_scoped3A_328, %dma_start3A_450] : memref<2x1280xi32, #tpu.memory_space<vmem>> -> memref<1x1280xi32, #tpu.memory_space<vmem>>
          %dma_start3A_452 = tpu.memref_squeeze %dma_start3A_451 : memref<1x1280xi32, #tpu.memory_space<vmem>> -> memref<1280xi32, #tpu.memory_space<vmem>>
          %dma_start3A_453 = tpu.memref_slice %arg2[%add3A_327] : memref<2129920xi32, #tpu.memory_space<hbm>> -> memref<1280xi32, #tpu.memory_space<hbm>>
          %dma_start3A_454 = arith.constant 0 : i32
          %dma_start3A_455 = tpu.memref_slice %arg5[%run_scoped3A_328, %dma_start3A_454] : memref<2x1280xi32, #tpu.memory_space<vmem>> -> memref<1x1280xi32, #tpu.memory_space<vmem>>
          %dma_start3A_456 = tpu.memref_squeeze %dma_start3A_455 : memref<1x1280xi32, #tpu.memory_space<vmem>> -> memref<1280xi32, #tpu.memory_space<vmem>>
          %dma_start3A_457 = tpu.memref_slice %arg2[%add3A_327] : memref<2129920xi32, #tpu.memory_space<hbm>> -> memref<1280xi32, #tpu.memory_space<hbm>>
          tpu.enqueue_dma source(%dma_start3A_457 : memref<1280xi32, #tpu.memory_space<hbm>>) target(%dma_start3A_456 : memref<1280xi32, #tpu.memory_space<vmem>>) target_semaphore(%run_scoped3A_449 : memref<!tpu.dma_semaphore, #tpu.memory_space<semaphore_mem>>)
          %dma_wait3A_458 = arith.constant 0 : i32
          %dma_wait3A_459 = tpu.memref_slice %arg5[%run_scoped3A_328, %dma_wait3A_458] : memref<2x1280xi32, #tpu.memory_space<vmem>> -> memref<1x1280xi32, #tpu.memory_space<vmem>>
          %dma_wait3A_460 = tpu.memref_squeeze %dma_wait3A_459 : memref<1x1280xi32, #tpu.memory_space<vmem>> -> memref<1280xi32, #tpu.memory_space<vmem>>
          %dma_wait3A_461 = tpu.memref_slice %arg2[%add3A_327] : memref<2129920xi32, #tpu.memory_space<hbm>> -> memref<1280xi32, #tpu.memory_space<hbm>>
          %dma_wait3A_462 = arith.constant 0 : i32
          %dma_wait3A_463 = tpu.memref_slice %arg5[%run_scoped3A_328, %dma_wait3A_462] : memref<2x1280xi32, #tpu.memory_space<vmem>> -> memref<1x1280xi32, #tpu.memory_space<vmem>>
          %dma_wait3A_464 = tpu.memref_squeeze %dma_wait3A_463 : memref<1x1280xi32, #tpu.memory_space<vmem>> -> memref<1280xi32, #tpu.memory_space<vmem>>
          %dma_wait3A_465 = tpu.memref_slice %arg2[%add3A_327] : memref<2129920xi32, #tpu.memory_space<hbm>> -> memref<1280xi32, #tpu.memory_space<hbm>>
          tpu.wait_dma2 semaphore(%run_scoped3A_449 : memref<!tpu.dma_semaphore, #tpu.memory_space<semaphore_mem>>) src(%dma_wait3A_465 : memref<1280xi32, #tpu.memory_space<hbm>>) dst(%dma_wait3A_464 : memref<1280xi32, #tpu.memory_space<vmem>>)
          tpu.yield
        }) : () -> ()
        %dma_start3A_329 = arith.constant 0 : i32
        %dma_start3A_330 = arith.constant 0 : i32
        %dma_start3A_331 = arith.constant 0 : i32
        %dma_start3A_332 = arith.constant 0 : i32
        %dma_start3A_333 = tpu.memref_slice %arg6[%dma_start3A_330, %dma_start3A_331, %dma_start3A_332] : memref<2x1280x32xf32, #tpu.memory_space<vmem>> -> memref<1x128x32xf32, #tpu.memory_space<vmem>>
        %dma_start3A_334 = tpu.memref_squeeze %dma_start3A_333 : memref<1x128x32xf32, #tpu.memory_space<vmem>> -> memref<128x32xf32, #tpu.memory_space<vmem>>
        %dma_start3A_335 = arith.constant 0 : i32
        %dma_start3A_336 = tpu.memref_slice %arg5[%dma_start3A_329, %dma_start3A_335] : memref<2x1280xi32, #tpu.memory_space<vmem>> -> memref<1x128xi32, #tpu.memory_space<vmem>>
        %dma_start3A_337 = tpu.memref_squeeze %dma_start3A_336 : memref<1x128xi32, #tpu.memory_space<vmem>> -> memref<128xi32, #tpu.memory_space<vmem>>
        %dma_start3A_338 = arith.constant 0 : i32
        %dma_start3A_339 = arith.constant 0 : i32
        %dma_start3A_340 = tpu.memref_slice %arg3[%dma_start3A_338, %dma_start3A_339] : memref<1000000x32xf32, #tpu.memory_space<hbm>> -> memref<1000000x32xf32, #tpu.memory_space<hbm>>
        tpu.enqueue_indirect_dma source(%dma_start3A_340 : memref<1000000x32xf32, #tpu.memory_space<hbm>>) target(%dma_start3A_334 : memref<128x32xf32, #tpu.memory_space<vmem>>) offsets(%dma_start3A_337 : memref<128xi32, #tpu.memory_space<vmem>>) semaphore(%arg8 : memref<!tpu.dma_semaphore, #tpu.memory_space<semaphore_mem>>)
        %dma_start3A_341 = arith.constant 0 : i32
        %dma_start3A_342 = arith.constant 0 : i32
        %dma_start3A_343 = arith.constant 128 : i32
        %dma_start3A_344 = arith.constant 0 : i32
        %dma_start3A_345 = tpu.memref_slice %arg6[%dma_start3A_342, %dma_start3A_343, %dma_start3A_344] : memref<2x1280x32xf32, #tpu.memory_space<vmem>> -> memref<1x128x32xf32, #tpu.memory_space<vmem>>
        %dma_start3A_346 = tpu.memref_squeeze %dma_start3A_345 : memref<1x128x32xf32, #tpu.memory_space<vmem>> -> memref<128x32xf32, #tpu.memory_space<vmem>>
        %dma_start3A_347 = arith.constant 128 : i32
        %dma_start3A_348 = tpu.memref_slice %arg5[%dma_start3A_341, %dma_start3A_347] : memref<2x1280xi32, #tpu.memory_space<vmem>> -> memref<1x128xi32, #tpu.memory_space<vmem>>
        %dma_start3A_349 = tpu.memref_squeeze %dma_start3A_348 : memref<1x128xi32, #tpu.memory_space<vmem>> -> memref<128xi32, #tpu.memory_space<vmem>>
        %dma_start3A_350 = arith.constant 0 : i32
        %dma_start3A_351 = arith.constant 0 : i32
        %dma_start3A_352 = tpu.memref_slice %arg3[%dma_start3A_350, %dma_start3A_351] : memref<1000000x32xf32, #tpu.memory_space<hbm>> -> memref<1000000x32xf32, #tpu.memory_space<hbm>>
        tpu.enqueue_indirect_dma source(%dma_start3A_352 : memref<1000000x32xf32, #tpu.memory_space<hbm>>) target(%dma_start3A_346 : memref<128x32xf32, #tpu.memory_space<vmem>>) offsets(%dma_start3A_349 : memref<128xi32, #tpu.memory_space<vmem>>) semaphore(%arg8 : memref<!tpu.dma_semaphore, #tpu.memory_space<semaphore_mem>>)
        %dma_start3A_353 = arith.constant 0 : i32
        %dma_start3A_354 = arith.constant 0 : i32
        %dma_start3A_355 = arith.constant 256 : i32
        %dma_start3A_356 = arith.constant 0 : i32
        %dma_start3A_357 = tpu.memref_slice %arg6[%dma_start3A_354, %dma_start3A_355, %dma_start3A_356] : memref<2x1280x32xf32, #tpu.memory_space<vmem>> -> memref<1x128x32xf32, #tpu.memory_space<vmem>>
        %dma_start3A_358 = tpu.memref_squeeze %dma_start3A_357 : memref<1x128x32xf32, #tpu.memory_space<vmem>> -> memref<128x32xf32, #tpu.memory_space<vmem>>
        %dma_start3A_359 = arith.constant 256 : i32
        %dma_start3A_360 = tpu.memref_slice %arg5[%dma_start3A_353, %dma_start3A_359] : memref<2x1280xi32, #tpu.memory_space<vmem>> -> memref<1x128xi32, #tpu.memory_space<vmem>>
        %dma_start3A_361 = tpu.memref_squeeze %dma_start3A_360 : memref<1x128xi32, #tpu.memory_space<vmem>> -> memref<128xi32, #tpu.memory_space<vmem>>
        %dma_start3A_362 = arith.constant 0 : i32
        %dma_start3A_363 = arith.constant 0 : i32
        %dma_start3A_364 = tpu.memref_slice %arg3[%dma_start3A_362, %dma_start3A_363] : memref<1000000x32xf32, #tpu.memory_space<hbm>> -> memref<1000000x32xf32, #tpu.memory_space<hbm>>
        tpu.enqueue_indirect_dma source(%dma_start3A_364 : memref<1000000x32xf32, #tpu.memory_space<hbm>>) target(%dma_start3A_358 : memref<128x32xf32, #tpu.memory_space<vmem>>) offsets(%dma_start3A_361 : memref<128xi32, #tpu.memory_space<vmem>>) semaphore(%arg8 : memref<!tpu.dma_semaphore, #tpu.memory_space<semaphore_mem>>)
        %dma_start3A_365 = arith.constant 0 : i32
        %dma_start3A_366 = arith.constant 0 : i32
        %dma_start3A_367 = arith.constant 384 : i32
        %dma_start3A_368 = arith.constant 0 : i32
        %dma_start3A_369 = tpu.memref_slice %arg6[%dma_start3A_366, %dma_start3A_367, %dma_start3A_368] : memref<2x1280x32xf32, #tpu.memory_space<vmem>> -> memref<1x128x32xf32, #tpu.memory_space<vmem>>
        %dma_start3A_370 = tpu.memref_squeeze %dma_start3A_369 : memref<1x128x32xf32, #tpu.memory_space<vmem>> -> memref<128x32xf32, #tpu.memory_space<vmem>>
        %dma_start3A_371 = arith.constant 384 : i32
        %dma_start3A_372 = tpu.memref_slice %arg5[%dma_start3A_365, %dma_start3A_371] : memref<2x1280xi32, #tpu.memory_space<vmem>> -> memref<1x128xi32, #tpu.memory_space<vmem>>
        %dma_start3A_373 = tpu.memref_squeeze %dma_start3A_372 : memref<1x128xi32, #tpu.memory_space<vmem>> -> memref<128xi32, #tpu.memory_space<vmem>>
        %dma_start3A_374 = arith.constant 0 : i32
        %dma_start3A_375 = arith.constant 0 : i32
        %dma_start3A_376 = tpu.memref_slice %arg3[%dma_start3A_374, %dma_start3A_375] : memref<1000000x32xf32, #tpu.memory_space<hbm>> -> memref<1000000x32xf32, #tpu.memory_space<hbm>>
        tpu.enqueue_indirect_dma source(%dma_start3A_376 : memref<1000000x32xf32, #tpu.memory_space<hbm>>) target(%dma_start3A_370 : memref<128x32xf32, #tpu.memory_space<vmem>>) offsets(%dma_start3A_373 : memref<128xi32, #tpu.memory_space<vmem>>) semaphore(%arg8 : memref<!tpu.dma_semaphore, #tpu.memory_space<semaphore_mem>>)
        %dma_start3A_377 = arith.constant 0 : i32
        %dma_start3A_378 = arith.constant 0 : i32
        %dma_start3A_379 = arith.constant 512 : i32
        %dma_start3A_380 = arith.constant 0 : i32
        %dma_start3A_381 = tpu.memref_slice %arg6[%dma_start3A_378, %dma_start3A_379, %dma_start3A_380] : memref<2x1280x32xf32, #tpu.memory_space<vmem>> -> memref<1x128x32xf32, #tpu.memory_space<vmem>>
        %dma_start3A_382 = tpu.memref_squeeze %dma_start3A_381 : memref<1x128x32xf32, #tpu.memory_space<vmem>> -> memref<128x32xf32, #tpu.memory_space<vmem>>
        %dma_start3A_383 = arith.constant 512 : i32
        %dma_start3A_384 = tpu.memref_slice %arg5[%dma_start3A_377, %dma_start3A_383] : memref<2x1280xi32, #tpu.memory_space<vmem>> -> memref<1x128xi32, #tpu.memory_space<vmem>>
        %dma_start3A_385 = tpu.memref_squeeze %dma_start3A_384 : memref<1x128xi32, #tpu.memory_space<vmem>> -> memref<128xi32, #tpu.memory_space<vmem>>
        %dma_start3A_386 = arith.constant 0 : i32
        %dma_start3A_387 = arith.constant 0 : i32
        %dma_start3A_388 = tpu.memref_slice %arg3[%dma_start3A_386, %dma_start3A_387] : memref<1000000x32xf32, #tpu.memory_space<hbm>> -> memref<1000000x32xf32, #tpu.memory_space<hbm>>
        tpu.enqueue_indirect_dma source(%dma_start3A_388 : memref<1000000x32xf32, #tpu.memory_space<hbm>>) target(%dma_start3A_382 : memref<128x32xf32, #tpu.memory_space<vmem>>) offsets(%dma_start3A_385 : memref<128xi32, #tpu.memory_space<vmem>>) semaphore(%arg8 : memref<!tpu.dma_semaphore, #tpu.memory_space<semaphore_mem>>)
        %dma_start3A_389 = arith.constant 0 : i32
        %dma_start3A_390 = arith.constant 0 : i32
        %dma_start3A_391 = arith.constant 640 : i32
        %dma_start3A_392 = arith.constant 0 : i32
        %dma_start3A_393 = tpu.memref_slice %arg6[%dma_start3A_390, %dma_start3A_391, %dma_start3A_392] : memref<2x1280x32xf32, #tpu.memory_space<vmem>> -> memref<1x128x32xf32, #tpu.memory_space<vmem>>
        %dma_start3A_394 = tpu.memref_squeeze %dma_start3A_393 : memref<1x128x32xf32, #tpu.memory_space<vmem>> -> memref<128x32xf32, #tpu.memory_space<vmem>>
        %dma_start3A_395 = arith.constant 640 : i32
        %dma_start3A_396 = tpu.memref_slice %arg5[%dma_start3A_389, %dma_start3A_395] : memref<2x1280xi32, #tpu.memory_space<vmem>> -> memref<1x128xi32, #tpu.memory_space<vmem>>
        %dma_start3A_397 = tpu.memref_squeeze %dma_start3A_396 : memref<1x128xi32, #tpu.memory_space<vmem>> -> memref<128xi32, #tpu.memory_space<vmem>>
        %dma_start3A_398 = arith.constant 0 : i32
        %dma_start3A_399 = arith.constant 0 : i32
        %dma_start3A_400 = tpu.memref_slice %arg3[%dma_start3A_398, %dma_start3A_399] : memref<1000000x32xf32, #tpu.memory_space<hbm>> -> memref<1000000x32xf32, #tpu.memory_space<hbm>>
        tpu.enqueue_indirect_dma source(%dma_start3A_400 : memref<1000000x32xf32, #tpu.memory_space<hbm>>) target(%dma_start3A_394 : memref<128x32xf32, #tpu.memory_space<vmem>>) offsets(%dma_start3A_397 : memref<128xi32, #tpu.memory_space<vmem>>) semaphore(%arg8 : memref<!tpu.dma_semaphore, #tpu.memory_space<semaphore_mem>>)
        %dma_start3A_401 = arith.constant 0 : i32
        %dma_start3A_402 = arith.constant 0 : i32
        %dma_start3A_403 = arith.constant 768 : i32
        %dma_start3A_404 = arith.constant 0 : i32
        %dma_start3A_405 = tpu.memref_slice %arg6[%dma_start3A_402, %dma_start3A_403, %dma_start3A_404] : memref<2x1280x32xf32, #tpu.memory_space<vmem>> -> memref<1x128x32xf32, #tpu.memory_space<vmem>>
        %dma_start3A_406 = tpu.memref_squeeze %dma_start3A_405 : memref<1x128x32xf32, #tpu.memory_space<vmem>> -> memref<128x32xf32, #tpu.memory_space<vmem>>
        %dma_start3A_407 = arith.constant 768 : i32
        %dma_start3A_408 = tpu.memref_slice %arg5[%dma_start3A_401, %dma_start3A_407] : memref<2x1280xi32, #tpu.memory_space<vmem>> -> memref<1x128xi32, #tpu.memory_space<vmem>>
        %dma_start3A_409 = tpu.memref_squeeze %dma_start3A_408 : memref<1x128xi32, #tpu.memory_space<vmem>> -> memref<128xi32, #tpu.memory_space<vmem>>
        %dma_start3A_410 = arith.constant 0 : i32
        %dma_start3A_411 = arith.constant 0 : i32
        %dma_start3A_412 = tpu.memref_slice %arg3[%dma_start3A_410, %dma_start3A_411] : memref<1000000x32xf32, #tpu.memory_space<hbm>> -> memref<1000000x32xf32, #tpu.memory_space<hbm>>
        tpu.enqueue_indirect_dma source(%dma_start3A_412 : memref<1000000x32xf32, #tpu.memory_space<hbm>>) target(%dma_start3A_406 : memref<128x32xf32, #tpu.memory_space<vmem>>) offsets(%dma_start3A_409 : memref<128xi32, #tpu.memory_space<vmem>>) semaphore(%arg8 : memref<!tpu.dma_semaphore, #tpu.memory_space<semaphore_mem>>)
        %dma_start3A_413 = arith.constant 0 : i32
        %dma_start3A_414 = arith.constant 0 : i32
        %dma_start3A_415 = arith.constant 896 : i32
        %dma_start3A_416 = arith.constant 0 : i32
        %dma_start3A_417 = tpu.memref_slice %arg6[%dma_start3A_414, %dma_start3A_415, %dma_start3A_416] : memref<2x1280x32xf32, #tpu.memory_space<vmem>> -> memref<1x128x32xf32, #tpu.memory_space<vmem>>
        %dma_start3A_418 = tpu.memref_squeeze %dma_start3A_417 : memref<1x128x32xf32, #tpu.memory_space<vmem>> -> memref<128x32xf32, #tpu.memory_space<vmem>>
        %dma_start3A_419 = arith.constant 896 : i32
        %dma_start3A_420 = tpu.memref_slice %arg5[%dma_start3A_413, %dma_start3A_419] : memref<2x1280xi32, #tpu.memory_space<vmem>> -> memref<1x128xi32, #tpu.memory_space<vmem>>
        %dma_start3A_421 = tpu.memref_squeeze %dma_start3A_420 : memref<1x128xi32, #tpu.memory_space<vmem>> -> memref<128xi32, #tpu.memory_space<vmem>>
        %dma_start3A_422 = arith.constant 0 : i32
        %dma_start3A_423 = arith.constant 0 : i32
        %dma_start3A_424 = tpu.memref_slice %arg3[%dma_start3A_422, %dma_start3A_423] : memref<1000000x32xf32, #tpu.memory_space<hbm>> -> memref<1000000x32xf32, #tpu.memory_space<hbm>>
        tpu.enqueue_indirect_dma source(%dma_start3A_424 : memref<1000000x32xf32, #tpu.memory_space<hbm>>) target(%dma_start3A_418 : memref<128x32xf32, #tpu.memory_space<vmem>>) offsets(%dma_start3A_421 : memref<128xi32, #tpu.memory_space<vmem>>) semaphore(%arg8 : memref<!tpu.dma_semaphore, #tpu.memory_space<semaphore_mem>>)
        %dma_start3A_425 = arith.constant 0 : i32
        %dma_start3A_426 = arith.constant 0 : i32
        %dma_start3A_427 = arith.constant 1024 : i32
        %dma_start3A_428 = arith.constant 0 : i32
        %dma_start3A_429 = tpu.memref_slice %arg6[%dma_start3A_426, %dma_start3A_427, %dma_start3A_428] : memref<2x1280x32xf32, #tpu.memory_space<vmem>> -> memref<1x128x32xf32, #tpu.memory_space<vmem>>
        %dma_start3A_430 = tpu.memref_squeeze %dma_start3A_429 : memref<1x128x32xf32, #tpu.memory_space<vmem>> -> memref<128x32xf32, #tpu.memory_space<vmem>>
        %dma_start3A_431 = arith.constant 1024 : i32
        %dma_start3A_432 = tpu.memref_slice %arg5[%dma_start3A_425, %dma_start3A_431] : memref<2x1280xi32, #tpu.memory_space<vmem>> -> memref<1x128xi32, #tpu.memory_space<vmem>>
        %dma_start3A_433 = tpu.memref_squeeze %dma_start3A_432 : memref<1x128xi32, #tpu.memory_space<vmem>> -> memref<128xi32, #tpu.memory_space<vmem>>
        %dma_start3A_434 = arith.constant 0 : i32
        %dma_start3A_435 = arith.constant 0 : i32
        %dma_start3A_436 = tpu.memref_slice %arg3[%dma_start3A_434, %dma_start3A_435] : memref<1000000x32xf32, #tpu.memory_space<hbm>> -> memref<1000000x32xf32, #tpu.memory_space<hbm>>
        tpu.enqueue_indirect_dma source(%dma_start3A_436 : memref<1000000x32xf32, #tpu.memory_space<hbm>>) target(%dma_start3A_430 : memref<128x32xf32, #tpu.memory_space<vmem>>) offsets(%dma_start3A_433 : memref<128xi32, #tpu.memory_space<vmem>>) semaphore(%arg8 : memref<!tpu.dma_semaphore, #tpu.memory_space<semaphore_mem>>)
        %dma_start3A_437 = arith.constant 0 : i32
        %dma_start3A_438 = arith.constant 0 : i32
        %dma_start3A_439 = arith.constant 1152 : i32
        %dma_start3A_440 = arith.constant 0 : i32
        %dma_start3A_441 = tpu.memref_slice %arg6[%dma_start3A_438, %dma_start3A_439, %dma_start3A_440] : memref<2x1280x32xf32, #tpu.memory_space<vmem>> -> memref<1x128x32xf32, #tpu.memory_space<vmem>>
        %dma_start3A_442 = tpu.memref_squeeze %dma_start3A_441 : memref<1x128x32xf32, #tpu.memory_space<vmem>> -> memref<128x32xf32, #tpu.memory_space<vmem>>
        %dma_start3A_443 = arith.constant 1152 : i32
        %dma_start3A_444 = tpu.memref_slice %arg5[%dma_start3A_437, %dma_start3A_443] : memref<2x1280xi32, #tpu.memory_space<vmem>> -> memref<1x128xi32, #tpu.memory_space<vmem>>
        %dma_start3A_445 = tpu.memref_squeeze %dma_start3A_444 : memref<1x128xi32, #tpu.memory_space<vmem>> -> memref<128xi32, #tpu.memory_space<vmem>>
        %dma_start3A_446 = arith.constant 0 : i32
        %dma_start3A_447 = arith.constant 0 : i32
        %dma_start3A_448 = tpu.memref_slice %arg3[%dma_start3A_446, %dma_start3A_447] : memref<1000000x32xf32, #tpu.memory_space<hbm>> -> memref<1000000x32xf32, #tpu.memory_space<hbm>>
        tpu.enqueue_indirect_dma source(%dma_start3A_448 : memref<1000000x32xf32, #tpu.memory_space<hbm>>) target(%dma_start3A_442 : memref<128x32xf32, #tpu.memory_space<vmem>>) offsets(%dma_start3A_445 : memref<128xi32, #tpu.memory_space<vmem>>) semaphore(%arg8 : memref<!tpu.dma_semaphore, #tpu.memory_space<semaphore_mem>>)
      } else {
      }
      %mul3A_287 = arith.constant 2 : i32
      %mul3A_288 = arith.muli %mul3A_287, %scan3A_254 : i32
      %add3A_289 = arith.constant 1 : i32
      %add3A_290 = arith.addi %mul3A_288, %add3A_289 : i32
      %dma_wait3A_291 = arith.constant 1 : i32
      %dma_wait3A_292 = arith.constant 0 : i32
      %dma_wait3A_293 = arith.constant 0 : i32
      %dma_wait3A_294 = tpu.memref_slice %arg6[%dma_wait3A_291, %dma_wait3A_292, %dma_wait3A_293] : memref<2x1280x32xf32, #tpu.memory_space<vmem>> -> memref<1x1280x32xf32, #tpu.memory_space<vmem>>
      %dma_wait3A_295 = tpu.memref_squeeze %dma_wait3A_294 : memref<1x1280x32xf32, #tpu.memory_space<vmem>> -> memref<1280x32xf32, #tpu.memory_space<vmem>>
      %dma_wait3A_296 = arith.constant 0 : i32
      %dma_wait3A_297 = arith.constant 0 : i32
      %dma_wait3A_298 = tpu.memref_slice %arg3[%dma_wait3A_296, %dma_wait3A_297] : memref<1000000x32xf32, #tpu.memory_space<hbm>> -> memref<1280x32xf32, #tpu.memory_space<hbm>>
      %dma_wait3A_299 = arith.constant 0 : i32
      %dma_wait3A_300 = arith.constant 0 : i32
      %dma_wait3A_301 = tpu.memref_slice %arg6[%dma_wait3A_291, %dma_wait3A_299, %dma_wait3A_300] : memref<2x1280x32xf32, #tpu.memory_space<vmem>> -> memref<1x1280x32xf32, #tpu.memory_space<vmem>>
      %dma_wait3A_302 = tpu.memref_squeeze %dma_wait3A_301 : memref<1x1280x32xf32, #tpu.memory_space<vmem>> -> memref<1280x32xf32, #tpu.memory_space<vmem>>
      %dma_wait3A_303 = arith.constant 0 : i32
      %dma_wait3A_304 = arith.constant 0 : i32
      %dma_wait3A_305 = tpu.memref_slice %arg3[%dma_wait3A_303, %dma_wait3A_304] : memref<1000000x32xf32, #tpu.memory_space<hbm>> -> memref<1280x32xf32, #tpu.memory_space<hbm>>
      tpu.wait_dma2 semaphore(%arg9 : memref<!tpu.dma_semaphore, #tpu.memory_space<semaphore_mem>>) src(%dma_wait3A_305 : memref<1280x32xf32, #tpu.memory_space<hbm>>) dst(%dma_wait3A_302 : memref<1280x32xf32, #tpu.memory_space<vmem>>)
      %scan3A_306 = arith.constant 0 : i32
      %scan3A_307 = arith.constant 0 : i32
      %scan3A_308 = arith.constant 64 : i32
      %scan3A_309 = arith.addi %scan3A_307, %scan3A_308 : i32
      %scan3A_310 = arith.constant 1 : i32
      scf.for %scan3A_323 = %scan3A_307 to %scan3A_309 step %scan3A_310  : i32 {
        %mul3A_324 = arith.constant 20 : i32
        %mul3A_325 = arith.muli %scan3A_323, %mul3A_324 : i32
        %get3A = arith.constant 1 : i32
        %get3A_326 = arith.index_cast %get3A : i32 to index
        %get3A_327 = arith.index_cast %mul3A_325 : i32 to index
        %get3A_328 = arith.constant 0 : index
        %get3A_329 = tpu.vector_load %arg6[%get3A_326, %get3A_327, %get3A_328] {strides = array<i32>} : memref<2x1280x32xf32, #tpu.memory_space<vmem>>, vector<1x1x16xf32>,
        %get3A_330 = vector.shape_cast %get3A_329 : vector<1x1x16xf32> to vector<16xf32>
        %get3A_331 = arith.constant 1 : i32
        %get3A_332 = arith.index_cast %get3A_331 : i32 to index
        %get3A_333 = arith.index_cast %mul3A_325 : i32 to index
        %get3A_334 = arith.constant 16 : index
        %get3A_335 = tpu.vector_load %arg6[%get3A_332, %get3A_333, %get3A_334] {strides = array<i32>} : memref<2x1280x32xf32, #tpu.memory_space<vmem>>, vector<1x1x16xf32>,
        %get3A_336 = vector.shape_cast %get3A_335 : vector<1x1x16xf32> to vector<16xf32>
        %add3A_337 = arith.constant 1 : i32
        %add3A_338 = arith.addi %mul3A_325, %add3A_337 : i32
        %get3A_339 = arith.constant 1 : i32
        %get3A_340 = arith.index_cast %get3A_339 : i32 to index
        %get3A_341 = arith.index_cast %add3A_338 : i32 to index
        %get3A_342 = arith.constant 0 : index
        %get3A_343 = tpu.vector_load %arg6[%get3A_340, %get3A_341, %get3A_342] {strides = array<i32>} : memref<2x1280x32xf32, #tpu.memory_space<vmem>>, vector<1x1x16xf32>,
        %get3A_344 = vector.shape_cast %get3A_343 : vector<1x1x16xf32> to vector<16xf32>
        %add3A_345 = arith.addf %get3A_330, %get3A_344 : vector<16xf32>
        %add3A_346 = arith.constant 1 : i32
        %add3A_347 = arith.addi %mul3A_325, %add3A_346 : i32
        %get3A_348 = arith.constant 1 : i32
        %get3A_349 = arith.index_cast %get3A_348 : i32 to index
        %get3A_350 = arith.index_cast %add3A_347 : i32 to index
        %get3A_351 = arith.constant 16 : index
        %get3A_352 = tpu.vector_load %arg6[%get3A_349, %get3A_350, %get3A_351] {strides = array<i32>} : memref<2x1280x32xf32, #tpu.memory_space<vmem>>, vector<1x1x16xf32>,
        %get3A_353 = vector.shape_cast %get3A_352 : vector<1x1x16xf32> to vector<16xf32>
        %add3A_354 = arith.addf %get3A_336, %get3A_353 : vector<16xf32>
        %add3A_355 = arith.constant 2 : i32
        %add3A_356 = arith.addi %mul3A_325, %add3A_355 : i32
        %get3A_357 = arith.constant 1 : i32
        %get3A_358 = arith.index_cast %get3A_357 : i32 to index
        %get3A_359 = arith.index_cast %add3A_356 : i32 to index
        %get3A_360 = arith.constant 0 : index
        %get3A_361 = tpu.vector_load %arg6[%get3A_358, %get3A_359, %get3A_360] {strides = array<i32>} : memref<2x1280x32xf32, #tpu.memory_space<vmem>>, vector<1x1x16xf32>,
        %get3A_362 = vector.shape_cast %get3A_361 : vector<1x1x16xf32> to vector<16xf32>
        %add3A_363 = arith.addf %add3A_345, %get3A_362 : vector<16xf32>
        %add3A_364 = arith.constant 2 : i32
        %add3A_365 = arith.addi %mul3A_325, %add3A_364 : i32
        %get3A_366 = arith.constant 1 : i32
        %get3A_367 = arith.index_cast %get3A_366 : i32 to index
        %get3A_368 = arith.index_cast %add3A_365 : i32 to index
        %get3A_369 = arith.constant 16 : index
        %get3A_370 = tpu.vector_load %arg6[%get3A_367, %get3A_368, %get3A_369] {strides = array<i32>} : memref<2x1280x32xf32, #tpu.memory_space<vmem>>, vector<1x1x16xf32>,
        %get3A_371 = vector.shape_cast %get3A_370 : vector<1x1x16xf32> to vector<16xf32>
        %add3A_372 = arith.addf %add3A_354, %get3A_371 : vector<16xf32>
        %add3A_373 = arith.constant 3 : i32
        %add3A_374 = arith.addi %mul3A_325, %add3A_373 : i32
        %get3A_375 = arith.constant 1 : i32
        %get3A_376 = arith.index_cast %get3A_375 : i32 to index
        %get3A_377 = arith.index_cast %add3A_374 : i32 to index
        %get3A_378 = arith.constant 0 : index
        %get3A_379 = tpu.vector_load %arg6[%get3A_376, %get3A_377, %get3A_378] {strides = array<i32>} : memref<2x1280x32xf32, #tpu.memory_space<vmem>>, vector<1x1x16xf32>,
        %get3A_380 = vector.shape_cast %get3A_379 : vector<1x1x16xf32> to vector<16xf32>
        %add3A_381 = arith.addf %add3A_363, %get3A_380 : vector<16xf32>
        %add3A_382 = arith.constant 3 : i32
        %add3A_383 = arith.addi %mul3A_325, %add3A_382 : i32
        %get3A_384 = arith.constant 1 : i32
        %get3A_385 = arith.index_cast %get3A_384 : i32 to index
        %get3A_386 = arith.index_cast %add3A_383 : i32 to index
        %get3A_387 = arith.constant 16 : index
        %get3A_388 = tpu.vector_load %arg6[%get3A_385, %get3A_386, %get3A_387] {strides = array<i32>} : memref<2x1280x32xf32, #tpu.memory_space<vmem>>, vector<1x1x16xf32>,
        %get3A_389 = vector.shape_cast %get3A_388 : vector<1x1x16xf32> to vector<16xf32>
        %add3A_390 = arith.addf %add3A_372, %get3A_389 : vector<16xf32>
        %add3A_391 = arith.constant 4 : i32
        %add3A_392 = arith.addi %mul3A_325, %add3A_391 : i32
        %get3A_393 = arith.constant 1 : i32
        %get3A_394 = arith.index_cast %get3A_393 : i32 to index
        %get3A_395 = arith.index_cast %add3A_392 : i32 to index
        %get3A_396 = arith.constant 0 : index
        %get3A_397 = tpu.vector_load %arg6[%get3A_394, %get3A_395, %get3A_396] {strides = array<i32>} : memref<2x1280x32xf32, #tpu.memory_space<vmem>>, vector<1x1x16xf32>,
        %get3A_398 = vector.shape_cast %get3A_397 : vector<1x1x16xf32> to vector<16xf32>
        %add3A_399 = arith.addf %add3A_381, %get3A_398 : vector<16xf32>
        %add3A_400 = arith.constant 4 : i32
        %add3A_401 = arith.addi %mul3A_325, %add3A_400 : i32
        %get3A_402 = arith.constant 1 : i32
        %get3A_403 = arith.index_cast %get3A_402 : i32 to index
        %get3A_404 = arith.index_cast %add3A_401 : i32 to index
        %get3A_405 = arith.constant 16 : index
        %get3A_406 = tpu.vector_load %arg6[%get3A_403, %get3A_404, %get3A_405] {strides = array<i32>} : memref<2x1280x32xf32, #tpu.memory_space<vmem>>, vector<1x1x16xf32>,
        %get3A_407 = vector.shape_cast %get3A_406 : vector<1x1x16xf32> to vector<16xf32>
        %add3A_408 = arith.addf %add3A_390, %get3A_407 : vector<16xf32>
        %add3A_409 = arith.constant 5 : i32
        %add3A_410 = arith.addi %mul3A_325, %add3A_409 : i32
        %get3A_411 = arith.constant 1 : i32
        %get3A_412 = arith.index_cast %get3A_411 : i32 to index
        %get3A_413 = arith.index_cast %add3A_410 : i32 to index
        %get3A_414 = arith.constant 0 : index
        %get3A_415 = tpu.vector_load %arg6[%get3A_412, %get3A_413, %get3A_414] {strides = array<i32>} : memref<2x1280x32xf32, #tpu.memory_space<vmem>>, vector<1x1x16xf32>,
        %get3A_416 = vector.shape_cast %get3A_415 : vector<1x1x16xf32> to vector<16xf32>
        %add3A_417 = arith.addf %add3A_399, %get3A_416 : vector<16xf32>
        %add3A_418 = arith.constant 5 : i32
        %add3A_419 = arith.addi %mul3A_325, %add3A_418 : i32
        %get3A_420 = arith.constant 1 : i32
        %get3A_421 = arith.index_cast %get3A_420 : i32 to index
        %get3A_422 = arith.index_cast %add3A_419 : i32 to index
        %get3A_423 = arith.constant 16 : index
        %get3A_424 = tpu.vector_load %arg6[%get3A_421, %get3A_422, %get3A_423] {strides = array<i32>} : memref<2x1280x32xf32, #tpu.memory_space<vmem>>, vector<1x1x16xf32>,
        %get3A_425 = vector.shape_cast %get3A_424 : vector<1x1x16xf32> to vector<16xf32>
        %add3A_426 = arith.addf %add3A_408, %get3A_425 : vector<16xf32>
        %add3A_427 = arith.constant 6 : i32
        %add3A_428 = arith.addi %mul3A_325, %add3A_427 : i32
        %get3A_429 = arith.constant 1 : i32
        %get3A_430 = arith.index_cast %get3A_429 : i32 to index
        %get3A_431 = arith.index_cast %add3A_428 : i32 to index
        %get3A_432 = arith.constant 0 : index
        %get3A_433 = tpu.vector_load %arg6[%get3A_430, %get3A_431, %get3A_432] {strides = array<i32>} : memref<2x1280x32xf32, #tpu.memory_space<vmem>>, vector<1x1x16xf32>,
        %get3A_434 = vector.shape_cast %get3A_433 : vector<1x1x16xf32> to vector<16xf32>
        %add3A_435 = arith.addf %add3A_417, %get3A_434 : vector<16xf32>
        %add3A_436 = arith.constant 6 : i32
        %add3A_437 = arith.addi %mul3A_325, %add3A_436 : i32
        %get3A_438 = arith.constant 1 : i32
        %get3A_439 = arith.index_cast %get3A_438 : i32 to index
        %get3A_440 = arith.index_cast %add3A_437 : i32 to index
        %get3A_441 = arith.constant 16 : index
        %get3A_442 = tpu.vector_load %arg6[%get3A_439, %get3A_440, %get3A_441] {strides = array<i32>} : memref<2x1280x32xf32, #tpu.memory_space<vmem>>, vector<1x1x16xf32>,
        %get3A_443 = vector.shape_cast %get3A_442 : vector<1x1x16xf32> to vector<16xf32>
        %add3A_444 = arith.addf %add3A_426, %get3A_443 : vector<16xf32>
        %add3A_445 = arith.constant 7 : i32
        %add3A_446 = arith.addi %mul3A_325, %add3A_445 : i32
        %get3A_447 = arith.constant 1 : i32
        %get3A_448 = arith.index_cast %get3A_447 : i32 to index
        %get3A_449 = arith.index_cast %add3A_446 : i32 to index
        %get3A_450 = arith.constant 0 : index
        %get3A_451 = tpu.vector_load %arg6[%get3A_448, %get3A_449, %get3A_450] {strides = array<i32>} : memref<2x1280x32xf32, #tpu.memory_space<vmem>>, vector<1x1x16xf32>,
        %get3A_452 = vector.shape_cast %get3A_451 : vector<1x1x16xf32> to vector<16xf32>
        %add3A_453 = arith.addf %add3A_435, %get3A_452 : vector<16xf32>
        %add3A_454 = arith.constant 7 : i32
        %add3A_455 = arith.addi %mul3A_325, %add3A_454 : i32
        %get3A_456 = arith.constant 1 : i32
        %get3A_457 = arith.index_cast %get3A_456 : i32 to index
        %get3A_458 = arith.index_cast %add3A_455 : i32 to index
        %get3A_459 = arith.constant 16 : index
        %get3A_460 = tpu.vector_load %arg6[%get3A_457, %get3A_458, %get3A_459] {strides = array<i32>} : memref<2x1280x32xf32, #tpu.memory_space<vmem>>, vector<1x1x16xf32>,
        %get3A_461 = vector.shape_cast %get3A_460 : vector<1x1x16xf32> to vector<16xf32>
        %add3A_462 = arith.addf %add3A_444, %get3A_461 : vector<16xf32>
        %add3A_463 = arith.constant 8 : i32
        %add3A_464 = arith.addi %mul3A_325, %add3A_463 : i32
        %get3A_465 = arith.constant 1 : i32
        %get3A_466 = arith.index_cast %get3A_465 : i32 to index
        %get3A_467 = arith.index_cast %add3A_464 : i32 to index
        %get3A_468 = arith.constant 0 : index
        %get3A_469 = tpu.vector_load %arg6[%get3A_466, %get3A_467, %get3A_468] {strides = array<i32>} : memref<2x1280x32xf32, #tpu.memory_space<vmem>>, vector<1x1x16xf32>,
        %get3A_470 = vector.shape_cast %get3A_469 : vector<1x1x16xf32> to vector<16xf32>
        %add3A_471 = arith.addf %add3A_453, %get3A_470 : vector<16xf32>
        %add3A_472 = arith.constant 8 : i32
        %add3A_473 = arith.addi %mul3A_325, %add3A_472 : i32
        %get3A_474 = arith.constant 1 : i32
        %get3A_475 = arith.index_cast %get3A_474 : i32 to index
        %get3A_476 = arith.index_cast %add3A_473 : i32 to index
        %get3A_477 = arith.constant 16 : index
        %get3A_478 = tpu.vector_load %arg6[%get3A_475, %get3A_476, %get3A_477] {strides = array<i32>} : memref<2x1280x32xf32, #tpu.memory_space<vmem>>, vector<1x1x16xf32>,
        %get3A_479 = vector.shape_cast %get3A_478 : vector<1x1x16xf32> to vector<16xf32>
        %add3A_480 = arith.addf %add3A_462, %get3A_479 : vector<16xf32>
        %add3A_481 = arith.constant 9 : i32
        %add3A_482 = arith.addi %mul3A_325, %add3A_481 : i32
        %get3A_483 = arith.constant 1 : i32
        %get3A_484 = arith.index_cast %get3A_483 : i32 to index
        %get3A_485 = arith.index_cast %add3A_482 : i32 to index
        %get3A_486 = arith.constant 0 : index
        %get3A_487 = tpu.vector_load %arg6[%get3A_484, %get3A_485, %get3A_486] {strides = array<i32>} : memref<2x1280x32xf32, #tpu.memory_space<vmem>>, vector<1x1x16xf32>,
        %get3A_488 = vector.shape_cast %get3A_487 : vector<1x1x16xf32> to vector<16xf32>
        %add3A_489 = arith.addf %add3A_471, %get3A_488 : vector<16xf32>
        %add3A_490 = arith.constant 9 : i32
        %add3A_491 = arith.addi %mul3A_325, %add3A_490 : i32
        %get3A_492 = arith.constant 1 : i32
        %get3A_493 = arith.index_cast %get3A_492 : i32 to index
        %get3A_494 = arith.index_cast %add3A_491 : i32 to index
        %get3A_495 = arith.constant 16 : index
        %get3A_496 = tpu.vector_load %arg6[%get3A_493, %get3A_494, %get3A_495] {strides = array<i32>} : memref<2x1280x32xf32, #tpu.memory_space<vmem>>, vector<1x1x16xf32>,
        %get3A_497 = vector.shape_cast %get3A_496 : vector<1x1x16xf32> to vector<16xf32>
        %add3A_498 = arith.addf %add3A_480, %get3A_497 : vector<16xf32>
        %add3A_499 = arith.constant 10 : i32
        %add3A_500 = arith.addi %mul3A_325, %add3A_499 : i32
        %get3A_501 = arith.constant 1 : i32
        %get3A_502 = arith.index_cast %get3A_501 : i32 to index
        %get3A_503 = arith.index_cast %add3A_500 : i32 to index
        %get3A_504 = arith.constant 0 : index
        %get3A_505 = tpu.vector_load %arg6[%get3A_502, %get3A_503, %get3A_504] {strides = array<i32>} : memref<2x1280x32xf32, #tpu.memory_space<vmem>>, vector<1x1x16xf32>,
        %get3A_506 = vector.shape_cast %get3A_505 : vector<1x1x16xf32> to vector<16xf32>
        %add3A_507 = arith.addf %add3A_489, %get3A_506 : vector<16xf32>
        %add3A_508 = arith.constant 10 : i32
        %add3A_509 = arith.addi %mul3A_325, %add3A_508 : i32
        %get3A_510 = arith.constant 1 : i32
        %get3A_511 = arith.index_cast %get3A_510 : i32 to index
        %get3A_512 = arith.index_cast %add3A_509 : i32 to index
        %get3A_513 = arith.constant 16 : index
        %get3A_514 = tpu.vector_load %arg6[%get3A_511, %get3A_512, %get3A_513] {strides = array<i32>} : memref<2x1280x32xf32, #tpu.memory_space<vmem>>, vector<1x1x16xf32>,
        %get3A_515 = vector.shape_cast %get3A_514 : vector<1x1x16xf32> to vector<16xf32>
        %add3A_516 = arith.addf %add3A_498, %get3A_515 : vector<16xf32>
        %add3A_517 = arith.constant 11 : i32
        %add3A_518 = arith.addi %mul3A_325, %add3A_517 : i32
        %get3A_519 = arith.constant 1 : i32
        %get3A_520 = arith.index_cast %get3A_519 : i32 to index
        %get3A_521 = arith.index_cast %add3A_518 : i32 to index
        %get3A_522 = arith.constant 0 : index
        %get3A_523 = tpu.vector_load %arg6[%get3A_520, %get3A_521, %get3A_522] {strides = array<i32>} : memref<2x1280x32xf32, #tpu.memory_space<vmem>>, vector<1x1x16xf32>,
        %get3A_524 = vector.shape_cast %get3A_523 : vector<1x1x16xf32> to vector<16xf32>
        %add3A_525 = arith.addf %add3A_507, %get3A_524 : vector<16xf32>
        %add3A_526 = arith.constant 11 : i32
        %add3A_527 = arith.addi %mul3A_325, %add3A_526 : i32
        %get3A_528 = arith.constant 1 : i32
        %get3A_529 = arith.index_cast %get3A_528 : i32 to index
        %get3A_530 = arith.index_cast %add3A_527 : i32 to index
        %get3A_531 = arith.constant 16 : index
        %get3A_532 = tpu.vector_load %arg6[%get3A_529, %get3A_530, %get3A_531] {strides = array<i32>} : memref<2x1280x32xf32, #tpu.memory_space<vmem>>, vector<1x1x16xf32>,
        %get3A_533 = vector.shape_cast %get3A_532 : vector<1x1x16xf32> to vector<16xf32>
        %add3A_534 = arith.addf %add3A_516, %get3A_533 : vector<16xf32>
        %add3A_535 = arith.constant 12 : i32
        %add3A_536 = arith.addi %mul3A_325, %add3A_535 : i32
        %get3A_537 = arith.constant 1 : i32
        %get3A_538 = arith.index_cast %get3A_537 : i32 to index
        %get3A_539 = arith.index_cast %add3A_536 : i32 to index
        %get3A_540 = arith.constant 0 : index
        %get3A_541 = tpu.vector_load %arg6[%get3A_538, %get3A_539, %get3A_540] {strides = array<i32>} : memref<2x1280x32xf32, #tpu.memory_space<vmem>>, vector<1x1x16xf32>,
        %get3A_542 = vector.shape_cast %get3A_541 : vector<1x1x16xf32> to vector<16xf32>
        %add3A_543 = arith.addf %add3A_525, %get3A_542 : vector<16xf32>
        %add3A_544 = arith.constant 12 : i32
        %add3A_545 = arith.addi %mul3A_325, %add3A_544 : i32
        %get3A_546 = arith.constant 1 : i32
        %get3A_547 = arith.index_cast %get3A_546 : i32 to index
        %get3A_548 = arith.index_cast %add3A_545 : i32 to index
        %get3A_549 = arith.constant 16 : index
        %get3A_550 = tpu.vector_load %arg6[%get3A_547, %get3A_548, %get3A_549] {strides = array<i32>} : memref<2x1280x32xf32, #tpu.memory_space<vmem>>, vector<1x1x16xf32>,
        %get3A_551 = vector.shape_cast %get3A_550 : vector<1x1x16xf32> to vector<16xf32>
        %add3A_552 = arith.addf %add3A_534, %get3A_551 : vector<16xf32>
        %add3A_553 = arith.constant 13 : i32
        %add3A_554 = arith.addi %mul3A_325, %add3A_553 : i32
        %get3A_555 = arith.constant 1 : i32
        %get3A_556 = arith.index_cast %get3A_555 : i32 to index
        %get3A_557 = arith.index_cast %add3A_554 : i32 to index
        %get3A_558 = arith.constant 0 : index
        %get3A_559 = tpu.vector_load %arg6[%get3A_556, %get3A_557, %get3A_558] {strides = array<i32>} : memref<2x1280x32xf32, #tpu.memory_space<vmem>>, vector<1x1x16xf32>,
        %get3A_560 = vector.shape_cast %get3A_559 : vector<1x1x16xf32> to vector<16xf32>
        %add3A_561 = arith.addf %add3A_543, %get3A_560 : vector<16xf32>
        %add3A_562 = arith.constant 13 : i32
        %add3A_563 = arith.addi %mul3A_325, %add3A_562 : i32
        %get3A_564 = arith.constant 1 : i32
        %get3A_565 = arith.index_cast %get3A_564 : i32 to index
        %get3A_566 = arith.index_cast %add3A_563 : i32 to index
        %get3A_567 = arith.constant 16 : index
        %get3A_568 = tpu.vector_load %arg6[%get3A_565, %get3A_566, %get3A_567] {strides = array<i32>} : memref<2x1280x32xf32, #tpu.memory_space<vmem>>, vector<1x1x16xf32>,
        %get3A_569 = vector.shape_cast %get3A_568 : vector<1x1x16xf32> to vector<16xf32>
        %add3A_570 = arith.addf %add3A_552, %get3A_569 : vector<16xf32>
        %add3A_571 = arith.constant 14 : i32
        %add3A_572 = arith.addi %mul3A_325, %add3A_571 : i32
        %get3A_573 = arith.constant 1 : i32
        %get3A_574 = arith.index_cast %get3A_573 : i32 to index
        %get3A_575 = arith.index_cast %add3A_572 : i32 to index
        %get3A_576 = arith.constant 0 : index
        %get3A_577 = tpu.vector_load %arg6[%get3A_574, %get3A_575, %get3A_576] {strides = array<i32>} : memref<2x1280x32xf32, #tpu.memory_space<vmem>>, vector<1x1x16xf32>,
        %get3A_578 = vector.shape_cast %get3A_577 : vector<1x1x16xf32> to vector<16xf32>
        %add3A_579 = arith.addf %add3A_561, %get3A_578 : vector<16xf32>
        %add3A_580 = arith.constant 14 : i32
        %add3A_581 = arith.addi %mul3A_325, %add3A_580 : i32
        %get3A_582 = arith.constant 1 : i32
        %get3A_583 = arith.index_cast %get3A_582 : i32 to index
        %get3A_584 = arith.index_cast %add3A_581 : i32 to index
        %get3A_585 = arith.constant 16 : index
        %get3A_586 = tpu.vector_load %arg6[%get3A_583, %get3A_584, %get3A_585] {strides = array<i32>} : memref<2x1280x32xf32, #tpu.memory_space<vmem>>, vector<1x1x16xf32>,
        %get3A_587 = vector.shape_cast %get3A_586 : vector<1x1x16xf32> to vector<16xf32>
        %add3A_588 = arith.addf %add3A_570, %get3A_587 : vector<16xf32>
        %add3A_589 = arith.constant 15 : i32
        %add3A_590 = arith.addi %mul3A_325, %add3A_589 : i32
        %get3A_591 = arith.constant 1 : i32
        %get3A_592 = arith.index_cast %get3A_591 : i32 to index
        %get3A_593 = arith.index_cast %add3A_590 : i32 to index
        %get3A_594 = arith.constant 0 : index
        %get3A_595 = tpu.vector_load %arg6[%get3A_592, %get3A_593, %get3A_594] {strides = array<i32>} : memref<2x1280x32xf32, #tpu.memory_space<vmem>>, vector<1x1x16xf32>,
        %get3A_596 = vector.shape_cast %get3A_595 : vector<1x1x16xf32> to vector<16xf32>
        %add3A_597 = arith.addf %add3A_579, %get3A_596 : vector<16xf32>
        %add3A_598 = arith.constant 15 : i32
        %add3A_599 = arith.addi %mul3A_325, %add3A_598 : i32
        %get3A_600 = arith.constant 1 : i32
        %get3A_601 = arith.index_cast %get3A_600 : i32 to index
        %get3A_602 = arith.index_cast %add3A_599 : i32 to index
        %get3A_603 = arith.constant 16 : index
        %get3A_604 = tpu.vector_load %arg6[%get3A_601, %get3A_602, %get3A_603] {strides = array<i32>} : memref<2x1280x32xf32, #tpu.memory_space<vmem>>, vector<1x1x16xf32>,
        %get3A_605 = vector.shape_cast %get3A_604 : vector<1x1x16xf32> to vector<16xf32>
        %add3A_606 = arith.addf %add3A_588, %get3A_605 : vector<16xf32>
        %add3A_607 = arith.constant 16 : i32
        %add3A_608 = arith.addi %mul3A_325, %add3A_607 : i32
        %get3A_609 = arith.constant 1 : i32
        %get3A_610 = arith.index_cast %get3A_609 : i32 to index
        %get3A_611 = arith.index_cast %add3A_608 : i32 to index
        %get3A_612 = arith.constant 0 : index
        %get3A_613 = tpu.vector_load %arg6[%get3A_610, %get3A_611, %get3A_612] {strides = array<i32>} : memref<2x1280x32xf32, #tpu.memory_space<vmem>>, vector<1x1x16xf32>,
        %get3A_614 = vector.shape_cast %get3A_613 : vector<1x1x16xf32> to vector<16xf32>
        %add3A_615 = arith.addf %add3A_597, %get3A_614 : vector<16xf32>
        %add3A_616 = arith.constant 16 : i32
        %add3A_617 = arith.addi %mul3A_325, %add3A_616 : i32
        %get3A_618 = arith.constant 1 : i32
        %get3A_619 = arith.index_cast %get3A_618 : i32 to index
        %get3A_620 = arith.index_cast %add3A_617 : i32 to index
        %get3A_621 = arith.constant 16 : index
        %get3A_622 = tpu.vector_load %arg6[%get3A_619, %get3A_620, %get3A_621] {strides = array<i32>} : memref<2x1280x32xf32, #tpu.memory_space<vmem>>, vector<1x1x16xf32>,
        %get3A_623 = vector.shape_cast %get3A_622 : vector<1x1x16xf32> to vector<16xf32>
        %add3A_624 = arith.addf %add3A_606, %get3A_623 : vector<16xf32>
        %add3A_625 = arith.constant 17 : i32
        %add3A_626 = arith.addi %mul3A_325, %add3A_625 : i32
        %get3A_627 = arith.constant 1 : i32
        %get3A_628 = arith.index_cast %get3A_627 : i32 to index
        %get3A_629 = arith.index_cast %add3A_626 : i32 to index
        %get3A_630 = arith.constant 0 : index
        %get3A_631 = tpu.vector_load %arg6[%get3A_628, %get3A_629, %get3A_630] {strides = array<i32>} : memref<2x1280x32xf32, #tpu.memory_space<vmem>>, vector<1x1x16xf32>,
        %get3A_632 = vector.shape_cast %get3A_631 : vector<1x1x16xf32> to vector<16xf32>
        %add3A_633 = arith.addf %add3A_615, %get3A_632 : vector<16xf32>
        %add3A_634 = arith.constant 17 : i32
        %add3A_635 = arith.addi %mul3A_325, %add3A_634 : i32
        %get3A_636 = arith.constant 1 : i32
        %get3A_637 = arith.index_cast %get3A_636 : i32 to index
        %get3A_638 = arith.index_cast %add3A_635 : i32 to index
        %get3A_639 = arith.constant 16 : index
        %get3A_640 = tpu.vector_load %arg6[%get3A_637, %get3A_638, %get3A_639] {strides = array<i32>} : memref<2x1280x32xf32, #tpu.memory_space<vmem>>, vector<1x1x16xf32>,
        %get3A_641 = vector.shape_cast %get3A_640 : vector<1x1x16xf32> to vector<16xf32>
        %add3A_642 = arith.addf %add3A_624, %get3A_641 : vector<16xf32>
        %add3A_643 = arith.constant 18 : i32
        %add3A_644 = arith.addi %mul3A_325, %add3A_643 : i32
        %get3A_645 = arith.constant 1 : i32
        %get3A_646 = arith.index_cast %get3A_645 : i32 to index
        %get3A_647 = arith.index_cast %add3A_644 : i32 to index
        %get3A_648 = arith.constant 0 : index
        %get3A_649 = tpu.vector_load %arg6[%get3A_646, %get3A_647, %get3A_648] {strides = array<i32>} : memref<2x1280x32xf32, #tpu.memory_space<vmem>>, vector<1x1x16xf32>,
        %get3A_650 = vector.shape_cast %get3A_649 : vector<1x1x16xf32> to vector<16xf32>
        %add3A_651 = arith.addf %add3A_633, %get3A_650 : vector<16xf32>
        %add3A_652 = arith.constant 18 : i32
        %add3A_653 = arith.addi %mul3A_325, %add3A_652 : i32
        %get3A_654 = arith.constant 1 : i32
        %get3A_655 = arith.index_cast %get3A_654 : i32 to index
        %get3A_656 = arith.index_cast %add3A_653 : i32 to index
        %get3A_657 = arith.constant 16 : index
        %get3A_658 = tpu.vector_load %arg6[%get3A_655, %get3A_656, %get3A_657] {strides = array<i32>} : memref<2x1280x32xf32, #tpu.memory_space<vmem>>, vector<1x1x16xf32>,
        %get3A_659 = vector.shape_cast %get3A_658 : vector<1x1x16xf32> to vector<16xf32>
        %add3A_660 = arith.addf %add3A_642, %get3A_659 : vector<16xf32>
        %add3A_661 = arith.constant 19 : i32
        %add3A_662 = arith.addi %mul3A_325, %add3A_661 : i32
        %get3A_663 = arith.constant 1 : i32
        %get3A_664 = arith.index_cast %get3A_663 : i32 to index
        %get3A_665 = arith.index_cast %add3A_662 : i32 to index
        %get3A_666 = arith.constant 0 : index
        %get3A_667 = tpu.vector_load %arg6[%get3A_664, %get3A_665, %get3A_666] {strides = array<i32>} : memref<2x1280x32xf32, #tpu.memory_space<vmem>>, vector<1x1x16xf32>,
        %get3A_668 = vector.shape_cast %get3A_667 : vector<1x1x16xf32> to vector<16xf32>
        %add3A_669 = arith.addf %add3A_651, %get3A_668 : vector<16xf32>
        %add3A_670 = arith.constant 19 : i32
        %add3A_671 = arith.addi %mul3A_325, %add3A_670 : i32
        %get3A_672 = arith.constant 1 : i32
        %get3A_673 = arith.index_cast %get3A_672 : i32 to index
        %get3A_674 = arith.index_cast %add3A_671 : i32 to index
        %get3A_675 = arith.constant 16 : index
        %get3A_676 = tpu.vector_load %arg6[%get3A_673, %get3A_674, %get3A_675] {strides = array<i32>} : memref<2x1280x32xf32, #tpu.memory_space<vmem>>, vector<1x1x16xf32>,
        %get3A_677 = vector.shape_cast %get3A_676 : vector<1x1x16xf32> to vector<16xf32>
        %add3A_678 = arith.addf %add3A_660, %get3A_677 : vector<16xf32>
        %swap3A = arith.constant 1 : i32
        %swap3A_679 = arith.index_cast %swap3A : i32 to index
        %swap3A_680 = arith.index_cast %scan3A_323 : i32 to index
        %swap3A_681 = arith.constant 0 : index
        %swap3A_682 = tpu.vector_load %arg7[%swap3A_679, %swap3A_680, %swap3A_681] {strides = array<i32>} : memref<2x64x32xf32, #tpu.memory_space<vmem>>, vector<1x1x16xf32>,
        %swap3A_683 = vector.shape_cast %swap3A_682 : vector<1x1x16xf32> to vector<16xf32>
        %swap3A_684 = vector.shape_cast %add3A_669 : vector<16xf32> to vector<1x1x16xf32>
        tpu.vector_store %arg7[%swap3A_679, %swap3A_680, %swap3A_681], %swap3A_684 {strides = array<i32>} : memref<2x64x32xf32, #tpu.memory_space<vmem>>, vector<1x1x16xf32>,
        %swap3A_685 = arith.constant 1 : i32
        %swap3A_686 = arith.index_cast %swap3A_685 : i32 to index
        %swap3A_687 = arith.index_cast %scan3A_323 : i32 to index
        %swap3A_688 = arith.constant 16 : index
        %swap3A_689 = tpu.vector_load %arg7[%swap3A_686, %swap3A_687, %swap3A_688] {strides = array<i32>} : memref<2x64x32xf32, #tpu.memory_space<vmem>>, vector<1x1x16xf32>,
        %swap3A_690 = vector.shape_cast %swap3A_689 : vector<1x1x16xf32> to vector<16xf32>
        %swap3A_691 = vector.shape_cast %add3A_678 : vector<16xf32> to vector<1x1x16xf32>
        tpu.vector_store %arg7[%swap3A_686, %swap3A_687, %swap3A_688], %swap3A_691 {strides = array<i32>} : memref<2x64x32xf32, #tpu.memory_space<vmem>>, vector<1x1x16xf32>,
      }
      %scan3A_311 = arith.constant 64 : i32
      %mul3A_312 = arith.constant 64 : i32
      %mul3A_313 = arith.muli %add3A_290, %mul3A_312 : i32
      %add3A_314 = arith.addi %mul3A_4, %mul3A_313 : i32
      %run_scoped3A_315 = arith.constant 1 : i32
      "tpu.region"() ({
        %run_scoped3A_323 = tpu.sem_alloc : memref<!tpu.dma_semaphore, #tpu.memory_space<semaphore_mem>>
        %dma_start3A_324 = arith.constant 0 : i32
        %dma_start3A_325 = arith.constant 0 : i32
        %dma_start3A_326 = tpu.memref_slice %arg7[%run_scoped3A_315, %dma_start3A_324, %dma_start3A_325] : memref<2x64x32xf32, #tpu.memory_space<vmem>> -> memref<1x64x32xf32, #tpu.memory_space<vmem>>
        %dma_start3A_327 = tpu.memref_squeeze %dma_start3A_326 : memref<1x64x32xf32, #tpu.memory_space<vmem>> -> memref<64x32xf32, #tpu.memory_space<vmem>>
        %dma_start3A_328 = arith.constant 0 : i32
        %dma_start3A_329 = tpu.memref_slice %arg4[%add3A_314, %dma_start3A_328] : memref<106496x32xf32, #tpu.memory_space<hbm>> -> memref<64x32xf32, #tpu.memory_space<hbm>>
        %dma_start3A_330 = arith.constant 0 : i32
        %dma_start3A_331 = tpu.memref_slice %arg4[%add3A_314, %dma_start3A_330] : memref<106496x32xf32, #tpu.memory_space<hbm>> -> memref<64x32xf32, #tpu.memory_space<hbm>>
        %dma_start3A_332 = arith.constant 0 : i32
        %dma_start3A_333 = arith.constant 0 : i32
        %dma_start3A_334 = tpu.memref_slice %arg7[%run_scoped3A_315, %dma_start3A_332, %dma_start3A_333] : memref<2x64x32xf32, #tpu.memory_space<vmem>> -> memref<1x64x32xf32, #tpu.memory_space<vmem>>
        %dma_start3A_335 = tpu.memref_squeeze %dma_start3A_334 : memref<1x64x32xf32, #tpu.memory_space<vmem>> -> memref<64x32xf32, #tpu.memory_space<vmem>>
        tpu.enqueue_dma source(%dma_start3A_335 : memref<64x32xf32, #tpu.memory_space<vmem>>) target(%dma_start3A_331 : memref<64x32xf32, #tpu.memory_space<hbm>>) target_semaphore(%run_scoped3A_323 : memref<!tpu.dma_semaphore, #tpu.memory_space<semaphore_mem>>)
        %dma_wait3A_336 = arith.constant 0 : i32
        %dma_wait3A_337 = arith.constant 0 : i32
        %dma_wait3A_338 = tpu.memref_slice %arg7[%run_scoped3A_315, %dma_wait3A_336, %dma_wait3A_337] : memref<2x64x32xf32, #tpu.memory_space<vmem>> -> memref<1x64x32xf32, #tpu.memory_space<vmem>>
        %dma_wait3A_339 = tpu.memref_squeeze %dma_wait3A_338 : memref<1x64x32xf32, #tpu.memory_space<vmem>> -> memref<64x32xf32, #tpu.memory_space<vmem>>
        %dma_wait3A_340 = arith.constant 0 : i32
        %dma_wait3A_341 = tpu.memref_slice %arg4[%add3A_314, %dma_wait3A_340] : memref<106496x32xf32, #tpu.memory_space<hbm>> -> memref<64x32xf32, #tpu.memory_space<hbm>>
        %dma_wait3A_342 = arith.constant 0 : i32
        %dma_wait3A_343 = tpu.memref_slice %arg4[%add3A_314, %dma_wait3A_342] : memref<106496x32xf32, #tpu.memory_space<hbm>> -> memref<64x32xf32, #tpu.memory_space<hbm>>
        %dma_wait3A_344 = arith.constant 0 : i32
        %dma_wait3A_345 = arith.constant 0 : i32
        %dma_wait3A_346 = tpu.memref_slice %arg7[%run_scoped3A_315, %dma_wait3A_344, %dma_wait3A_345] : memref<2x64x32xf32, #tpu.memory_space<vmem>> -> memref<1x64x32xf32, #tpu.memory_space<vmem>>
        %dma_wait3A_347 = tpu.memref_squeeze %dma_wait3A_346 : memref<1x64x32xf32, #tpu.memory_space<vmem>> -> memref<64x32xf32, #tpu.memory_space<vmem>>
        tpu.wait_dma2 semaphore(%run_scoped3A_323 : memref<!tpu.dma_semaphore, #tpu.memory_space<semaphore_mem>>) src(%dma_wait3A_347 : memref<64x32xf32, #tpu.memory_space<vmem>>) dst(%dma_wait3A_343 : memref<64x32xf32, #tpu.memory_space<hbm>>)
        tpu.yield
      }) : () -> ()
      %add3A_316 = arith.constant 2 : i32
      %add3A_317 = arith.addi %add3A_290, %add3A_316 : i32
      %lt3A_318 = arith.constant 52 : i32
      %lt3A_319 = arith.cmpi slt, %add3A_317, %lt3A_318 : i32
      %convert_element_type3A_320 = arith.extui %lt3A_319 : i1 to i32
      %cond3A_321 = arith.constant 0 : i32
      %cond3A_322 = arith.cmpi ne, %convert_element_type3A_320, %cond3A_321 : i32
      scf.if %cond3A_322 {
        %add3A_323 = arith.constant 2 : i32
        %add3A_324 = arith.addi %add3A_290, %add3A_323 : i32
        %mul3A_325 = arith.constant 1280 : i32
        %mul3A_326 = arith.muli %add3A_324, %mul3A_325 : i32
        %add3A_327 = arith.addi %mul3A_2, %mul3A_326 : i32
        %run_scoped3A_328 = arith.constant 1 : i32
        "tpu.region"() ({
          %run_scoped3A_449 = tpu.sem_alloc : memref<!tpu.dma_semaphore, #tpu.memory_space<semaphore_mem>>
          %dma_start3A_450 = arith.constant 0 : i32
          %dma_start3A_451 = tpu.memref_slice %arg5[%run_scoped3A_328, %dma_start3A_450] : memref<2x1280xi32, #tpu.memory_space<vmem>> -> memref<1x1280xi32, #tpu.memory_space<vmem>>
          %dma_start3A_452 = tpu.memref_squeeze %dma_start3A_451 : memref<1x1280xi32, #tpu.memory_space<vmem>> -> memref<1280xi32, #tpu.memory_space<vmem>>
          %dma_start3A_453 = tpu.memref_slice %arg2[%add3A_327] : memref<2129920xi32, #tpu.memory_space<hbm>> -> memref<1280xi32, #tpu.memory_space<hbm>>
          %dma_start3A_454 = arith.constant 0 : i32
          %dma_start3A_455 = tpu.memref_slice %arg5[%run_scoped3A_328, %dma_start3A_454] : memref<2x1280xi32, #tpu.memory_space<vmem>> -> memref<1x1280xi32, #tpu.memory_space<vmem>>
          %dma_start3A_456 = tpu.memref_squeeze %dma_start3A_455 : memref<1x1280xi32, #tpu.memory_space<vmem>> -> memref<1280xi32, #tpu.memory_space<vmem>>
          %dma_start3A_457 = tpu.memref_slice %arg2[%add3A_327] : memref<2129920xi32, #tpu.memory_space<hbm>> -> memref<1280xi32, #tpu.memory_space<hbm>>
          tpu.enqueue_dma source(%dma_start3A_457 : memref<1280xi32, #tpu.memory_space<hbm>>) target(%dma_start3A_456 : memref<1280xi32, #tpu.memory_space<vmem>>) target_semaphore(%run_scoped3A_449 : memref<!tpu.dma_semaphore, #tpu.memory_space<semaphore_mem>>)
          %dma_wait3A_458 = arith.constant 0 : i32
          %dma_wait3A_459 = tpu.memref_slice %arg5[%run_scoped3A_328, %dma_wait3A_458] : memref<2x1280xi32, #tpu.memory_space<vmem>> -> memref<1x1280xi32, #tpu.memory_space<vmem>>
          %dma_wait3A_460 = tpu.memref_squeeze %dma_wait3A_459 : memref<1x1280xi32, #tpu.memory_space<vmem>> -> memref<1280xi32, #tpu.memory_space<vmem>>
          %dma_wait3A_461 = tpu.memref_slice %arg2[%add3A_327] : memref<2129920xi32, #tpu.memory_space<hbm>> -> memref<1280xi32, #tpu.memory_space<hbm>>
          %dma_wait3A_462 = arith.constant 0 : i32
          %dma_wait3A_463 = tpu.memref_slice %arg5[%run_scoped3A_328, %dma_wait3A_462] : memref<2x1280xi32, #tpu.memory_space<vmem>> -> memref<1x1280xi32, #tpu.memory_space<vmem>>
          %dma_wait3A_464 = tpu.memref_squeeze %dma_wait3A_463 : memref<1x1280xi32, #tpu.memory_space<vmem>> -> memref<1280xi32, #tpu.memory_space<vmem>>
          %dma_wait3A_465 = tpu.memref_slice %arg2[%add3A_327] : memref<2129920xi32, #tpu.memory_space<hbm>> -> memref<1280xi32, #tpu.memory_space<hbm>>
          tpu.wait_dma2 semaphore(%run_scoped3A_449 : memref<!tpu.dma_semaphore, #tpu.memory_space<semaphore_mem>>) src(%dma_wait3A_465 : memref<1280xi32, #tpu.memory_space<hbm>>) dst(%dma_wait3A_464 : memref<1280xi32, #tpu.memory_space<vmem>>)
          tpu.yield
        }) : () -> ()
        %dma_start3A_329 = arith.constant 1 : i32
        %dma_start3A_330 = arith.constant 1 : i32
        %dma_start3A_331 = arith.constant 0 : i32
        %dma_start3A_332 = arith.constant 0 : i32
        %dma_start3A_333 = tpu.memref_slice %arg6[%dma_start3A_330, %dma_start3A_331, %dma_start3A_332] : memref<2x1280x32xf32, #tpu.memory_space<vmem>> -> memref<1x128x32xf32, #tpu.memory_space<vmem>>
        %dma_start3A_334 = tpu.memref_squeeze %dma_start3A_333 : memref<1x128x32xf32, #tpu.memory_space<vmem>> -> memref<128x32xf32, #tpu.memory_space<vmem>>
        %dma_start3A_335 = arith.constant 0 : i32
        %dma_start3A_336 = tpu.memref_slice %arg5[%dma_start3A_329, %dma_start3A_335] : memref<2x1280xi32, #tpu.memory_space<vmem>> -> memref<1x128xi32, #tpu.memory_space<vmem>>
        %dma_start3A_337 = tpu.memref_squeeze %dma_start3A_336 : memref<1x128xi32, #tpu.memory_space<vmem>> -> memref<128xi32, #tpu.memory_space<vmem>>
        %dma_start3A_338 = arith.constant 0 : i32
        %dma_start3A_339 = arith.constant 0 : i32
        %dma_start3A_340 = tpu.memref_slice %arg3[%dma_start3A_338, %dma_start3A_339] : memref<1000000x32xf32, #tpu.memory_space<hbm>> -> memref<1000000x32xf32, #tpu.memory_space<hbm>>
        tpu.enqueue_indirect_dma source(%dma_start3A_340 : memref<1000000x32xf32, #tpu.memory_space<hbm>>) target(%dma_start3A_334 : memref<128x32xf32, #tpu.memory_space<vmem>>) offsets(%dma_start3A_337 : memref<128xi32, #tpu.memory_space<vmem>>) semaphore(%arg9 : memref<!tpu.dma_semaphore, #tpu.memory_space<semaphore_mem>>)
        %dma_start3A_341 = arith.constant 1 : i32
        %dma_start3A_342 = arith.constant 1 : i32
        %dma_start3A_343 = arith.constant 128 : i32
        %dma_start3A_344 = arith.constant 0 : i32
        %dma_start3A_345 = tpu.memref_slice %arg6[%dma_start3A_342, %dma_start3A_343, %dma_start3A_344] : memref<2x1280x32xf32, #tpu.memory_space<vmem>> -> memref<1x128x32xf32, #tpu.memory_space<vmem>>
        %dma_start3A_346 = tpu.memref_squeeze %dma_start3A_345 : memref<1x128x32xf32, #tpu.memory_space<vmem>> -> memref<128x32xf32, #tpu.memory_space<vmem>>
        %dma_start3A_347 = arith.constant 128 : i32
        %dma_start3A_348 = tpu.memref_slice %arg5[%dma_start3A_341, %dma_start3A_347] : memref<2x1280xi32, #tpu.memory_space<vmem>> -> memref<1x128xi32, #tpu.memory_space<vmem>>
        %dma_start3A_349 = tpu.memref_squeeze %dma_start3A_348 : memref<1x128xi32, #tpu.memory_space<vmem>> -> memref<128xi32, #tpu.memory_space<vmem>>
        %dma_start3A_350 = arith.constant 0 : i32
        %dma_start3A_351 = arith.constant 0 : i32
        %dma_start3A_352 = tpu.memref_slice %arg3[%dma_start3A_350, %dma_start3A_351] : memref<1000000x32xf32, #tpu.memory_space<hbm>> -> memref<1000000x32xf32, #tpu.memory_space<hbm>>
        tpu.enqueue_indirect_dma source(%dma_start3A_352 : memref<1000000x32xf32, #tpu.memory_space<hbm>>) target(%dma_start3A_346 : memref<128x32xf32, #tpu.memory_space<vmem>>) offsets(%dma_start3A_349 : memref<128xi32, #tpu.memory_space<vmem>>) semaphore(%arg9 : memref<!tpu.dma_semaphore, #tpu.memory_space<semaphore_mem>>)
        %dma_start3A_353 = arith.constant 1 : i32
        %dma_start3A_354 = arith.constant 1 : i32
        %dma_start3A_355 = arith.constant 256 : i32
        %dma_start3A_356 = arith.constant 0 : i32
        %dma_start3A_357 = tpu.memref_slice %arg6[%dma_start3A_354, %dma_start3A_355, %dma_start3A_356] : memref<2x1280x32xf32, #tpu.memory_space<vmem>> -> memref<1x128x32xf32, #tpu.memory_space<vmem>>
        %dma_start3A_358 = tpu.memref_squeeze %dma_start3A_357 : memref<1x128x32xf32, #tpu.memory_space<vmem>> -> memref<128x32xf32, #tpu.memory_space<vmem>>
        %dma_start3A_359 = arith.constant 256 : i32
        %dma_start3A_360 = tpu.memref_slice %arg5[%dma_start3A_353, %dma_start3A_359] : memref<2x1280xi32, #tpu.memory_space<vmem>> -> memref<1x128xi32, #tpu.memory_space<vmem>>
        %dma_start3A_361 = tpu.memref_squeeze %dma_start3A_360 : memref<1x128xi32, #tpu.memory_space<vmem>> -> memref<128xi32, #tpu.memory_space<vmem>>
        %dma_start3A_362 = arith.constant 0 : i32
        %dma_start3A_363 = arith.constant 0 : i32
        %dma_start3A_364 = tpu.memref_slice %arg3[%dma_start3A_362, %dma_start3A_363] : memref<1000000x32xf32, #tpu.memory_space<hbm>> -> memref<1000000x32xf32, #tpu.memory_space<hbm>>
        tpu.enqueue_indirect_dma source(%dma_start3A_364 : memref<1000000x32xf32, #tpu.memory_space<hbm>>) target(%dma_start3A_358 : memref<128x32xf32, #tpu.memory_space<vmem>>) offsets(%dma_start3A_361 : memref<128xi32, #tpu.memory_space<vmem>>) semaphore(%arg9 : memref<!tpu.dma_semaphore, #tpu.memory_space<semaphore_mem>>)
        %dma_start3A_365 = arith.constant 1 : i32
        %dma_start3A_366 = arith.constant 1 : i32
        %dma_start3A_367 = arith.constant 384 : i32
        %dma_start3A_368 = arith.constant 0 : i32
        %dma_start3A_369 = tpu.memref_slice %arg6[%dma_start3A_366, %dma_start3A_367, %dma_start3A_368] : memref<2x1280x32xf32, #tpu.memory_space<vmem>> -> memref<1x128x32xf32, #tpu.memory_space<vmem>>
        %dma_start3A_370 = tpu.memref_squeeze %dma_start3A_369 : memref<1x128x32xf32, #tpu.memory_space<vmem>> -> memref<128x32xf32, #tpu.memory_space<vmem>>
        %dma_start3A_371 = arith.constant 384 : i32
        %dma_start3A_372 = tpu.memref_slice %arg5[%dma_start3A_365, %dma_start3A_371] : memref<2x1280xi32, #tpu.memory_space<vmem>> -> memref<1x128xi32, #tpu.memory_space<vmem>>
        %dma_start3A_373 = tpu.memref_squeeze %dma_start3A_372 : memref<1x128xi32, #tpu.memory_space<vmem>> -> memref<128xi32, #tpu.memory_space<vmem>>
        %dma_start3A_374 = arith.constant 0 : i32
        %dma_start3A_375 = arith.constant 0 : i32
        %dma_start3A_376 = tpu.memref_slice %arg3[%dma_start3A_374, %dma_start3A_375] : memref<1000000x32xf32, #tpu.memory_space<hbm>> -> memref<1000000x32xf32, #tpu.memory_space<hbm>>
        tpu.enqueue_indirect_dma source(%dma_start3A_376 : memref<1000000x32xf32, #tpu.memory_space<hbm>>) target(%dma_start3A_370 : memref<128x32xf32, #tpu.memory_space<vmem>>) offsets(%dma_start3A_373 : memref<128xi32, #tpu.memory_space<vmem>>) semaphore(%arg9 : memref<!tpu.dma_semaphore, #tpu.memory_space<semaphore_mem>>)
        %dma_start3A_377 = arith.constant 1 : i32
        %dma_start3A_378 = arith.constant 1 : i32
        %dma_start3A_379 = arith.constant 512 : i32
        %dma_start3A_380 = arith.constant 0 : i32
        %dma_start3A_381 = tpu.memref_slice %arg6[%dma_start3A_378, %dma_start3A_379, %dma_start3A_380] : memref<2x1280x32xf32, #tpu.memory_space<vmem>> -> memref<1x128x32xf32, #tpu.memory_space<vmem>>
        %dma_start3A_382 = tpu.memref_squeeze %dma_start3A_381 : memref<1x128x32xf32, #tpu.memory_space<vmem>> -> memref<128x32xf32, #tpu.memory_space<vmem>>
        %dma_start3A_383 = arith.constant 512 : i32
        %dma_start3A_384 = tpu.memref_slice %arg5[%dma_start3A_377, %dma_start3A_383] : memref<2x1280xi32, #tpu.memory_space<vmem>> -> memref<1x128xi32, #tpu.memory_space<vmem>>
        %dma_start3A_385 = tpu.memref_squeeze %dma_start3A_384 : memref<1x128xi32, #tpu.memory_space<vmem>> -> memref<128xi32, #tpu.memory_space<vmem>>
        %dma_start3A_386 = arith.constant 0 : i32
        %dma_start3A_387 = arith.constant 0 : i32
        %dma_start3A_388 = tpu.memref_slice %arg3[%dma_start3A_386, %dma_start3A_387] : memref<1000000x32xf32, #tpu.memory_space<hbm>> -> memref<1000000x32xf32, #tpu.memory_space<hbm>>
        tpu.enqueue_indirect_dma source(%dma_start3A_388 : memref<1000000x32xf32, #tpu.memory_space<hbm>>) target(%dma_start3A_382 : memref<128x32xf32, #tpu.memory_space<vmem>>) offsets(%dma_start3A_385 : memref<128xi32, #tpu.memory_space<vmem>>) semaphore(%arg9 : memref<!tpu.dma_semaphore, #tpu.memory_space<semaphore_mem>>)
        %dma_start3A_389 = arith.constant 1 : i32
        %dma_start3A_390 = arith.constant 1 : i32
        %dma_start3A_391 = arith.constant 640 : i32
        %dma_start3A_392 = arith.constant 0 : i32
        %dma_start3A_393 = tpu.memref_slice %arg6[%dma_start3A_390, %dma_start3A_391, %dma_start3A_392] : memref<2x1280x32xf32, #tpu.memory_space<vmem>> -> memref<1x128x32xf32, #tpu.memory_space<vmem>>
        %dma_start3A_394 = tpu.memref_squeeze %dma_start3A_393 : memref<1x128x32xf32, #tpu.memory_space<vmem>> -> memref<128x32xf32, #tpu.memory_space<vmem>>
        %dma_start3A_395 = arith.constant 640 : i32
        %dma_start3A_396 = tpu.memref_slice %arg5[%dma_start3A_389, %dma_start3A_395] : memref<2x1280xi32, #tpu.memory_space<vmem>> -> memref<1x128xi32, #tpu.memory_space<vmem>>
        %dma_start3A_397 = tpu.memref_squeeze %dma_start3A_396 : memref<1x128xi32, #tpu.memory_space<vmem>> -> memref<128xi32, #tpu.memory_space<vmem>>
        %dma_start3A_398 = arith.constant 0 : i32
        %dma_start3A_399 = arith.constant 0 : i32
        %dma_start3A_400 = tpu.memref_slice %arg3[%dma_start3A_398, %dma_start3A_399] : memref<1000000x32xf32, #tpu.memory_space<hbm>> -> memref<1000000x32xf32, #tpu.memory_space<hbm>>
        tpu.enqueue_indirect_dma source(%dma_start3A_400 : memref<1000000x32xf32, #tpu.memory_space<hbm>>) target(%dma_start3A_394 : memref<128x32xf32, #tpu.memory_space<vmem>>) offsets(%dma_start3A_397 : memref<128xi32, #tpu.memory_space<vmem>>) semaphore(%arg9 : memref<!tpu.dma_semaphore, #tpu.memory_space<semaphore_mem>>)
        %dma_start3A_401 = arith.constant 1 : i32
        %dma_start3A_402 = arith.constant 1 : i32
        %dma_start3A_403 = arith.constant 768 : i32
        %dma_start3A_404 = arith.constant 0 : i32
        %dma_start3A_405 = tpu.memref_slice %arg6[%dma_start3A_402, %dma_start3A_403, %dma_start3A_404] : memref<2x1280x32xf32, #tpu.memory_space<vmem>> -> memref<1x128x32xf32, #tpu.memory_space<vmem>>
        %dma_start3A_406 = tpu.memref_squeeze %dma_start3A_405 : memref<1x128x32xf32, #tpu.memory_space<vmem>> -> memref<128x32xf32, #tpu.memory_space<vmem>>
        %dma_start3A_407 = arith.constant 768 : i32
        %dma_start3A_408 = tpu.memref_slice %arg5[%dma_start3A_401, %dma_start3A_407] : memref<2x1280xi32, #tpu.memory_space<vmem>> -> memref<1x128xi32, #tpu.memory_space<vmem>>
        %dma_start3A_409 = tpu.memref_squeeze %dma_start3A_408 : memref<1x128xi32, #tpu.memory_space<vmem>> -> memref<128xi32, #tpu.memory_space<vmem>>
        %dma_start3A_410 = arith.constant 0 : i32
        %dma_start3A_411 = arith.constant 0 : i32
        %dma_start3A_412 = tpu.memref_slice %arg3[%dma_start3A_410, %dma_start3A_411] : memref<1000000x32xf32, #tpu.memory_space<hbm>> -> memref<1000000x32xf32, #tpu.memory_space<hbm>>
        tpu.enqueue_indirect_dma source(%dma_start3A_412 : memref<1000000x32xf32, #tpu.memory_space<hbm>>) target(%dma_start3A_406 : memref<128x32xf32, #tpu.memory_space<vmem>>) offsets(%dma_start3A_409 : memref<128xi32, #tpu.memory_space<vmem>>) semaphore(%arg9 : memref<!tpu.dma_semaphore, #tpu.memory_space<semaphore_mem>>)
        %dma_start3A_413 = arith.constant 1 : i32
        %dma_start3A_414 = arith.constant 1 : i32
        %dma_start3A_415 = arith.constant 896 : i32
        %dma_start3A_416 = arith.constant 0 : i32
        %dma_start3A_417 = tpu.memref_slice %arg6[%dma_start3A_414, %dma_start3A_415, %dma_start3A_416] : memref<2x1280x32xf32, #tpu.memory_space<vmem>> -> memref<1x128x32xf32, #tpu.memory_space<vmem>>
        %dma_start3A_418 = tpu.memref_squeeze %dma_start3A_417 : memref<1x128x32xf32, #tpu.memory_space<vmem>> -> memref<128x32xf32, #tpu.memory_space<vmem>>
        %dma_start3A_419 = arith.constant 896 : i32
        %dma_start3A_420 = tpu.memref_slice %arg5[%dma_start3A_413, %dma_start3A_419] : memref<2x1280xi32, #tpu.memory_space<vmem>> -> memref<1x128xi32, #tpu.memory_space<vmem>>
        %dma_start3A_421 = tpu.memref_squeeze %dma_start3A_420 : memref<1x128xi32, #tpu.memory_space<vmem>> -> memref<128xi32, #tpu.memory_space<vmem>>
        %dma_start3A_422 = arith.constant 0 : i32
        %dma_start3A_423 = arith.constant 0 : i32
        %dma_start3A_424 = tpu.memref_slice %arg3[%dma_start3A_422, %dma_start3A_423] : memref<1000000x32xf32, #tpu.memory_space<hbm>> -> memref<1000000x32xf32, #tpu.memory_space<hbm>>
        tpu.enqueue_indirect_dma source(%dma_start3A_424 : memref<1000000x32xf32, #tpu.memory_space<hbm>>) target(%dma_start3A_418 : memref<128x32xf32, #tpu.memory_space<vmem>>) offsets(%dma_start3A_421 : memref<128xi32, #tpu.memory_space<vmem>>) semaphore(%arg9 : memref<!tpu.dma_semaphore, #tpu.memory_space<semaphore_mem>>)
        %dma_start3A_425 = arith.constant 1 : i32
        %dma_start3A_426 = arith.constant 1 : i32
        %dma_start3A_427 = arith.constant 1024 : i32
        %dma_start3A_428 = arith.constant 0 : i32
        %dma_start3A_429 = tpu.memref_slice %arg6[%dma_start3A_426, %dma_start3A_427, %dma_start3A_428] : memref<2x1280x32xf32, #tpu.memory_space<vmem>> -> memref<1x128x32xf32, #tpu.memory_space<vmem>>
        %dma_start3A_430 = tpu.memref_squeeze %dma_start3A_429 : memref<1x128x32xf32, #tpu.memory_space<vmem>> -> memref<128x32xf32, #tpu.memory_space<vmem>>
        %dma_start3A_431 = arith.constant 1024 : i32
        %dma_start3A_432 = tpu.memref_slice %arg5[%dma_start3A_425, %dma_start3A_431] : memref<2x1280xi32, #tpu.memory_space<vmem>> -> memref<1x128xi32, #tpu.memory_space<vmem>>
        %dma_start3A_433 = tpu.memref_squeeze %dma_start3A_432 : memref<1x128xi32, #tpu.memory_space<vmem>> -> memref<128xi32, #tpu.memory_space<vmem>>
        %dma_start3A_434 = arith.constant 0 : i32
        %dma_start3A_435 = arith.constant 0 : i32
        %dma_start3A_436 = tpu.memref_slice %arg3[%dma_start3A_434, %dma_start3A_435] : memref<1000000x32xf32, #tpu.memory_space<hbm>> -> memref<1000000x32xf32, #tpu.memory_space<hbm>>
        tpu.enqueue_indirect_dma source(%dma_start3A_436 : memref<1000000x32xf32, #tpu.memory_space<hbm>>) target(%dma_start3A_430 : memref<128x32xf32, #tpu.memory_space<vmem>>) offsets(%dma_start3A_433 : memref<128xi32, #tpu.memory_space<vmem>>) semaphore(%arg9 : memref<!tpu.dma_semaphore, #tpu.memory_space<semaphore_mem>>)
        %dma_start3A_437 = arith.constant 1 : i32
        %dma_start3A_438 = arith.constant 1 : i32
        %dma_start3A_439 = arith.constant 1152 : i32
        %dma_start3A_440 = arith.constant 0 : i32
        %dma_start3A_441 = tpu.memref_slice %arg6[%dma_start3A_438, %dma_start3A_439, %dma_start3A_440] : memref<2x1280x32xf32, #tpu.memory_space<vmem>> -> memref<1x128x32xf32, #tpu.memory_space<vmem>>
        %dma_start3A_442 = tpu.memref_squeeze %dma_start3A_441 : memref<1x128x32xf32, #tpu.memory_space<vmem>> -> memref<128x32xf32, #tpu.memory_space<vmem>>
        %dma_start3A_443 = arith.constant 1152 : i32
        %dma_start3A_444 = tpu.memref_slice %arg5[%dma_start3A_437, %dma_start3A_443] : memref<2x1280xi32, #tpu.memory_space<vmem>> -> memref<1x128xi32, #tpu.memory_space<vmem>>
        %dma_start3A_445 = tpu.memref_squeeze %dma_start3A_444 : memref<1x128xi32, #tpu.memory_space<vmem>> -> memref<128xi32, #tpu.memory_space<vmem>>
        %dma_start3A_446 = arith.constant 0 : i32
        %dma_start3A_447 = arith.constant 0 : i32
        %dma_start3A_448 = tpu.memref_slice %arg3[%dma_start3A_446, %dma_start3A_447] : memref<1000000x32xf32, #tpu.memory_space<hbm>> -> memref<1000000x32xf32, #tpu.memory_space<hbm>>
        tpu.enqueue_indirect_dma source(%dma_start3A_448 : memref<1000000x32xf32, #tpu.memory_space<hbm>>) target(%dma_start3A_442 : memref<128x32xf32, #tpu.memory_space<vmem>>) offsets(%dma_start3A_445 : memref<128xi32, #tpu.memory_space<vmem>>) semaphore(%arg9 : memref<!tpu.dma_semaphore, #tpu.memory_space<semaphore_mem>>)
      } else {
      }
    }
    %scan3A_253 = arith.constant 26 : i32
    return
  }
}

</mosaic_0001>

<sc_bundles>
// kernel: _emb.4.cloned.1.call-start
scs
__scs_entry_jumppad:
0x0: {  	(pc) =	sbr.rel $0x88, $3  }
0x1: {  	(tag) =	ssettag $0x0;
	lr =	simm.s32 $0x1  }
0x2: {  	[smem:$0x3F9E] =	sst lr;
	_ =	strace $0xD0000000  }
0x3: {  	_ = 	snop  }
0x4: {  	_ = 	snop  }
0x5: {  	_ = 	snop  }
0x6: {  	_ = 	snop  }
0x7: {  	_ = 	snop  }
__scs_overlays_trampoline_lowered:
0x8: {  	[smem:$0x3FAD] =	sst s0  }
0x9: {  	[smem:$0x3FAE] =	sst s1  }
0xa: {  	[smem:$0x3FAF] =	sst s2  }
0xb: {  	[smem:$0x3FB0] =	sst s3  }
0xc: {  	[smem:$0x3FB1] =	sst s4  }
0xd: {  	[smem:$0x3FB2] =	sst s5  }
0xe: {  	[smem:$0x3FB3] =	sst s6  }
0xf: {  	[smem:$0x3FB4] =	sst s7  }
0x10: {  	[smem:$0x3FB5] =	sst s8  }
0x11: {  	[smem:$0x3FB6] =	sst s9;
	s0 =	simm.s32 @!p0 $0x0  }
0x12: {  	s1 =	sld [smem:$0x3F9C];
	s0 =	simm.s32 @p0 $0x1  }
0x13: {  	[smem:$0x3FB7] =	sst s0;
	s0 =	simm.s32 @!p1 $0x0  }
0x14: {  	s2 =	sld [smem:$0x3F9B];
	s0 =	simm.s32 @p1 $0x1  }
0x15: {  	[smem:$0x3FB8] =	sst s0;
	s0 =	simm.s32 @!p2 $0x0  }
0x16: {  	s3 =	sld [smem:$0x3FDB];
	s0 =	simm.s32 @p2 $0x1  }
0x17: {  	s4 =	simm.s32 $0x1BF5;
	[smem:$0x3FBA] =	sst s0  }
0x18: {  	s0 =	sld [smem:$0x3F9D];
	_ =	swait.ge [sflag:s4], $0x0  }
0x19: {  	s7 =	sld [smem:$0x3F9E]  }
0x1a: {  	s8 =	sadd.s32 $0xFFFFE003, lr  }
0x1b: {  	s9 =	sadd.s32 $0xFFFFFEF7, lr;
	s5 =	simm.s32 $0xFFFFFFFF;
	p2 =	slt.u32 s8, $0xFFFFF086  }
0x1c: {  	p1 =	slt.u32 s9, $0xF7A;
	s5 =	simm.s32 @!p2 $0x0  }
0x1d: {  	s5 =	simm.s32 @p1 $0x1;
	p0 =	seq.s32 s7, s2  }
0x1e: {  	s7 =	smul.u32 @!p0 $0xF7A, s2;
	p2 =	seq.s32 @!p0 s5, $0x0  }
0x1f: {  	s9 =	smul.u32 $0xF7A, s1;
	s8 =	simm.s32 @!p0 $0x1BF5;
	p2 =	por !p2, p0  }
0x20: {  	[sflag:s8] =	ssyncset.s32 @!p0 $0xFFFFF086;
	s6 =	sadd.s32 @!p0 s3, s7;
	s7 =	simm.s32 @!p0 $0x108  }
0x21: {  	s3 =	sadd.s32 s3, s9;
	s6 =	sadd.s32 @!p0 $0x88, s6;
	s7 =	simm.s32 @p2 $0x1082  }
0x22: {  	[simem:s7], [sflag:s8] =	dma.local @!p0 [hbm:s6], $0xF7A  }
0x23: {  	s9 =	sor.u32 $0xD0000000, s2;
	s6 =	simm.s32 $0x108;
	_ =	swait.ge @!p0 [sflag:s8], $0x0  }
0x24: {  	s3 =	sadd.s32 $0x88, s3;
	s6 =	simm.s32 @!p1 $0x1082;
	[sflag:s4] =	ssyncset.s32 $0xFFFFF086  }
0x25: {  	[simem:s6], [sflag:s4] =	dma.local [hbm:s3], $0xF7A  }
0x26: {  	[smem:$0x3F9E] =	sst s1;
	(tag) =	ssettag s2;
	_ =	strace s9  }
0x27: {  	s1 =	sld [smem:$0x3FAE]  }
0x28: {  	s2 =	sld [smem:$0x3FAF]  }
0x29: {  	s4 =	sld [smem:$0x3FB1]  }
0x2a: {  	p0 =	seq.s32 s5, $0x0;
	s5 =	sld [smem:$0x3FB2]  }
0x2b: {  	s6 =	sld [smem:$0x3FB3]  }
0x2c: {  	s7 =	sld [smem:$0x3FB4]  }
0x2d: {  	s3 =	simm.s32 $0x108;
	s8 =	sld [smem:$0x3FB5]  }
0x2e: {  	s3 =	simm.s32 @!p0 $0x1082;
	s9 =	sld [smem:$0x3FB6]  }
0x2f: {  	lr =	sadd.s32 s0, s3;
	s0 =	sld [smem:$0x3FAD]  }
0x30: {  	s3 =	sld [smem:$0x3FB0]  }
0x31: {  	[smem:$0x3FB9] =	sst s10  }
0x32: {  	s10 =	sld [smem:$0x3FB7];
	_ =	sdelay $0x3  }
0x33: {  	p0 =	seq.s32 s10, $0x1;
	s10 =	sld [smem:$0x3FB9];
	_ =	sdelay $0x3  }
0x34: {  	[smem:$0x3FB9] =	sst s10  }
0x35: {  	s10 =	sld [smem:$0x3FB8];
	_ =	sdelay $0x3  }
0x36: {  	p1 =	seq.s32 s10, $0x1;
	s10 =	sld [smem:$0x3FB9];
	_ =	sdelay $0x3  }
0x37: {  	[smem:$0x3FB9] =	sst s10  }
0x38: {  	s10 =	sld [smem:$0x3FBA]  }
0x39: {  	_ = 	snop;
	(pc) =	sbr.ind lr, $3  }
0x3a: {  	_ = 	snop  }
0x3b: {  	_ = 	snop  }
0x3c: {  	p2 =	seq.s32 s10, $0x1;
	s10 =	sld [smem:$0x3FB9]  }
0x3d: {  	_ =	shalt  }
0x3e: {  	_ =	shalt  }
0x3f: {  	_ =	shalt  }
0x40: {  	_ =	shalt  }
0x41: {  	_ =	shalt  }
0x42: {  	_ =	shalt  }
0x43: {  	_ =	shalt  }
0x44: {  	_ =	shalt  }
0x45: {  	_ =	shalt  }
0x46: {  	_ =	shalt  }
0x47: {  	_ =	shalt  }
0x48: {  	_ =	shalt  }
0x49: {  	_ =	shalt  }
0x4a: {  	_ =	shalt  }
0x4b: {  	_ =	shalt  }
0x4c: {  	_ =	shalt  }
0x4d: {  	_ =	shalt  }
0x4e: {  	_ =	shalt  }
0x4f: {  	_ =	shalt  }
0x50: {  	_ =	shalt  }
0x51: {  	_ =	shalt  }
0x52: {  	_ =	shalt  }
0x53: {  	_ =	shalt  }
0x54: {  	_ =	shalt  }
0x55: {  	_ =	shalt  }
0x56: {  	_ =	shalt  }
0x57: {  	_ =	shalt  }
0x58: {  	_ =	shalt  }
0x59: {  	_ =	shalt  }
0x5a: {  	_ =	shalt  }
0x5b: {  	_ =	shalt  }
0x5c: {  	_ =	shalt  }
0x5d: {  	_ =	shalt  }
0x5e: {  	_ =	shalt  }
0x5f: {  	_ =	shalt  }
0x60: {  	_ =	shalt  }
0x61: {  	_ =	shalt  }
0x62: {  	_ =	shalt  }
0x63: {  	_ =	shalt  }
0x64: {  	_ =	shalt  }
0x65: {  	_ =	shalt  }
0x66: {  	_ =	shalt  }
0x67: {  	_ =	shalt  }
0x68: {  	_ =	shalt  }
0x69: {  	_ =	shalt  }
0x6a: {  	_ =	shalt  }
0x6b: {  	_ =	shalt  }
0x6c: {  	_ =	shalt  }
0x6d: {  	_ =	shalt  }
0x6e: {  	_ =	shalt  }
0x6f: {  	_ =	shalt  }
0x70: {  	_ =	shalt  }
0x71: {  	_ =	shalt  }
0x72: {  	_ =	shalt  }
0x73: {  	_ =	shalt  }
0x74: {  	_ =	shalt  }
0x75: {  	_ =	shalt  }
0x76: {  	_ =	shalt  }
0x77: {  	_ =	shalt  }
0x78: {  	_ =	shalt  }
0x79: {  	_ =	shalt  }
0x7a: {  	_ =	shalt  }
0x7b: {  	_ =	shalt  }
0x7c: {  	_ =	shalt  }
0x7d: {  	_ =	shalt  }
0x7e: {  	_ =	shalt  }
0x7f: {  	_ =	shalt  }
0x80: {  	_ =	shalt  }
0x81: {  	_ =	shalt  }
0x82: {  	_ =	shalt  }
0x83: {  	_ =	shalt  }
0x84: {  	_ =	shalt  }
0x85: {  	_ =	shalt  }
0x86: {  	_ =	shalt  }
0x87: {  	_ =	shalt  }
.Lfunc_end0:
.L_simem_size_0:
called_computation_lowered:
.L_overlay_start_0:
0x88: {  	s2 =	sld [smem:$0x3FD9]  }
0x89: {  	s3 =	sld [smem:$0x3FFE];
	_ =	sdelay $0x1  }
0x8a: {  	s1 =	srdreg.scid  }
0x8b: {  	s0 =	sand.u32 $0x1, s1  }
0x8c: {  	s17 =	sshll.u32 s0, $0xA;
	s2 =	sadd.s32 s3, s2  }
0x8d: {  	s2 =	sadd.s32 s2, s17  }
0x8e: {  	[smem:$0x3FC5] =	sst s2  }
0x8f: {  	_ = 	snop  }
0x90: {  	s2 =	sld [smem:$0x3FC8]  }
0x91: {  	s18 =	sld [smem:$0x3FC7];
	(tm) =	ssettm $0x1  }
0x92: {  	s4 =	sld [smem:$0x3FFB];
	_ =	sdelay $0x3  }
0x93: {  	_ =	strace s4  }
0x94: {  	s4 =	sld [smem:$0x3FFC];
	_ =	sdelay $0x3  }
0x95: {  	_ =	strace s4  }
0x96: {  	s4 =	sld [smem:$0x3FFD];
	_ =	sdelay $0x3  }
0x97: {  	_ =	strace s4  }
0x98: {  	_ =	strace $0x8FFFFFFF  }
0x99: {  	s19 =	sld [smem:$0x3FDB];
	_ =	sdelay $0x1  }
0x9a: {  	s5 =	simm.s32 $_scs_section_size  }
0x9b: {  	s6 =	simm.s32 $_size__tile_overlayer_lowered;
	s7 =	simm.s32 $_tile_overlayer_lowered  }
0x9c: {  	s22 =	simm.s32 $0x1BFF;
	s21 =	sshll.u32 s7, $0x1;
	s4 =	sadd.s32 s5, s19  }
0x9d: {  	s8 =	simm.s32 $0x0;
	s20 =	sshll.u32 s6, $0x1;
	s6 =	sadd.s32 s21, s4  }
0x9e: {  	[timem:s8], [sflag:s22] =	dma.local [hbm:s6], s20  }
0x9f: {  	_ =	swait.ge [sflag:s22], s20  }
0xa0: {  	s5 =	ssub.s32 $0x0, s20;
	[sflag:s22] =	ssyncset.done $0x0  }
0xa1: {  	[sflag:s22] =	ssyncadd.s32 s5;
	_ =	sdelay $0x1  }
0xa2: {  	s23 =	simm.s32 $0x1B8B  }
0xa3: {  	_ =	swait.ge [sflag:s23], $0x1  }
0xa4: {  	[sflag:s23] =	ssyncset.done $0x0  }
0xa5: {  	s25 =	simm.s32 $0x1B8E;
	s24 =	sld [smem:$0x3FFE];
	[sflag:s23] =	ssyncadd.s32 $0xFFFFFFFF  }
0xa6: {  	s26 =	simm.s32 $execute0_lowered;
	[smem:$0x3FD2] =	sst s25  }
0xa7: {  	s6 =	sshll.u32 s26, $0x1;
	_ =	strace $0x80000046;
	[dreg:$0x1] =	wrdreg $0xFFFFFFFF  }
0xa8: {  	s28 =	simm.s32 $_size_execute0_lowered;
	s4 =	sadd.s32 s4, s6;
	[dreg:$0x0] =	wrdreg $0x0  }
0xa9: {  	s6 =	sshll.u32 s28, $0x1;
	[dreg:$0x2] =	wrdreg s4  }
0xaa: {  	[dreg:$0x3] =	wrdreg s6  }
0xab: {  	[dreg:$0x4] =	wrdreg $0xC0  }
0xac: {  	_ =	task [dreg:s8], $0x5FFFF  }
0xad: {  	[dreg:$0x1] =	wrdreg $0xFFFFFFFF  }
0xae: {  	[dreg:$0x0] =	wrdreg $0x60  }
0xaf: {  	[dreg:$0x2] =	wrdreg s2  }
0xb0: {  	[dreg:$0x3] =	wrdreg s18  }
0xb1: {  	[dreg:$0x4] =	wrdreg s24  }
0xb2: {  	[dreg:$0x5] =	wrdreg $0x9  }
0xb3: {  	_ =	task.clear_ibuf [dreg:s8], $0x6FFFF;
	_ =	strace $0x90000046  }
0xb4: {  	s29 =	simm.s32 $0x9;
	_ =	strace $0x80000048  }
0xb5: {  	_ =	swait.ge [sflag:s29], $0x1  }
0xb6: {  	[sflag:s29] =	ssyncadd.s32 $0xFFFFFFFF  }
0xb7: {  	_ =	strace $0x90000048  }
0xb8: {  	_ =	sfence  }
0xb9: {  	s30 =	sld [smem:$0x0];
	_ =	sdelay $0x2  }
0xba: {  	s31 =	sshll.u32 s1, $0xD;
	s1 =	sshrl.u32 s1, $0x2  }
0xbb: {  	s3 =	sand.u32 $0x4000, s31;
	s1 =	sadd.s32 s1, s30  }
0xbc: {  	s0 =	sor.u32 s3, s0;
	s1 =	sshll.u32 s1, $0x11  }
0xbd: {  	s0 =	sor.u32 s1, s0  }
0xbe: {  	s0 =	sadd.s32 $0x8F2B, s0  }
0xbf: {  	[sflag:s0] =	ssyncadd.remote.s32 $0x1  }
0xc0: {  	_ =	sfence.sel $0xFFFF  }
0xc1: {  	[dreg:$0x0] =	wrdreg $0xFFFFFFFF;
	(pc) =	sbr.abs _section_cstart, $3  }
0xc2: {  	[dreg:$0x1] =	wrdreg $0xFFFFFFFF  }
0xc3: {  	_ =	task.clear_ibuf [dreg:s8], $0x2FFFF;
	_ =	strace $0x9FFFFFFF  }
0xc4: {  	(tm) =	ssettm $0x7FFFFFFF  }
0xc5: {  	_ =	shalt  }
tec
execute0_lowered:
.L_overlay_start_1:
0x0: {  	(tag) =	ssettag $0x1  }
0x1: {  	s0 =	rddreg [dreg:$0x0];
	s1 =	srdreg.scid  }
0x2: {  	s23 =	stileid.u32;
	s2 =	rddreg [dreg:$0x2]  }
0x3: {  	s3 =	simm.s32 $0x0;
	s15 =	simm.s32 $0x800;
	s16 =	simm.s32 $0x7A1400  }
0x4: {  	s17 =	simm.s32 $0x2000;
	s18 =	simm.s32 $0x1;
	s19 =	simm.s32 $0x4000  }
0x5: {  	s20 =	simm.s32 $0x2;
	s21 =	simm.s32 $0x4;
	s22 =	simm.s32 $0x6000  }
0x6: {  	s24 =	simm.s32 $0x5;
	s1 =	sand.u32 $0x1, s1;
	s4 =	sshll.u32 s23, $0x1  }
0x7: {  	[smem:$0x7FF] =	sst s3;
	s8 =	sadd.s32 $0x200, s0;
	s9 =	sadd.s32 $0xC00, s2  }
0x8: {  	v0 =	vlaneseq.u32;
	s13 =	sadd.s32 $0x3D1000, s2;
	p0 =	sne.s32 s23, $0xF;
	s23 =	simm.s32 $0x3  }
0x9: {  	v0 =	vmul.u32 $0x20, v0;
	s25 =	sor.u32 s1, s4;
	s1 =	ssub.s32 $0x2, s1;
	_ =	strace $0x80000047  }
0xa: {  	s4 =	sadd.s32 $0x800, s2;
	s6 =	smul.u32 $0x7A00, s25;
	s5 =	sshrl.u32 s1, $0x1  }
.Ltmp0:
0xb: {  	s10 =	sadd.s32 $0xF22, s25;
	v1 =	vor.u32 $0x200, v0;
	v2 =	vor.u32 $0x400, v0;
	v3 =	vor.u32 $0x600, v0;
	p1 =	sne.s32 s25, $0x1F;
	(pc) =	sbr.rel .LBB2_1-.Ltmp0, $4  }
0xc: {  	v4 =	vor.u32 $0x800, v0;
	v5 =	vor.u32 $0xA00, v0;
	v6 =	vor.u32 $0xC00, v0;
	s1 =	ssub.s32 s1, s5;
	s5 =	smul.u32 $0x7A, s25;
	s11 =	sshll.u32 s10, $0x8  }
0xd: {  	v7 =	vor.u32 $0xE00, v0;
	v8 =	vor.u32 $0x1000, v0;
	v9 =	vor.u32 $0x1200, v0;
	s12 =	sshll.u32 s10, $0xA;
	s10 =	sadd.s32 $0x300, s0;
	s25 =	simm.s32 $0x0  }
0xe: {  	v10 =	vor.u32 $0x1400, v0;
	v11 =	vor.u32 $0x1600, v0;
	v12 =	vor.u32 $0x1800, v0;
	s6 =	sadd.s32 s0, s6;
	s0 =	sadd.s32 s0, s11;
	s12 =	sadd.s32 s4, s12  }
0xf: {  	v13 =	vor.u32 $0x1A00, v0;
	v14 =	vor.u32 $0x1C00, v0;
	v15 =	vor.u32 $0x1E00, v0;
	s14 =	smax.u32 s1, $0x1;
	s7 =	sadd.s32 $0x100, s6;
	[dreg:$0x4] =	wrdreg s0  }
.LBB2_16:
0x10: {  	s0 =	simm.s32 @!p1 $0x0;
	s1 =	simm.s32 @!p1 $0x8000;
	s2 =	rddreg [dreg:$0x1]  }
0x11: {  	[tilespmem:s1], [sflag:$0x5] =	stream.linear.gather @!p1 [hbm4b:s2+s0], $0x800, $0x38;
	[tilespmem:$0x8800] =	vst v63  }
0x12: {  	s2 =	simm.s32 @!p1 $0x5  }
0x13: {  	s25 =	sadd.s32 $0x1, s25;
	_ =	swait.ge @!p1 [sflag:s2], $0x800  }
0x14: {  	p2 =	sne.s32 s25, s14;
	[sflag:s2] =	ssyncset.done @!p1 $0x0  }
.Ltmp1:
0x15: {  	[sflag:s2] =	ssyncadd.s32 @!p1 $0xFFFFF800;
	(pc) =	sbr.rel @!p2 .LBB2_17-.Ltmp1, $4  }
0x16: {  	[hbm4b:s13+s0] =	stream.linear.scatter @!p1 [tilespmem:s1], [sflag:$0x5], $0x800, $0x38;
	[tilespmem:$0x8800] =	vst v63  }
0x17: {  	_ =	swait.ge @!p1 [sflag:s2], $0x800  }
0x18: {  	[sflag:s2] =	ssyncset.done @!p1 $0x0  }
0x19: {  	[sflag:s2] =	ssyncadd.s32 @!p1 $0xFFFFF800  }
.LBB2_1:
0x1a: {  	[tilespmem:s3], [sflag:$0x1] =	stream.strided.gather [hbm4b:s6+s15], $0x2000, s16, s15, $0x38;
	[tilespmem:$0x8800] =	vst v63  }
0x1b: {  	s26 =	simm.s32 $0x0  }
0x1c: {  	[tilespmem:s17], [sflag:$0x2] =	stream.strided.gather [hbm4b:s7+s15], $0x2000, s16, s15, $0x38;
	[tilespmem:$0x8800] =	vst v63  }
.LBB2_2:
0x1d: {  	_ =	swait.ge [sflag:s18], $0x2000  }
0x1e: {  	p2 =	seq.s32 s26, $0x0;
	[sflag:s18] =	ssyncset.done $0x0  }
0x1f: {  	s0 =	simm.s32 @!p2 $0x3;
	[sflag:s18] =	ssyncadd.s32 $0xFFFFE000  }
0x20: {  	s29 =	simm.s32 $0x0;
	_ =	swait.ge @!p2 [sflag:s0], $0x2000  }
0x21: {  	s1 =	sand.u32 $0x1800, s29;
	s2 =	sand.u32 $0x380, s29;
	[sflag:s0] =	ssyncset.done @!p2 $0x0  }
0x22: {  	s2 =	sor.u32 s2, s1;
	[sflag:s0] =	ssyncadd.s32 @!p2 $0xFFFFE000  }
0x23: {  	v23 =	vld [tilespmem:s2+$0x40]  }
0x24: {  	v20 =	vld [tilespmem:s2+$0x400]  }
0x25: {  	v16 =	vld [tilespmem:s2+$0x470]  }
0x26: {  	v21 =	vld [tilespmem:s2+$0x410]  }
0x27: {  	v17 =	vld [tilespmem:s2+$0x450]  }
0x28: {  	v19 =	vld [tilespmem:s2+$0x440]  }
0x29: {  	v22 =	vld [tilespmem:s2+$0x430]  }
0x2a: {  	v25 =	vld [tilespmem:s2+$0x60]  }
0x2b: {  	v35 =	vld [tilespmem:s2+$0x30]  }
0x2c: {  	v29 =	vld [tilespmem:s2+$0x20]  }
0x2d: {  	v18 =	vor.u32 s29, v0;
	v31 =	vld [tilespmem:s2+$0x0]  }
0x2e: {  	v32 =	vor.u32 s29, v1;
	v30 =	vld [tilespmem:s2+$0x10]  }
0x2f: {  	v36 =	vor.u32 s29, v2;
	v27 =	vld [tilespmem:s2+$0x50]  }
0x30: {  	v37 =	vor.u32 s29, v3;
	v26 =	vld [tilespmem:s2+$0x420]  }
0x31: {  	v28 =	vld [tilespmem:s2+$0x70]  }
0x32: {  	v34 =	vor.u32 s29, v4;
	v24 =	vld [tilespmem:s2+$0x460];
	[tilespmem:v18+s19+$0x0] =	vst.idx.msk $0xffff, v31  }
0x33: {  	v33 =	vor.u32 s29, v5;
	[tilespmem:v32+s19+$0x0] =	vst.idx.msk $0xffff, v30  }
0x34: {  	s11 =	sshll.u32 s26, $0x1;
	s31 =	simm.s32 $0x0;
	v18 =	vor.u32 s29, v10;
	v30 =	vor.u32 s29, v6;
	[tilespmem:v36+s19+$0x0] =	vst.idx.msk $0xffff, v29  }
0x35: {  	s30 =	simm.s32 $0x0;
	s28 =	sadd.s32 s5, s11;
	s0 =	simm.s32 $0x1;
	v31 =	vor.u32 s29, v8;
	v32 =	vor.u32 s29, v7;
	v29 =	vor.u32 s29, v9;
	[tilespmem:v37+s19+$0x0] =	vst.idx.msk $0xffff, v35  }
.LBB2_3:
0x36: {  	s29 =	sadd.s32 $0x80, s29  }
0x37: {  	v35 =	vor.u32 s0, v10;
	[tilespmem:v34+s19+$0x0] =	vst.idx.msk $0xffff, v23;
	s31 =	sadd.s32 $0x100, s31;
	s2 =	smov.u32 s0;
	s1 =	sadd.s32 $0x1, s0  }
0x38: {  	p3 =	sne.s32 s0, $0x1F;
	v23 =	vor.u32 s30, v11;
	[tilespmem:v33+s19+$0x0] =	vst.idx.msk $0xffff, v27  }
0x39: {  	v27 =	vor.u32 s30, v12;
	[tilespmem:v30+s19+$0x0] =	vst.idx.msk $0xffff, v25  }
0x3a: {  	v25 =	vor.u32 s30, v13;
	[tilespmem:v32+s19+$0x0] =	vst.idx.msk $0xffff, v28  }
0x3b: {  	v28 =	vor.u32 s30, v14;
	[tilespmem:v31+s19+$0x0] =	vst.idx.msk $0xffff, v20  }
0x3c: {  	v20 =	vor.u32 s30, v15;
	s30 =	smov.u32 s2;
	[tilespmem:v29+s19+$0x0] =	vst.idx.msk $0xffff, v21  }
0x3d: {  	[tilespmem:v18+s19+$0x0] =	vst.idx.msk $0xffff, v26;
	v18 =	vmov v35  }
0x3e: {  	[tilespmem:v23+s19+$0x0] =	vst.idx.msk $0xffff, v22  }
0x3f: {  	[tilespmem:v27+s19+$0x0] =	vst.idx.msk $0xffff, v19  }
0x40: {  	[tilespmem:v25+s19+$0x0] =	vst.idx.msk $0xffff, v17  }
0x41: {  	s0 =	sand.u32 $0x1800, s31;
	s2 =	sand.u32 $0x380, s29;
	[tilespmem:v28+s19+$0x0] =	vst.idx.msk $0xffff, v24  }
0x42: {  	s0 =	sor.u32 s2, s0;
	[tilespmem:v20+s19+$0x0] =	vst.idx.msk $0xffff, v16  }
0x43: {  	v23 =	vld [tilespmem:s0+$0x40]  }
0x44: {  	v20 =	vld [tilespmem:s0+$0x400]  }
0x45: {  	v16 =	vld [tilespmem:s0+$0x470]  }
0x46: {  	v21 =	vld [tilespmem:s0+$0x410]  }
0x47: {  	v17 =	vld [tilespmem:s0+$0x450]  }
0x48: {  	v19 =	vld [tilespmem:s0+$0x440]  }
0x49: {  	v22 =	vld [tilespmem:s0+$0x430]  }
0x4a: {  	v25 =	vld [tilespmem:s0+$0x60]  }
0x4b: {  	v35 =	vld [tilespmem:s0+$0x30]  }
0x4c: {  	v29 =	vld [tilespmem:s0+$0x20]  }
0x4d: {  	v31 =	vor.u32 s30, v0;
	v36 =	vld [tilespmem:s0+$0x10]  }
0x4e: {  	v37 =	vor.u32 s30, v1;
	v32 =	vld [tilespmem:s0+$0x0]  }
0x4f: {  	v38 =	vor.u32 s30, v2;
	v27 =	vld [tilespmem:s0+$0x50]  }
0x50: {  	v39 =	vor.u32 s30, v3;
	v26 =	vld [tilespmem:s0+$0x420]  }
0x51: {  	v34 =	vor.u32 s30, v4;
	v28 =	vld [tilespmem:s0+$0x70]  }
.Ltmp2:
0x52: {  	v33 =	vor.u32 s30, v5;
	v24 =	vld [tilespmem:s0+$0x460];
	(pc) =	sbr.rel @p3 .LBB2_3-.Ltmp2, $4  }
0x53: {  	v30 =	vor.u32 s30, v6;
	[tilespmem:v31+s19+$0x0] =	vst.idx.msk $0xffff, v32  }
0x54: {  	v32 =	vor.u32 s30, v7;
	[tilespmem:v37+s19+$0x0] =	vst.idx.msk $0xffff, v36  }
0x55: {  	v31 =	vor.u32 s30, v8;
	[tilespmem:v38+s19+$0x0] =	vst.idx.msk $0xffff, v29  }
0x56: {  	s0 =	smov.u32 s1;
	v29 =	vor.u32 s30, v9;
	[tilespmem:v39+s19+$0x0] =	vst.idx.msk $0xffff, v35  }
0x57: {  	_ =	sdelay $0x3  }
0x58: {  	[tilespmem:v34+s19+$0x0] =	vst.idx.msk $0xffff, v23  }
0x59: {  	[tilespmem:v33+s19+$0x0] =	vst.idx.msk $0xffff, v27  }
0x5a: {  	v59 =	vor.u32 s30, v11;
	[tilespmem:v30+s19+$0x0] =	vst.idx.msk $0xffff, v25  }
0x5b: {  	v60 =	vor.u32 s30, v12;
	[tilespmem:v32+s19+$0x0] =	vst.idx.msk $0xffff, v28  }
0x5c: {  	v61 =	vor.u32 s30, v13;
	[tilespmem:v31+s19+$0x0] =	vst.idx.msk $0xffff, v20  }
0x5d: {  	v62 =	vor.u32 s30, v14;
	[tilespmem:v29+s19+$0x0] =	vst.idx.msk $0xffff, v21  }
0x5e: {  	v63 =	vor.u32 s30, v15;
	[tilespmem:v18+s19+$0x0] =	vst.idx.msk $0xffff, v26  }
0x5f: {  	p3 =	sne.s32 s26, $0x3C;
	[tilespmem:v59+s19+$0x0] =	vst.idx.msk $0xffff, v22  }
.Ltmp3:
0x60: {  	[tilespmem:v60+s19+$0x0] =	vst.idx.msk $0xffff, v19;
	(pc) =	sbr.rel @p3 .LBB2_6-.Ltmp3, $4  }
0x61: {  	[tilespmem:v61+s19+$0x0] =	vst.idx.msk $0xffff, v17  }
0x62: {  	s29 =	sshll.u32 s28, $0xA;
	[tilespmem:v62+s19+$0x0] =	vst.idx.msk $0xffff, v24  }
0x63: {  	s0 =	sadd.s32 s4, s29;
	[tilespmem:v63+s19+$0x0] =	vst.idx.msk $0xffff, v16  }
0x64: {  	[hbm4b:s0+s3] =	stream.linear.scatter [tilespmem:s19], [sflag:$0x3], $0x2000, $0x38;
	[tilespmem:$0x8800] =	vst v63  }
.Ltmp4:
0x65: {  	(pc) =	sbr.rel .LBB2_7-.Ltmp4, $4  }
0x66: {  	_ = 	snop  }
0x67: {  	_ =	swait.ge [sflag:s20], $0x2000  }
0x68: {  	[sflag:s20] =	ssyncset.done $0x0  }
0x69: {  	[sflag:s20] =	ssyncadd.s32 $0xFFFFE000  }
.LBB2_6:
0x6a: {  	s0 =	sshll.u32 s28, $0x8  }
.Ltmp5:
0x6b: {  	s0 =	sadd.s32 s0, s8;
	(pc) =	sbr.rel @p2 .LBB2_8-.Ltmp5, $4  }
0x6c: {  	[tilespmem:s3], [sflag:$0x1] =	stream.strided.gather [hbm4b:s0+s15], $0x2000, s16, s15, $0x38;
	[tilespmem:$0x8800] =	vst v63  }
0x6d: {  	_ =	swait.ge [sflag:s20], $0x2000  }
0x6e: {  	[sflag:s20] =	ssyncset.done $0x0  }
0x6f: {  	[sflag:s20] =	ssyncadd.s32 $0xFFFFE000  }
.LBB2_7:
0x70: {  	_ =	swait.ge [sflag:s21], $0x2000  }
0x71: {  	[sflag:s21] =	ssyncset.done $0x0  }
0x72: {  	[sflag:s21] =	ssyncadd.s32 $0xFFFFE000  }
.LBB2_8:
0x73: {  	s30 =	simm.s32 $0x0  }
0x74: {  	s0 =	sand.u32 $0x1800, s30;
	s1 =	sand.u32 $0x380, s30  }
0x75: {  	s0 =	sor.u32 s1, s0  }
0x76: {  	v23 =	vld [tilespmem:s0+$0x2040]  }
0x77: {  	v20 =	vld [tilespmem:s0+$0x2400]  }
0x78: {  	v16 =	vld [tilespmem:s0+$0x2470]  }
0x79: {  	v21 =	vld [tilespmem:s0+$0x2410]  }
0x7a: {  	v17 =	vld [tilespmem:s0+$0x2450]  }
0x7b: {  	v19 =	vld [tilespmem:s0+$0x2440]  }
0x7c: {  	v22 =	vld [tilespmem:s0+$0x2430]  }
0x7d: {  	v25 =	vld [tilespmem:s0+$0x2060]  }
0x7e: {  	v35 =	vld [tilespmem:s0+$0x2030]  }
0x7f: {  	v29 =	vld [tilespmem:s0+$0x2020]  }
0x80: {  	v18 =	vor.u32 s30, v0;
	v31 =	vld [tilespmem:s0+$0x2000]  }
0x81: {  	v32 =	vor.u32 s30, v1;
	v30 =	vld [tilespmem:s0+$0x2010]  }
0x82: {  	v36 =	vor.u32 s30, v2;
	v27 =	vld [tilespmem:s0+$0x2050]  }
0x83: {  	v37 =	vor.u32 s30, v3;
	v26 =	vld [tilespmem:s0+$0x2420]  }
0x84: {  	v28 =	vld [tilespmem:s0+$0x2070]  }
0x85: {  	v34 =	vor.u32 s30, v4;
	v24 =	vld [tilespmem:s0+$0x2460];
	[tilespmem:v18+s22+$0x0] =	vst.idx.msk $0xffff, v31  }
0x86: {  	v33 =	vor.u32 s30, v5;
	[tilespmem:v32+s22+$0x0] =	vst.idx.msk $0xffff, v30  }
0x87: {  	v18 =	vor.u32 s30, v10;
	v30 =	vor.u32 s30, v6;
	[tilespmem:v36+s22+$0x0] =	vst.idx.msk $0xffff, v29  }
0x88: {  	s31 =	simm.s32 $0x0;
	s1 =	simm.s32 $0x0;
	s0 =	simm.s32 $0x1;
	v31 =	vor.u32 s30, v8;
	v32 =	vor.u32 s30, v7;
	v29 =	vor.u32 s30, v9;
	[tilespmem:v37+s22+$0x0] =	vst.idx.msk $0xffff, v35  }
.LBB2_9:
0x89: {  	s30 =	sadd.s32 $0x80, s30  }
0x8a: {  	v35 =	vor.u32 s0, v10;
	[tilespmem:v34+s22+$0x0] =	vst.idx.msk $0xffff, v23;
	s1 =	sadd.s32 $0x100, s1;
	s11 =	smov.u32 s0;
	s2 =	sadd.s32 $0x1, s0  }
0x8b: {  	p2 =	sne.s32 s0, $0x1F;
	v23 =	vor.u32 s31, v11;
	[tilespmem:v33+s22+$0x0] =	vst.idx.msk $0xffff, v27  }
0x8c: {  	v27 =	vor.u32 s31, v12;
	[tilespmem:v30+s22+$0x0] =	vst.idx.msk $0xffff, v25  }
0x8d: {  	v25 =	vor.u32 s31, v13;
	[tilespmem:v32+s22+$0x0] =	vst.idx.msk $0xffff, v28  }
0x8e: {  	v28 =	vor.u32 s31, v14;
	[tilespmem:v31+s22+$0x0] =	vst.idx.msk $0xffff, v20  }
0x8f: {  	v20 =	vor.u32 s31, v15;
	s31 =	smov.u32 s11;
	[tilespmem:v29+s22+$0x0] =	vst.idx.msk $0xffff, v21  }
0x90: {  	[tilespmem:v18+s22+$0x0] =	vst.idx.msk $0xffff, v26;
	v18 =	vmov v35  }
0x91: {  	[tilespmem:v23+s22+$0x0] =	vst.idx.msk $0xffff, v22  }
0x92: {  	[tilespmem:v27+s22+$0x0] =	vst.idx.msk $0xffff, v19  }
0x93: {  	[tilespmem:v25+s22+$0x0] =	vst.idx.msk $0xffff, v17  }
0x94: {  	s0 =	sand.u32 $0x1800, s1;
	s11 =	sand.u32 $0x380, s30;
	[tilespmem:v28+s22+$0x0] =	vst.idx.msk $0xffff, v24  }
0x95: {  	s0 =	sor.u32 s11, s0;
	[tilespmem:v20+s22+$0x0] =	vst.idx.msk $0xffff, v16  }
0x96: {  	v23 =	vld [tilespmem:s0+$0x2040]  }
0x97: {  	v20 =	vld [tilespmem:s0+$0x2400]  }
0x98: {  	v16 =	vld [tilespmem:s0+$0x2470]  }
0x99: {  	v21 =	vld [tilespmem:s0+$0x2410]  }
0x9a: {  	v17 =	vld [tilespmem:s0+$0x2450]  }
0x9b: {  	v19 =	vld [tilespmem:s0+$0x2440]  }
0x9c: {  	v22 =	vld [tilespmem:s0+$0x2430]  }
0x9d: {  	v25 =	vld [tilespmem:s0+$0x2060]  }
0x9e: {  	v35 =	vld [tilespmem:s0+$0x2030]  }
0x9f: {  	v29 =	vld [tilespmem:s0+$0x2020]  }
0xa0: {  	v31 =	vor.u32 s31, v0;
	v36 =	vld [tilespmem:s0+$0x2010]  }
0xa1: {  	v37 =	vor.u32 s31, v1;
	v32 =	vld [tilespmem:s0+$0x2000]  }
0xa2: {  	v38 =	vor.u32 s31, v2;
	v27 =	vld [tilespmem:s0+$0x2050]  }
0xa3: {  	v39 =	vor.u32 s31, v3;
	v26 =	vld [tilespmem:s0+$0x2420]  }
0xa4: {  	v34 =	vor.u32 s31, v4;
	v28 =	vld [tilespmem:s0+$0x2070]  }
.Ltmp6:
0xa5: {  	v33 =	vor.u32 s31, v5;
	v24 =	vld [tilespmem:s0+$0x2460];
	(pc) =	sbr.rel @p2 .LBB2_9-.Ltmp6, $4  }
0xa6: {  	v30 =	vor.u32 s31, v6;
	[tilespmem:v31+s22+$0x0] =	vst.idx.msk $0xffff, v32  }
0xa7: {  	v32 =	vor.u32 s31, v7;
	[tilespmem:v37+s22+$0x0] =	vst.idx.msk $0xffff, v36  }
0xa8: {  	v31 =	vor.u32 s31, v8;
	[tilespmem:v38+s22+$0x0] =	vst.idx.msk $0xffff, v29  }
0xa9: {  	s0 =	smov.u32 s2;
	v29 =	vor.u32 s31, v9;
	[tilespmem:v39+s22+$0x0] =	vst.idx.msk $0xffff, v35  }
0xaa: {  	_ =	sdelay $0x3  }
0xab: {  	[tilespmem:v34+s22+$0x0] =	vst.idx.msk $0xffff, v23  }
0xac: {  	[tilespmem:v33+s22+$0x0] =	vst.idx.msk $0xffff, v27  }
0xad: {  	v59 =	vor.u32 s31, v11;
	[tilespmem:v30+s22+$0x0] =	vst.idx.msk $0xffff, v25  }
0xae: {  	v60 =	vor.u32 s31, v12;
	[tilespmem:v32+s22+$0x0] =	vst.idx.msk $0xffff, v28  }
0xaf: {  	v61 =	vor.u32 s31, v13;
	[tilespmem:v31+s22+$0x0] =	vst.idx.msk $0xffff, v20  }
0xb0: {  	v62 =	vor.u32 s31, v14;
	[tilespmem:v29+s22+$0x0] =	vst.idx.msk $0xffff, v21  }
0xb1: {  	v63 =	vor.u32 s31, v15;
	[tilespmem:v18+s22+$0x0] =	vst.idx.msk $0xffff, v26  }
0xb2: {  	p2 =	seq.s32 s26, $0x3C;
	[tilespmem:v59+s22+$0x0] =	vst.idx.msk $0xffff, v22  }
.Ltmp7:
0xb3: {  	[tilespmem:v60+s22+$0x0] =	vst.idx.msk $0xffff, v19;
	(pc) =	sbr.rel @p2 .LBB2_12-.Ltmp7, $4  }
0xb4: {  	[tilespmem:v61+s22+$0x0] =	vst.idx.msk $0xffff, v17  }
0xb5: {  	[tilespmem:v62+s22+$0x0] =	vst.idx.msk $0xffff, v24  }
0xb6: {  	s0 =	sadd.s32 s29, s9;
	[tilespmem:v63+s22+$0x0] =	vst.idx.msk $0xffff, v16  }
0xb7: {  	[hbm4b:s0+s3] =	stream.linear.scatter [tilespmem:s22], [sflag:$0x4], $0x2000, $0x38;
	[tilespmem:$0x8800] =	vst v63  }
.Ltmp8:
0xb8: {  	(pc) =	sbr.rel .LBB2_2-.Ltmp8, $4  }
0xb9: {  	_ = 	snop  }
0xba: {  	s0 =	sshll.u32 s28, $0x8  }
0xbb: {  	s26 =	sadd.s32 $0x1, s26;
	s0 =	sadd.s32 s0, s10  }
0xbc: {  	[tilespmem:s17], [sflag:$0x2] =	stream.strided.gather [hbm4b:s0+s15], $0x2000, s16, s15, $0x38;
	[tilespmem:$0x8800] =	vst v63  }
.LBB2_12:
0xbd: {  	_ =	swait.ge [sflag:s23], $0x2000  }
.Ltmp9:
0xbe: {  	[sflag:s23] =	ssyncset.done $0x0;
	(pc) =	sbr.rel @p0 .LBB2_16-.Ltmp9, $4  }
0xbf: {  	[sflag:s23] =	ssyncadd.s32 $0xFFFFE000  }
0xc0: {  	_ =	swait.ge [sflag:s21], $0x2000  }
0xc1: {  	[sflag:s21] =	ssyncset.done $0x0  }
0xc2: {  	[sflag:s21] =	ssyncadd.s32 $0xFFFFE000  }
0xc3: {  	s26 =	simm.s32 $0x0;
	s0 =	rddreg [dreg:$0x4]  }
0xc4: {  	[tilespmem:s26], [sflag:$0x5] =	stream.strided.gather [hbm4b:s0+s15], $0x2000, s16, s15, $0x38;
	[tilespmem:$0x8800] =	vst v63  }
0xc5: {  	_ =	swait.ge [sflag:s24], $0x2000  }
0xc6: {  	s31 =	sand.u32 $0x1800, s26;
	s1 =	sand.u32 $0x380, s26;
	[sflag:s24] =	ssyncset.done $0x0  }
0xc7: {  	s0 =	sor.u32 s1, s31;
	[sflag:s24] =	ssyncadd.s32 $0xFFFFE000  }
0xc8: {  	v23 =	vld [tilespmem:s0+$0x40]  }
0xc9: {  	v20 =	vld [tilespmem:s0+$0x400]  }
0xca: {  	v16 =	vld [tilespmem:s0+$0x470]  }
0xcb: {  	v21 =	vld [tilespmem:s0+$0x410]  }
0xcc: {  	v17 =	vld [tilespmem:s0+$0x450]  }
0xcd: {  	v19 =	vld [tilespmem:s0+$0x440]  }
0xce: {  	v22 =	vld [tilespmem:s0+$0x430]  }
0xcf: {  	v25 =	vld [tilespmem:s0+$0x60]  }
0xd0: {  	v35 =	vld [tilespmem:s0+$0x30]  }
0xd1: {  	v29 =	vld [tilespmem:s0+$0x20]  }
0xd2: {  	v18 =	vor.u32 s26, v0;
	v31 =	vld [tilespmem:s0+$0x0]  }
0xd3: {  	v32 =	vor.u32 s26, v1;
	v30 =	vld [tilespmem:s0+$0x10]  }
0xd4: {  	v36 =	vor.u32 s26, v2;
	v27 =	vld [tilespmem:s0+$0x50]  }
0xd5: {  	v37 =	vor.u32 s26, v3;
	v26 =	vld [tilespmem:s0+$0x420]  }
0xd6: {  	v28 =	vld [tilespmem:s0+$0x70]  }
0xd7: {  	v34 =	vor.u32 s26, v4;
	v24 =	vld [tilespmem:s0+$0x460];
	[tilespmem:v18+s19+$0x0] =	vst.idx.msk $0xffff, v31  }
0xd8: {  	v33 =	vor.u32 s26, v5;
	[tilespmem:v32+s19+$0x0] =	vst.idx.msk $0xffff, v30  }
0xd9: {  	v18 =	vor.u32 s26, v10;
	v30 =	vor.u32 s26, v6;
	[tilespmem:v36+s19+$0x0] =	vst.idx.msk $0xffff, v29  }
0xda: {  	s2 =	simm.s32 $0x1;
	s28 =	simm.s32 $0x0;
	s1 =	simm.s32 $0x0;
	v31 =	vor.u32 s26, v8;
	v32 =	vor.u32 s26, v7;
	v29 =	vor.u32 s26, v9;
	[tilespmem:v37+s19+$0x0] =	vst.idx.msk $0xffff, v35  }
.LBB2_14:
0xdb: {  	s26 =	sadd.s32 $0x80, s26  }
0xdc: {  	v35 =	vor.u32 s2, v10;
	[tilespmem:v34+s19+$0x0] =	vst.idx.msk $0xffff, v23;
	s1 =	sadd.s32 $0x100, s1;
	s11 =	smov.u32 s2;
	s0 =	sadd.s32 $0x1, s2  }
0xdd: {  	p2 =	sne.s32 s2, $0x1F;
	v23 =	vor.u32 s28, v11;
	[tilespmem:v33+s19+$0x0] =	vst.idx.msk $0xffff, v27  }
0xde: {  	v27 =	vor.u32 s28, v12;
	[tilespmem:v30+s19+$0x0] =	vst.idx.msk $0xffff, v25  }
0xdf: {  	v25 =	vor.u32 s28, v13;
	[tilespmem:v32+s19+$0x0] =	vst.idx.msk $0xffff, v28  }
0xe0: {  	v28 =	vor.u32 s28, v14;
	[tilespmem:v31+s19+$0x0] =	vst.idx.msk $0xffff, v20  }
0xe1: {  	v20 =	vor.u32 s28, v15;
	s28 =	smov.u32 s11;
	[tilespmem:v29+s19+$0x0] =	vst.idx.msk $0xffff, v21  }
0xe2: {  	[tilespmem:v18+s19+$0x0] =	vst.idx.msk $0xffff, v26;
	v18 =	vmov v35  }
0xe3: {  	[tilespmem:v23+s19+$0x0] =	vst.idx.msk $0xffff, v22  }
0xe4: {  	[tilespmem:v27+s19+$0x0] =	vst.idx.msk $0xffff, v19  }
0xe5: {  	[tilespmem:v25+s19+$0x0] =	vst.idx.msk $0xffff, v17  }
0xe6: {  	s2 =	sand.u32 $0x1800, s1;
	s11 =	sand.u32 $0x380, s26;
	[tilespmem:v28+s19+$0x0] =	vst.idx.msk $0xffff, v24  }
0xe7: {  	s2 =	sor.u32 s11, s2;
	[tilespmem:v20+s19+$0x0] =	vst.idx.msk $0xffff, v16  }
0xe8: {  	v23 =	vld [tilespmem:s2+$0x40]  }
0xe9: {  	v20 =	vld [tilespmem:s2+$0x400]  }
0xea: {  	v16 =	vld [tilespmem:s2+$0x470]  }
0xeb: {  	v21 =	vld [tilespmem:s2+$0x410]  }
0xec: {  	v17 =	vld [tilespmem:s2+$0x450]  }
0xed: {  	v19 =	vld [tilespmem:s2+$0x440]  }
0xee: {  	v22 =	vld [tilespmem:s2+$0x430]  }
0xef: {  	v25 =	vld [tilespmem:s2+$0x60]  }
0xf0: {  	v35 =	vld [tilespmem:s2+$0x30]  }
0xf1: {  	v29 =	vld [tilespmem:s2+$0x20]  }
0xf2: {  	v31 =	vor.u32 s28, v0;
	v36 =	vld [tilespmem:s2+$0x10]  }
0xf3: {  	v37 =	vor.u32 s28, v1;
	v32 =	vld [tilespmem:s2+$0x0]  }
0xf4: {  	v38 =	vor.u32 s28, v2;
	v27 =	vld [tilespmem:s2+$0x50]  }
0xf5: {  	v39 =	vor.u32 s28, v3;
	v26 =	vld [tilespmem:s2+$0x420]  }
0xf6: {  	v34 =	vor.u32 s28, v4;
	v28 =	vld [tilespmem:s2+$0x70]  }
.Ltmp10:
0xf7: {  	v33 =	vor.u32 s28, v5;
	v24 =	vld [tilespmem:s2+$0x460];
	(pc) =	sbr.rel @p2 .LBB2_14-.Ltmp10, $4  }
0xf8: {  	v30 =	vor.u32 s28, v6;
	[tilespmem:v31+s19+$0x0] =	vst.idx.msk $0xffff, v32  }
0xf9: {  	v32 =	vor.u32 s28, v7;
	[tilespmem:v37+s19+$0x0] =	vst.idx.msk $0xffff, v36  }
0xfa: {  	v31 =	vor.u32 s28, v8;
	[tilespmem:v38+s19+$0x0] =	vst.idx.msk $0xffff, v29  }
0xfb: {  	s2 =	smov.u32 s0;
	v29 =	vor.u32 s28, v9;
	[tilespmem:v39+s19+$0x0] =	vst.idx.msk $0xffff, v35  }
0xfc: {  	_ =	sdelay $0x3  }
0xfd: {  	[tilespmem:v34+s19+$0x0] =	vst.idx.msk $0xffff, v23  }
0xfe: {  	[tilespmem:v33+s19+$0x0] =	vst.idx.msk $0xffff, v27  }
0xff: {  	v59 =	vor.u32 s28, v11;
	[tilespmem:v30+s19+$0x0] =	vst.idx.msk $0xffff, v25  }
0x100: {  	v60 =	vor.u32 s28, v12;
	[tilespmem:v32+s19+$0x0] =	vst.idx.msk $0xffff, v28  }
0x101: {  	v61 =	vor.u32 s28, v13;
	[tilespmem:v31+s19+$0x0] =	vst.idx.msk $0xffff, v20  }
0x102: {  	v62 =	vor.u32 s28, v14;
	[tilespmem:v29+s19+$0x0] =	vst.idx.msk $0xffff, v21  }
0x103: {  	v63 =	vor.u32 s28, v15;
	[tilespmem:v18+s19+$0x0] =	vst.idx.msk $0xffff, v26  }
0x104: {  	[tilespmem:v59+s19+$0x0] =	vst.idx.msk $0xffff, v22  }
0x105: {  	[tilespmem:v60+s19+$0x0] =	vst.idx.msk $0xffff, v19  }
0x106: {  	[tilespmem:v61+s19+$0x0] =	vst.idx.msk $0xffff, v17  }
0x107: {  	[tilespmem:v62+s19+$0x0] =	vst.idx.msk $0xffff, v24  }
.Ltmp11:
0x108: {  	[tilespmem:v63+s19+$0x0] =	vst.idx.msk $0xffff, v16;
	(pc) =	sbr.rel .LBB2_16-.Ltmp11, $4  }
0x109: {  	[hbm4b:s12+s3] =	stream.linear.scatter [tilespmem:s19], [sflag:$0x5], $0x2000, $0x38;
	[tilespmem:$0x8800] =	vst v63  }
0x10a: {  	_ =	swait.ge [sflag:s24], $0x2000  }
0x10b: {  	[sflag:s24] =	ssyncset.done $0x0  }
0x10c: {  	[sflag:s24] =	ssyncadd.s32 $0xFFFFE000  }
.LBB2_17:
0x10d: {  	_ =	sfence.sel $0x180000  }
0x10e: {  	[bflag:$0x0] =	sbarrier.arrive $0xFFFF  }
0x10f: {  	_ =	strace $0x90000047  }
0x110: {  	s0 =	stileid.u32;
	[bflag:$0x2] =	sbarrier.arrive $0xFFFF  }
0x111: {  	p0 =	sne.s32 s0, $0x0;
	s0 =	rddreg [dreg:$0x3]  }
0x112: {  	s0 =	sadd.s32 @!p0 $0x100000, s0  }
0x113: {  	[sflag:s0] =	ssyncadd.tile.s32 @!p0 $0x1;
	_ =	shalt  }
.Lfunc_end2:
_tile_overlayer_lowered:
.L_overlay_start_2:
0x114: {  	(tag) =	ssettag $0x2  }
0x115: {  	s0 =	rddreg [dreg:$0x0];
	s2 =	stileid.u32  }
0x116: {  	s1 =	rddreg [dreg:$0x1];
	p0 =	sne.s32 s2, $0x0  }
0x117: {  	s3 =	rddreg [dreg:$0x2];
	[bflag:$0x3] =	sbarrier.arrive $0xFFFF;
	s2 =	simm.s32 @!p0 $0x1C05  }
0x118: {  	[timem:s3], [sflag:s2] =	dma.local @!p0 [hbm:s0], s1  }
0x119: {  	s0 =	simm.s32 @!p0 $0x5  }
0x11a: {  	_ =	swait.ge @!p0 [sflag:s0], s1  }
0x11b: {  	s1 =	ssub.s32 @!p0 $0x0, s1;
	[sflag:s0] =	ssyncset.done @!p0 $0x0  }
0x11c: {  	[sflag:s0] =	ssyncadd.s32 @!p0 s1  }
0x11d: {  	[bflag:$0x3] =	sbarrier.arrive $0xFFFF  }
0x11e: {  	_ =	shalt  }

// kernel: _emb.7.cloned.1.call-start
scs
__scs_entry_jumppad:
0x0: {  	(pc) =	sbr.rel $0x88, $3  }
0x1: {  	(tag) =	ssettag $0x0;
	lr =	simm.s32 $0x1  }
0x2: {  	[smem:$0x3F9E] =	sst lr;
	_ =	strace $0xD0000000  }
0x3: {  	_ = 	snop  }
0x4: {  	_ = 	snop  }
0x5: {  	_ = 	snop  }
0x6: {  	_ = 	snop  }
0x7: {  	_ = 	snop  }
__scs_overlays_trampoline_lowered:
0x8: {  	[smem:$0x3FAD] =	sst s0  }
0x9: {  	[smem:$0x3FAE] =	sst s1  }
0xa: {  	[smem:$0x3FAF] =	sst s2  }
0xb: {  	[smem:$0x3FB0] =	sst s3  }
0xc: {  	[smem:$0x3FB1] =	sst s4  }
0xd: {  	[smem:$0x3FB2] =	sst s5  }
0xe: {  	[smem:$0x3FB3] =	sst s6  }
0xf: {  	[smem:$0x3FB4] =	sst s7  }
0x10: {  	[smem:$0x3FB5] =	sst s8  }
0x11: {  	[smem:$0x3FB6] =	sst s9;
	s0 =	simm.s32 @!p0 $0x0  }
0x12: {  	s1 =	sld [smem:$0x3F9C];
	s0 =	simm.s32 @p0 $0x1  }
0x13: {  	[smem:$0x3FB7] =	sst s0;
	s0 =	simm.s32 @!p1 $0x0  }
0x14: {  	s2 =	sld [smem:$0x3F9B];
	s0 =	simm.s32 @p1 $0x1  }
0x15: {  	[smem:$0x3FB8] =	sst s0;
	s0 =	simm.s32 @!p2 $0x0  }
0x16: {  	s3 =	sld [smem:$0x3FDB];
	s0 =	simm.s32 @p2 $0x1  }
0x17: {  	s4 =	simm.s32 $0x1BF5;
	[smem:$0x3FBA] =	sst s0  }
0x18: {  	s0 =	sld [smem:$0x3F9D];
	_ =	swait.ge [sflag:s4], $0x0  }
0x19: {  	s7 =	sld [smem:$0x3F9E]  }
0x1a: {  	s8 =	sadd.s32 $0xFFFFE003, lr  }
0x1b: {  	s9 =	sadd.s32 $0xFFFFFEF7, lr;
	s5 =	simm.s32 $0xFFFFFFFF;
	p2 =	slt.u32 s8, $0xFFFFF086  }
0x1c: {  	p1 =	slt.u32 s9, $0xF7A;
	s5 =	simm.s32 @!p2 $0x0  }
0x1d: {  	s5 =	simm.s32 @p1 $0x1;
	p0 =	seq.s32 s7, s2  }
0x1e: {  	s7 =	smul.u32 @!p0 $0xF7A, s2;
	p2 =	seq.s32 @!p0 s5, $0x0  }
0x1f: {  	s9 =	smul.u32 $0xF7A, s1;
	s8 =	simm.s32 @!p0 $0x1BF5;
	p2 =	por !p2, p0  }
0x20: {  	[sflag:s8] =	ssyncset.s32 @!p0 $0xFFFFF086;
	s6 =	sadd.s32 @!p0 s3, s7;
	s7 =	simm.s32 @!p0 $0x108  }
0x21: {  	s3 =	sadd.s32 s3, s9;
	s6 =	sadd.s32 @!p0 $0x88, s6;
	s7 =	simm.s32 @p2 $0x1082  }
0x22: {  	[simem:s7], [sflag:s8] =	dma.local @!p0 [hbm:s6], $0xF7A  }
0x23: {  	s9 =	sor.u32 $0xD0000000, s2;
	s6 =	simm.s32 $0x108;
	_ =	swait.ge @!p0 [sflag:s8], $0x0  }
0x24: {  	s3 =	sadd.s32 $0x88, s3;
	s6 =	simm.s32 @!p1 $0x1082;
	[sflag:s4] =	ssyncset.s32 $0xFFFFF086  }
0x25: {  	[simem:s6], [sflag:s4] =	dma.local [hbm:s3], $0xF7A  }
0x26: {  	[smem:$0x3F9E] =	sst s1;
	(tag) =	ssettag s2;
	_ =	strace s9  }
0x27: {  	s1 =	sld [smem:$0x3FAE]  }
0x28: {  	s2 =	sld [smem:$0x3FAF]  }
0x29: {  	s4 =	sld [smem:$0x3FB1]  }
0x2a: {  	p0 =	seq.s32 s5, $0x0;
	s5 =	sld [smem:$0x3FB2]  }
0x2b: {  	s6 =	sld [smem:$0x3FB3]  }
0x2c: {  	s7 =	sld [smem:$0x3FB4]  }
0x2d: {  	s3 =	simm.s32 $0x108;
	s8 =	sld [smem:$0x3FB5]  }
0x2e: {  	s3 =	simm.s32 @!p0 $0x1082;
	s9 =	sld [smem:$0x3FB6]  }
0x2f: {  	lr =	sadd.s32 s0, s3;
	s0 =	sld [smem:$0x3FAD]  }
0x30: {  	s3 =	sld [smem:$0x3FB0]  }
0x31: {  	[smem:$0x3FB9] =	sst s10  }
0x32: {  	s10 =	sld [smem:$0x3FB7];
	_ =	sdelay $0x3  }
0x33: {  	p0 =	seq.s32 s10, $0x1;
	s10 =	sld [smem:$0x3FB9];
	_ =	sdelay $0x3  }
0x34: {  	[smem:$0x3FB9] =	sst s10  }
0x35: {  	s10 =	sld [smem:$0x3FB8];
	_ =	sdelay $0x3  }
0x36: {  	p1 =	seq.s32 s10, $0x1;
	s10 =	sld [smem:$0x3FB9];
	_ =	sdelay $0x3  }
0x37: {  	[smem:$0x3FB9] =	sst s10  }
0x38: {  	s10 =	sld [smem:$0x3FBA]  }
0x39: {  	_ = 	snop;
	(pc) =	sbr.ind lr, $3  }
0x3a: {  	_ = 	snop  }
0x3b: {  	_ = 	snop  }
0x3c: {  	p2 =	seq.s32 s10, $0x1;
	s10 =	sld [smem:$0x3FB9]  }
0x3d: {  	_ =	shalt  }
0x3e: {  	_ =	shalt  }
0x3f: {  	_ =	shalt  }
0x40: {  	_ =	shalt  }
0x41: {  	_ =	shalt  }
0x42: {  	_ =	shalt  }
0x43: {  	_ =	shalt  }
0x44: {  	_ =	shalt  }
0x45: {  	_ =	shalt  }
0x46: {  	_ =	shalt  }
0x47: {  	_ =	shalt  }
0x48: {  	_ =	shalt  }
0x49: {  	_ =	shalt  }
0x4a: {  	_ =	shalt  }
0x4b: {  	_ =	shalt  }
0x4c: {  	_ =	shalt  }
0x4d: {  	_ =	shalt  }
0x4e: {  	_ =	shalt  }
0x4f: {  	_ =	shalt  }
0x50: {  	_ =	shalt  }
0x51: {  	_ =	shalt  }
0x52: {  	_ =	shalt  }
0x53: {  	_ =	shalt  }
0x54: {  	_ =	shalt  }
0x55: {  	_ =	shalt  }
0x56: {  	_ =	shalt  }
0x57: {  	_ =	shalt  }
0x58: {  	_ =	shalt  }
0x59: {  	_ =	shalt  }
0x5a: {  	_ =	shalt  }
0x5b: {  	_ =	shalt  }
0x5c: {  	_ =	shalt  }
0x5d: {  	_ =	shalt  }
0x5e: {  	_ =	shalt  }
0x5f: {  	_ =	shalt  }
0x60: {  	_ =	shalt  }
0x61: {  	_ =	shalt  }
0x62: {  	_ =	shalt  }
0x63: {  	_ =	shalt  }
0x64: {  	_ =	shalt  }
0x65: {  	_ =	shalt  }
0x66: {  	_ =	shalt  }
0x67: {  	_ =	shalt  }
0x68: {  	_ =	shalt  }
0x69: {  	_ =	shalt  }
0x6a: {  	_ =	shalt  }
0x6b: {  	_ =	shalt  }
0x6c: {  	_ =	shalt  }
0x6d: {  	_ =	shalt  }
0x6e: {  	_ =	shalt  }
0x6f: {  	_ =	shalt  }
0x70: {  	_ =	shalt  }
0x71: {  	_ =	shalt  }
0x72: {  	_ =	shalt  }
0x73: {  	_ =	shalt  }
0x74: {  	_ =	shalt  }
0x75: {  	_ =	shalt  }
0x76: {  	_ =	shalt  }
0x77: {  	_ =	shalt  }
0x78: {  	_ =	shalt  }
0x79: {  	_ =	shalt  }
0x7a: {  	_ =	shalt  }
0x7b: {  	_ =	shalt  }
0x7c: {  	_ =	shalt  }
0x7d: {  	_ =	shalt  }
0x7e: {  	_ =	shalt  }
0x7f: {  	_ =	shalt  }
0x80: {  	_ =	shalt  }
0x81: {  	_ =	shalt  }
0x82: {  	_ =	shalt  }
0x83: {  	_ =	shalt  }
0x84: {  	_ =	shalt  }
0x85: {  	_ =	shalt  }
0x86: {  	_ =	shalt  }
0x87: {  	_ =	shalt  }
.Lfunc_end0:
.L_simem_size_0:
called_computation.1_lowered:
.L_overlay_start_0:
0x88: {  	s2 =	sld [smem:$0x3FD9]  }
0x89: {  	s3 =	sld [smem:$0x3FFE];
	_ =	sdelay $0x1  }
0x8a: {  	s1 =	srdreg.scid  }
0x8b: {  	s0 =	sand.u32 $0x1, s1  }
0x8c: {  	s17 =	sshll.u32 s0, $0xA;
	s2 =	sadd.s32 s3, s2  }
0x8d: {  	s2 =	sadd.s32 s2, s17  }
0x8e: {  	[smem:$0x3FC5] =	sst s2  }
0x8f: {  	_ = 	snop  }
0x90: {  	s2 =	sld [smem:$0x3FC9]  }
0x91: {  	s18 =	sld [smem:$0x3FD0];
	(tm) =	ssettm $0x1  }
0x92: {  	s4 =	sld [smem:$0x3FFB];
	_ =	sdelay $0x3  }
0x93: {  	_ =	strace s4  }
0x94: {  	s4 =	sld [smem:$0x3FFC];
	_ =	sdelay $0x3  }
0x95: {  	_ =	strace s4  }
0x96: {  	s4 =	sld [smem:$0x3FFD];
	_ =	sdelay $0x3  }
0x97: {  	_ =	strace s4  }
0x98: {  	_ =	strace $0x8FFFFFFF  }
0x99: {  	s19 =	sld [smem:$0x3FDB];
	_ =	sdelay $0x1  }
0x9a: {  	s5 =	simm.s32 $_scs_section_size  }
0x9b: {  	s6 =	simm.s32 $_size__tile_overlayer_lowered;
	s7 =	simm.s32 $_tile_overlayer_lowered  }
0x9c: {  	s22 =	simm.s32 $0x1BFF;
	s21 =	sshll.u32 s7, $0x1;
	s4 =	sadd.s32 s5, s19  }
0x9d: {  	s8 =	simm.s32 $0x0;
	s20 =	sshll.u32 s6, $0x1;
	s6 =	sadd.s32 s21, s4  }
0x9e: {  	[timem:s8], [sflag:s22] =	dma.local [hbm:s6], s20  }
0x9f: {  	_ =	swait.ge [sflag:s22], s20  }
0xa0: {  	s5 =	ssub.s32 $0x0, s20;
	[sflag:s22] =	ssyncset.done $0x0  }
0xa1: {  	[sflag:s22] =	ssyncadd.s32 s5;
	_ =	sdelay $0x1  }
0xa2: {  	s23 =	simm.s32 $0x1B8B  }
0xa3: {  	_ =	swait.ge [sflag:s23], $0x1  }
0xa4: {  	[sflag:s23] =	ssyncset.done $0x0  }
0xa5: {  	s25 =	simm.s32 $0x1B8E;
	s24 =	sld [smem:$0x3FFE];
	[sflag:s23] =	ssyncadd.s32 $0xFFFFFFFF  }
0xa6: {  	s26 =	simm.s32 $execute0_lowered;
	[smem:$0x3FD2] =	sst s25  }
0xa7: {  	s6 =	sshll.u32 s26, $0x1;
	_ =	strace $0x80000049;
	[dreg:$0x1] =	wrdreg $0xFFFFFFFF  }
0xa8: {  	s28 =	simm.s32 $_size_execute0_lowered;
	s4 =	sadd.s32 s4, s6;
	[dreg:$0x0] =	wrdreg $0x0  }
0xa9: {  	s6 =	sshll.u32 s28, $0x1;
	[dreg:$0x2] =	wrdreg s4  }
0xaa: {  	[dreg:$0x3] =	wrdreg s6  }
0xab: {  	[dreg:$0x4] =	wrdreg $0xC0  }
0xac: {  	_ =	task [dreg:s8], $0x5FFFF  }
0xad: {  	[dreg:$0x1] =	wrdreg $0xFFFFFFFF  }
0xae: {  	[dreg:$0x0] =	wrdreg $0x60  }
0xaf: {  	[dreg:$0x2] =	wrdreg s2  }
0xb0: {  	[dreg:$0x3] =	wrdreg s24  }
0xb1: {  	[dreg:$0x4] =	wrdreg s18  }
0xb2: {  	[dreg:$0x5] =	wrdreg $0x9  }
0xb3: {  	_ =	task.clear_ibuf [dreg:s8], $0x6FFFF;
	_ =	strace $0x90000049  }
0xb4: {  	s29 =	simm.s32 $0x9;
	_ =	strace $0x8000004B  }
0xb5: {  	_ =	swait.ge [sflag:s29], $0x1  }
0xb6: {  	[sflag:s29] =	ssyncadd.s32 $0xFFFFFFFF  }
0xb7: {  	_ =	strace $0x9000004B  }
0xb8: {  	_ =	sfence  }
0xb9: {  	s30 =	sld [smem:$0x0];
	_ =	sdelay $0x2  }
0xba: {  	s31 =	sshll.u32 s1, $0xD;
	s1 =	sshrl.u32 s1, $0x2  }
0xbb: {  	s3 =	sand.u32 $0x4000, s31;
	s1 =	sadd.s32 s1, s30  }
0xbc: {  	s0 =	sor.u32 s3, s0;
	s1 =	sshll.u32 s1, $0x11  }
0xbd: {  	s0 =	sor.u32 s1, s0  }
0xbe: {  	s0 =	sadd.s32 $0x8F2B, s0  }
0xbf: {  	[sflag:s0] =	ssyncadd.remote.s32 $0x1  }
0xc0: {  	_ =	sfence.sel $0xFFFF  }
0xc1: {  	[dreg:$0x0] =	wrdreg $0xFFFFFFFF;
	(pc) =	sbr.abs _section_cstart, $3  }
0xc2: {  	[dreg:$0x1] =	wrdreg $0xFFFFFFFF  }
0xc3: {  	_ =	task.clear_ibuf [dreg:s8], $0x2FFFF;
	_ =	strace $0x9FFFFFFF  }
0xc4: {  	(tm) =	ssettm $0x7FFFFFFF  }
0xc5: {  	_ =	shalt  }
tec
execute0_lowered:
.L_overlay_start_1:
0x0: {  	(tag) =	ssettag $0x1  }
0x1: {  	s1 =	rddreg [dreg:$0x0];
	s0 =	srdreg.scid  }
0x2: {  	s3 =	stileid.u32;
	s2 =	rddreg [dreg:$0x1]  }
0x3: {  	s11 =	rddreg [dreg:$0x2];
	s4 =	simm.s32 $0x0;
	s13 =	simm.s32 $0x3  }
0x4: {  	s14 =	simm.s32 $0x80;
	s15 =	simm.s32 $0x500;
	s24 =	simm.s32 $0xEA00  }
0x5: {  	s28 =	simm.s32 $0x800;
	s29 =	simm.s32 $0x10A00;
	s30 =	simm.s32 $0x880  }
0x6: {  	s31 =	simm.s32 $0x11A00;
	s0 =	sand.u32 $0x1, s0;
	s3 =	sshll.u32 s3, $0x1  }
0x7: {  	s16 =	simm.s32 $0x2;
	s17 =	simm.s32 $0x15200;
	s3 =	sor.u32 s0, s3  }
0x8: {  	s19 =	simm.s32 $0x0;
	s0 =	ssub.s32 $0x2, s0;
	s5 =	smul.u32 $0x10400, s3  }
0x9: {  	[smem:$0x7FF] =	sst s4;
	s7 =	sshrl.u32 s0, $0x1;
	s10 =	smul.u32 $0x3400, s3  }
0xa: {  	_ =	strace $0x8000004A;
	s0 =	ssub.s32 s0, s7;
	s7 =	simm.s32 $0x980  }
0xb: {  	s6 =	sshrl.u32 s5, $0x3;
	s9 =	sadd.s32 $0xA00, s5;
	s26 =	sadd.s32 s10, s11  }
0xc: {  	s10 =	sadd.s32 $0xF00, s5;
	s0 =	smax.u32 s0, $0x1;
	s11 =	simm.s32 $0x13A00  }
.Ltmp0:
0xd: {  	s5 =	simm.s32 $0x1;
	s8 =	sadd.s32 s1, s6;
	(pc) =	sbr.rel .LBB2_1-.Ltmp0, $4  }
0xe: {  	s6 =	sadd.s32 $0x800, s2;
	[dreg:$0x6] =	wrdreg s0;
	s12 =	sadd.s32 $0x100, s26  }
0xf: {  	s26 =	simm.s32 $0xFA00;
	s2 =	simm.s32 $0x900;
	s0 =	simm.s32 $0x12A00  }
0x10: {  	[dreg:$0x4] =	wrdreg s8;
	s25 =	sadd.s32 $0xA0, s8;
	s8 =	smul.u32 $0x1A000, s3  }
0x11: {  	s3 =	simm.s32 $0x14A00;
	[dreg:$0x5] =	wrdreg s25;
	s25 =	simm.s32 $0x780  }
.LBB2_8:
0x12: {  	s19 =	rddreg [dreg:$0x7]  }
0x13: {  	s18 =	rddreg [dreg:$0x6];
	s19 =	sadd.s32 $0x1, s19  }
0x14: {  	p0 =	sne.s32 s19, s18  }
.Ltmp1:
0x15: {  	_ = 	snop;
	(pc) =	sbr.rel @!p0 .LBB2_9-.Ltmp1, $1  }
0x16: {  	_ =	sdelay $0x3  }
.LBB2_1:
0x17: {  	[dreg:$0x7] =	wrdreg s19  }
0x18: {  	s18 =	rddreg [dreg:$0x4]  }
0x19: {  	[tilespmem:s4], [sflag:$0x3] =	stream.linear.gather [hbm4b:s18+s4], $0x500, $0x38;
	[tilespmem:$0x15A00] =	vst v63  }
0x1a: {  	_ =	swait.ge [sflag:s13], $0x500  }
0x1b: {  	[sflag:s13] =	ssyncset.done $0x0  }
0x1c: {  	s23 =	simm.s32 $0xA00;
	[sflag:s13] =	ssyncadd.s32 $0xFFFFFB00  }
0x1d: {  	[tilespmem:s23], [sflag:$0x1] =	stream.indirect.gather [hbm4b:s6+s14], $0x20, s4, s14, $0xb8;
	[tilespmem:$0x15A00] =	vst v63  }
0x1e: {  	s19 =	simm.s32 $0x1A00  }
0x1f: {  	[tilespmem:s19], [sflag:$0x1] =	stream.indirect.gather [hbm4b:s6+s14], $0x20, s14, s14, $0xb8;
	[tilespmem:$0x15A00] =	vst v63  }
0x20: {  	s20 =	simm.s32 $0x100;
	s21 =	simm.s32 $0x2A00  }
0x21: {  	[tilespmem:s21], [sflag:$0x1] =	stream.indirect.gather [hbm4b:s6+s14], $0x20, s20, s14, $0xb8;
	[tilespmem:$0x15A00] =	vst v63  }
0x22: {  	s22 =	simm.s32 $0x180;
	s23 =	simm.s32 $0x3A00  }
0x23: {  	[tilespmem:s23], [sflag:$0x1] =	stream.indirect.gather [hbm4b:s6+s14], $0x20, s22, s14, $0xb8;
	[tilespmem:$0x15A00] =	vst v63  }
0x24: {  	s20 =	simm.s32 $0x200;
	s21 =	simm.s32 $0x4A00  }
0x25: {  	[tilespmem:s21], [sflag:$0x1] =	stream.indirect.gather [hbm4b:s6+s14], $0x20, s20, s14, $0xb8;
	[tilespmem:$0x15A00] =	vst v63  }
0x26: {  	s22 =	simm.s32 $0x280;
	s23 =	simm.s32 $0x5A00  }
0x27: {  	[tilespmem:s23], [sflag:$0x1] =	stream.indirect.gather [hbm4b:s6+s14], $0x20, s22, s14, $0xb8;
	[tilespmem:$0x15A00] =	vst v63  }
0x28: {  	s20 =	simm.s32 $0x300;
	s21 =	simm.s32 $0x6A00  }
0x29: {  	[tilespmem:s21], [sflag:$0x1] =	stream.indirect.gather [hbm4b:s6+s14], $0x20, s20, s14, $0xb8;
	[tilespmem:$0x15A00] =	vst v63  }
0x2a: {  	s22 =	simm.s32 $0x380;
	s23 =	simm.s32 $0x7A00  }
0x2b: {  	[tilespmem:s23], [sflag:$0x1] =	stream.indirect.gather [hbm4b:s6+s14], $0x20, s22, s14, $0xb8;
	[tilespmem:$0x15A00] =	vst v63  }
0x2c: {  	s20 =	simm.s32 $0x400;
	s21 =	simm.s32 $0x8A00  }
0x2d: {  	[tilespmem:s21], [sflag:$0x1] =	stream.indirect.gather [hbm4b:s6+s14], $0x20, s20, s14, $0xb8;
	[tilespmem:$0x15A00] =	vst v63  }
0x2e: {  	s22 =	simm.s32 $0x480;
	s23 =	simm.s32 $0x9A00  }
0x2f: {  	[tilespmem:s23], [sflag:$0x1] =	stream.indirect.gather [hbm4b:s6+s14], $0x20, s22, s14, $0xb8;
	[tilespmem:$0x15A00] =	vst v63  }
0x30: {  	s20 =	rddreg [dreg:$0x5]  }
0x31: {  	[tilespmem:s15], [sflag:$0x3] =	stream.linear.gather [hbm4b:s20+s4], $0x500, $0x38;
	[tilespmem:$0x15A00] =	vst v63  }
0x32: {  	_ =	swait.ge [sflag:s13], $0x500  }
0x33: {  	[sflag:s13] =	ssyncset.done $0x0  }
0x34: {  	s21 =	simm.s32 $0xAA00;
	[sflag:s13] =	ssyncadd.s32 $0xFFFFFB00  }
0x35: {  	[tilespmem:s21], [sflag:$0x2] =	stream.indirect.gather [hbm4b:s6+s14], $0x20, s15, s14, $0xb8;
	[tilespmem:$0x15A00] =	vst v63  }
0x36: {  	s22 =	simm.s32 $0x580;
	s23 =	simm.s32 $0xBA00  }
0x37: {  	[tilespmem:s23], [sflag:$0x2] =	stream.indirect.gather [hbm4b:s6+s14], $0x20, s22, s14, $0xb8;
	[tilespmem:$0x15A00] =	vst v63  }
0x38: {  	s19 =	simm.s32 $0x600;
	s20 =	simm.s32 $0xCA00  }
0x39: {  	[tilespmem:s20], [sflag:$0x2] =	stream.indirect.gather [hbm4b:s6+s14], $0x20, s19, s14, $0xb8;
	[tilespmem:$0x15A00] =	vst v63  }
0x3a: {  	s21 =	simm.s32 $0x680;
	s22 =	simm.s32 $0xDA00  }
0x3b: {  	[tilespmem:s22], [sflag:$0x2] =	stream.indirect.gather [hbm4b:s6+s14], $0x20, s21, s14, $0xb8;
	[tilespmem:$0x15A00] =	vst v63  }
0x3c: {  	s23 =	simm.s32 $0x700  }
0x3d: {  	[tilespmem:s24], [sflag:$0x2] =	stream.indirect.gather [hbm4b:s6+s14], $0x20, s23, s14, $0xb8;
	[tilespmem:$0x15A00] =	vst v63  }
0x3e: {  	_ = 	snop  }
0x3f: {  	[tilespmem:s26], [sflag:$0x2] =	stream.indirect.gather [hbm4b:s6+s14], $0x20, s25, s14, $0xb8;
	[tilespmem:$0x15A00] =	vst v63  }
0x40: {  	_ = 	snop  }
0x41: {  	[tilespmem:s29], [sflag:$0x2] =	stream.indirect.gather [hbm4b:s6+s14], $0x20, s28, s14, $0xb8;
	[tilespmem:$0x15A00] =	vst v63  }
0x42: {  	_ = 	snop  }
0x43: {  	[tilespmem:s31], [sflag:$0x2] =	stream.indirect.gather [hbm4b:s6+s14], $0x20, s30, s14, $0xb8;
	[tilespmem:$0x15A00] =	vst v63  }
0x44: {  	_ = 	snop  }
0x45: {  	[tilespmem:s0], [sflag:$0x2] =	stream.indirect.gather [hbm4b:s6+s14], $0x20, s2, s14, $0xb8;
	[tilespmem:$0x15A00] =	vst v63  }
0x46: {  	s18 =	simm.s32 $0x0  }
0x47: {  	[tilespmem:s11], [sflag:$0x2] =	stream.indirect.gather [hbm4b:s6+s14], $0x20, s7, s14, $0xb8;
	[tilespmem:$0x15A00] =	vst v63  }
.LBB2_2:
0x48: {  	_ =	swait.ge [sflag:s5], $0xA000  }
0x49: {  	[sflag:s5] =	ssyncset.done $0x0  }
0x4a: {  	s19 =	simm.s32 $0xB40;
	[sflag:s5] =	ssyncadd.s32 $0xFFFF6000  }
0x4b: {  	v0 =	vld [tilespmem:s19+$0xFFFFFEF0]  }
0x4c: {  	v1 =	vld [tilespmem:s19+$0xFFFFFEC0]  }
0x4d: {  	v2 =	vld [tilespmem:s19+$0xFFFFFEE0]  }
0x4e: {  	v3 =	vld [tilespmem:s19+$0xFFFFFED0]  }
0x4f: {  	v4 =	vld [tilespmem:s19+$0xFFFFFF00]  }
0x50: {  	v5 =	vld [tilespmem:s19+$0xFFFFFF10]  }
0x51: {  	v6 =	vld [tilespmem:s19+$0xFFFFFF20]  }
0x52: {  	v7 =	vld [tilespmem:s19+$0xFFFFFF40];
	v1 =	vadd.f32 v2, v1  }
0x53: {  	v2 =	vld [tilespmem:s19+$0xFFFFFF30]  }
0x54: {  	v44 =	vld [tilespmem:s19+$0xFFFFFF60];
	v0 =	vadd.f32 v0, v3;
	v1 =	vadd.f32 v4, v1  }
0x55: {  	v3 =	vld [tilespmem:s19+$0xFFFFFF50]  }
0x56: {  	v45 =	vld [tilespmem:s19+$0xFFFFFF70];
	v0 =	vadd.f32 v5, v0;
	v1 =	vadd.f32 v6, v1  }
0x57: {  	v46 =	vld [tilespmem:s19+$0xFFFFFF80]  }
0x58: {  	v47 =	vld [tilespmem:s19+$0xFFFFFFA0];
	v0 =	vadd.f32 v2, v0;
	v1 =	vadd.f32 v7, v1  }
0x59: {  	v2 =	vld [tilespmem:s19+$0xFFFFFF90]  }
0x5a: {  	v48 =	vld [tilespmem:s19+$0xFFFFFFC0];
	v0 =	vadd.f32 v3, v0;
	v1 =	vadd.f32 v44, v1  }
0x5b: {  	v3 =	vld [tilespmem:s19+$0xFFFFFFB0]  }
0x5c: {  	v49 =	vld [tilespmem:s19+$0xFFFFFFD0];
	v0 =	vadd.f32 v45, v0;
	v1 =	vadd.f32 v46, v1  }
0x5d: {  	v50 =	vld [tilespmem:s19+$0xFFFFFFE0]  }
0x5e: {  	v51 =	vld [tilespmem:s19+$0x0];
	v0 =	vadd.f32 v2, v0;
	v1 =	vadd.f32 v47, v1  }
0x5f: {  	v2 =	vld [tilespmem:s19+$0xFFFFFFF0]  }
0x60: {  	v52 =	vld [tilespmem:s19+$0x20];
	v0 =	vadd.f32 v3, v0;
	v1 =	vadd.f32 v48, v1  }
0x61: {  	v3 =	vld [tilespmem:s19+$0x10]  }
0x62: {  	v53 =	vld [tilespmem:s19+$0x30];
	v0 =	vadd.f32 v49, v0;
	v1 =	vadd.f32 v50, v1  }
0x63: {  	v54 =	vld [tilespmem:s19+$0x40]  }
0x64: {  	v55 =	vld [tilespmem:s19+$0x60];
	v0 =	vadd.f32 v2, v0;
	v1 =	vadd.f32 v51, v1  }
0x65: {  	v2 =	vld [tilespmem:s19+$0x50]  }
0x66: {  	v56 =	vld [tilespmem:s19+$0x80];
	v0 =	vadd.f32 v3, v0;
	v1 =	vadd.f32 v52, v1  }
0x67: {  	v3 =	vld [tilespmem:s19+$0x70]  }
0x68: {  	v57 =	vld [tilespmem:s19+$0x90];
	v0 =	vadd.f32 v53, v0;
	v1 =	vadd.f32 v54, v1  }
0x69: {  	v58 =	vld [tilespmem:s19+$0xA0]  }
0x6a: {  	v59 =	vld [tilespmem:s19+$0xC0];
	v0 =	vadd.f32 v2, v0;
	v1 =	vadd.f32 v55, v1  }
0x6b: {  	v2 =	vld [tilespmem:s19+$0xB0]  }
0x6c: {  	v60 =	vld [tilespmem:s19+$0xE0];
	v0 =	vadd.f32 v3, v0;
	v1 =	vadd.f32 v56, v1  }
0x6d: {  	v3 =	vld [tilespmem:s19+$0xD0]  }
0x6e: {  	v61 =	vld [tilespmem:s19+$0xF0];
	v0 =	vadd.f32 v57, v0;
	v1 =	vadd.f32 v58, v1  }
0x6f: {  	v62 =	vld [tilespmem:s19+$0x100]  }
0x70: {  	v63 =	vld [tilespmem:s19+$0x120];
	v0 =	vadd.f32 v2, v0;
	v1 =	vadd.f32 v59, v1  }
0x71: {  	v2 =	vld [tilespmem:s19+$0x110]  }
0x72: {  	v0 =	vadd.f32 v3, v0;
	v1 =	vadd.f32 v60, v1  }
0x73: {  	v3 =	vld [tilespmem:s19+$0x130]  }
0x74: {  	v0 =	vadd.f32 v61, v0;
	v1 =	vadd.f32 v62, v1;
	_ =	sdelay $0x1  }
0x75: {  	v0 =	vadd.f32 v2, v0;
	v1 =	vadd.f32 v63, v1  }
0x76: {  	s21 =	simm.s32 $0x0  }
0x77: {  	s20 =	simm.s32 $0x80;
	v0 =	vadd.f32 v3, v0;
	[tilespmem:s21+$0x14A00] =	vst v1  }
.LBB2_3:
0x78: {  	p0 =	sne.s32 s20, $0x1F80  }
0x79: {  	[tilespmem:s21+$0x14A10] =	vst v0;
	s19 =	sadd.s32 $0x280, s19;
	s21 =	smov.u32 s20;
	s20 =	sadd.s32 $0x80, s20  }
0x7a: {  	v0 =	vld [tilespmem:s19+$0xFFFFFEF0]  }
0x7b: {  	v1 =	vld [tilespmem:s19+$0xFFFFFEC0]  }
0x7c: {  	v2 =	vld [tilespmem:s19+$0xFFFFFEE0]  }
0x7d: {  	v3 =	vld [tilespmem:s19+$0xFFFFFED0]  }
0x7e: {  	v4 =	vld [tilespmem:s19+$0xFFFFFF00]  }
0x7f: {  	v5 =	vld [tilespmem:s19+$0xFFFFFF10]  }
0x80: {  	v6 =	vld [tilespmem:s19+$0xFFFFFF20]  }
0x81: {  	v1 =	vadd.f32 v2, v1;
	v2 =	vld [tilespmem:s19+$0xFFFFFF30]  }
0x82: {  	v0 =	vadd.f32 v0, v3;
	v3 =	vld [tilespmem:s19+$0xFFFFFF40]  }
0x83: {  	v1 =	vadd.f32 v4, v1;
	v4 =	vld [tilespmem:s19+$0xFFFFFF50]  }
0x84: {  	v0 =	vadd.f32 v5, v0;
	v5 =	vld [tilespmem:s19+$0xFFFFFF60]  }
0x85: {  	v1 =	vadd.f32 v6, v1;
	v6 =	vld [tilespmem:s19+$0xFFFFFF70]  }
0x86: {  	v0 =	vadd.f32 v2, v0;
	v2 =	vld [tilespmem:s19+$0xFFFFFF80]  }
0x87: {  	v1 =	vadd.f32 v3, v1;
	v3 =	vld [tilespmem:s19+$0xFFFFFF90]  }
0x88: {  	v0 =	vadd.f32 v4, v0;
	v4 =	vld [tilespmem:s19+$0xFFFFFFA0]  }
0x89: {  	v1 =	vadd.f32 v5, v1;
	v5 =	vld [tilespmem:s19+$0xFFFFFFB0]  }
0x8a: {  	v0 =	vadd.f32 v6, v0;
	v6 =	vld [tilespmem:s19+$0xFFFFFFC0]  }
0x8b: {  	v1 =	vadd.f32 v2, v1;
	v2 =	vld [tilespmem:s19+$0xFFFFFFD0]  }
0x8c: {  	v0 =	vadd.f32 v3, v0;
	v3 =	vld [tilespmem:s19+$0xFFFFFFE0]  }
0x8d: {  	v1 =	vadd.f32 v4, v1;
	v4 =	vld [tilespmem:s19+$0xFFFFFFF0]  }
0x8e: {  	v0 =	vadd.f32 v5, v0;
	v5 =	vld [tilespmem:s19+$0x0]  }
0x8f: {  	v1 =	vadd.f32 v6, v1;
	v6 =	vld [tilespmem:s19+$0x10]  }
0x90: {  	v0 =	vadd.f32 v2, v0;
	v2 =	vld [tilespmem:s19+$0x20]  }
0x91: {  	v1 =	vadd.f32 v3, v1;
	v3 =	vld [tilespmem:s19+$0x30]  }
0x92: {  	v0 =	vadd.f32 v4, v0;
	v4 =	vld [tilespmem:s19+$0x40]  }
0x93: {  	v1 =	vadd.f32 v5, v1;
	v5 =	vld [tilespmem:s19+$0x50]  }
0x94: {  	v0 =	vadd.f32 v6, v0;
	v6 =	vld [tilespmem:s19+$0x60]  }
0x95: {  	v1 =	vadd.f32 v2, v1;
	v2 =	vld [tilespmem:s19+$0x70]  }
0x96: {  	v0 =	vadd.f32 v3, v0;
	v3 =	vld [tilespmem:s19+$0x80]  }
0x97: {  	v1 =	vadd.f32 v4, v1;
	v4 =	vld [tilespmem:s19+$0x90]  }
0x98: {  	v0 =	vadd.f32 v5, v0;
	v5 =	vld [tilespmem:s19+$0xA0]  }
0x99: {  	v1 =	vadd.f32 v6, v1;
	v6 =	vld [tilespmem:s19+$0xB0]  }
0x9a: {  	v0 =	vadd.f32 v2, v0;
	v2 =	vld [tilespmem:s19+$0xC0]  }
0x9b: {  	v1 =	vadd.f32 v3, v1;
	v3 =	vld [tilespmem:s19+$0xD0]  }
0x9c: {  	v0 =	vadd.f32 v4, v0;
	v4 =	vld [tilespmem:s19+$0xE0]  }
0x9d: {  	v1 =	vadd.f32 v5, v1;
	v5 =	vld [tilespmem:s19+$0xF0]  }
0x9e: {  	v0 =	vadd.f32 v6, v0;
	v6 =	vld [tilespmem:s19+$0x100]  }
0x9f: {  	v1 =	vadd.f32 v2, v1;
	v2 =	vld [tilespmem:s19+$0x110]  }
0xa0: {  	v0 =	vadd.f32 v3, v0;
	v3 =	vld [tilespmem:s19+$0x120]  }
0xa1: {  	v1 =	vadd.f32 v4, v1;
	v4 =	vld [tilespmem:s19+$0x130]  }
0xa2: {  	v0 =	vadd.f32 v5, v0  }
.Ltmp2:
0xa3: {  	v1 =	vadd.f32 v6, v1;
	(pc) =	sbr.rel @p0 .LBB2_3-.Ltmp2, $4  }
0xa4: {  	v0 =	vadd.f32 v2, v0  }
0xa5: {  	v1 =	vadd.f32 v3, v1  }
0xa6: {  	s21 =	sshra.s32 s21, $0x2;
	v0 =	vadd.f32 v4, v0  }
0xa7: {  	[tilespmem:s21+$0x14A00] =	vst v1  }
0xa8: {  	s19 =	sshll.u32 s18, $0xC  }
0xa9: {  	s19 =	sadd.s32 s8, s19  }
0xaa: {  	p0 =	seq.s32 s18, $0x19;
	s20 =	rddreg [dreg:$0x2];
	s19 =	sshrl.u32 s19, $0x3  }
0xab: {  	[tilespmem:s21+$0x14A10] =	vst v0;
	s19 =	sadd.s32 s20, s19;
	s20 =	smul.u32 @!p0 $0xA00, s18  }
0xac: {  	[hbm4b:s19+s4] =	stream.linear.scatter [tilespmem:s3], [sflag:$0x3], $0x800, $0x38;
	[tilespmem:$0x15A00] =	vst v63  }
0xad: {  	_ =	swait.ge [sflag:s13], $0x800;
	s19 =	sadd.s32 @!p0 s20, s9  }
0xae: {  	[sflag:s13] =	ssyncset.done $0x0;
	s19 =	sshrl.u32 @!p0 s19, $0x3  }
0xaf: {  	s20 =	simm.s32 @!p0 $0x0;
	[sflag:s13] =	ssyncadd.s32 $0xFFFFF800;
	s19 =	sadd.s32 @!p0 s1, s19  }
0xb0: {  	[tilespmem:s20], [sflag:$0x3] =	stream.linear.gather @!p0 [hbm4b:s19+s20], $0x500, $0x38;
	[tilespmem:$0x15A00] =	vst v63  }
0xb1: {  	s19 =	simm.s32 @!p0 $0x3  }
0xb2: {  	_ =	swait.ge @!p0 [sflag:s19], $0x500  }
0xb3: {  	[sflag:s19] =	ssyncset.done @!p0 $0x0  }
0xb4: {  	s21 =	simm.s32 @!p0 $0xA00;
	[sflag:s19] =	ssyncadd.s32 @!p0 $0xFFFFFB00;
	s19 =	simm.s32 @!p0 $0x80  }
0xb5: {  	[tilespmem:s21], [sflag:$0x1] =	stream.indirect.gather @!p0 [hbm4b:s6+s19], $0x20, s20, s19, $0xb8;
	[tilespmem:$0x15A00] =	vst v63  }
0xb6: {  	s20 =	simm.s32 @!p0 $0x1A00  }
0xb7: {  	[tilespmem:s20], [sflag:$0x1] =	stream.indirect.gather @!p0 [hbm4b:s6+s19], $0x20, s19, s19, $0xb8;
	[tilespmem:$0x15A00] =	vst v63  }
0xb8: {  	s21 =	simm.s32 @!p0 $0x2A00;
	s20 =	simm.s32 @!p0 $0x100  }
0xb9: {  	[tilespmem:s21], [sflag:$0x1] =	stream.indirect.gather @!p0 [hbm4b:s6+s19], $0x20, s20, s19, $0xb8;
	[tilespmem:$0x15A00] =	vst v63  }
0xba: {  	s20 =	simm.s32 @!p0 $0x180;
	s21 =	simm.s32 @!p0 $0x3A00  }
0xbb: {  	[tilespmem:s21], [sflag:$0x1] =	stream.indirect.gather @!p0 [hbm4b:s6+s19], $0x20, s20, s19, $0xb8;
	[tilespmem:$0x15A00] =	vst v63  }
0xbc: {  	s20 =	simm.s32 @!p0 $0x200;
	s21 =	simm.s32 @!p0 $0x4A00  }
0xbd: {  	[tilespmem:s21], [sflag:$0x1] =	stream.indirect.gather @!p0 [hbm4b:s6+s19], $0x20, s20, s19, $0xb8;
	[tilespmem:$0x15A00] =	vst v63  }
0xbe: {  	s20 =	simm.s32 @!p0 $0x280;
	s21 =	simm.s32 @!p0 $0x5A00  }
0xbf: {  	[tilespmem:s21], [sflag:$0x1] =	stream.indirect.gather @!p0 [hbm4b:s6+s19], $0x20, s20, s19, $0xb8;
	[tilespmem:$0x15A00] =	vst v63  }
0xc0: {  	s20 =	simm.s32 @!p0 $0x300;
	s21 =	simm.s32 @!p0 $0x6A00  }
0xc1: {  	[tilespmem:s21], [sflag:$0x1] =	stream.indirect.gather @!p0 [hbm4b:s6+s19], $0x20, s20, s19, $0xb8;
	[tilespmem:$0x15A00] =	vst v63  }
0xc2: {  	s20 =	simm.s32 @!p0 $0x380;
	s21 =	simm.s32 @!p0 $0x7A00  }
0xc3: {  	[tilespmem:s21], [sflag:$0x1] =	stream.indirect.gather @!p0 [hbm4b:s6+s19], $0x20, s20, s19, $0xb8;
	[tilespmem:$0x15A00] =	vst v63  }
0xc4: {  	s20 =	simm.s32 @!p0 $0x400;
	s21 =	simm.s32 @!p0 $0x8A00  }
0xc5: {  	[tilespmem:s21], [sflag:$0x1] =	stream.indirect.gather @!p0 [hbm4b:s6+s19], $0x20, s20, s19, $0xb8;
	[tilespmem:$0x15A00] =	vst v63  }
0xc6: {  	s20 =	simm.s32 @!p0 $0x480;
	s21 =	simm.s32 @!p0 $0x9A00  }
0xc7: {  	[tilespmem:s21], [sflag:$0x1] =	stream.indirect.gather @!p0 [hbm4b:s6+s19], $0x20, s20, s19, $0xb8;
	[tilespmem:$0x15A00] =	vst v63  }
0xc8: {  	_ =	swait.ge [sflag:s16], $0xA000  }
0xc9: {  	[sflag:s16] =	ssyncset.done $0x0  }
0xca: {  	s19 =	simm.s32 $0x0;
	[sflag:s16] =	ssyncadd.s32 $0xFFFF6000  }
0xcb: {  	v0 =	vld [tilespmem:s19+$0xAA30]  }
0xcc: {  	v3 =	vld [tilespmem:s19+$0xAA20]  }
0xcd: {  	v5 =	vld [tilespmem:s19+$0xAA00]  }
0xce: {  	v4 =	vld [tilespmem:s19+$0xAA10]  }
0xcf: {  	v1 =	vld [tilespmem:s19+$0xAA40]  }
0xd0: {  	s22 =	simm.s32 $0xA00;
	s21 =	simm.s32 $0x15210;
	s20 =	simm.s32 $0x15210;
	v2 =	vld [tilespmem:s19+$0xAA50]  }
.LBB2_5:
0xd1: {  	p1 =	sne.s32 s22, $0x27600  }
0xd2: {  	v6 =	vld [tilespmem:s19+$0xAA60];
	s21 =	sadd.s32 $0x20, s21;
	s23 =	smov.u32 s22;
	s22 =	sadd.s32 $0xA00, s22  }
0xd3: {  	v3 =	vadd.f32 v3, v5;
	v5 =	vld [tilespmem:s19+$0xAA70]  }
0xd4: {  	v0 =	vadd.f32 v0, v4;
	v4 =	vld [tilespmem:s19+$0xAA80]  }
0xd5: {  	s23 =	sshra.s32 s23, $0x2;
	v1 =	vadd.f32 v1, v3;
	v3 =	vld [tilespmem:s19+$0xAA90]  }
0xd6: {  	v0 =	vadd.f32 v2, v0;
	v2 =	vld [tilespmem:s19+$0xAAA0]  }
0xd7: {  	v1 =	vadd.f32 v6, v1;
	v6 =	vld [tilespmem:s19+$0xAAB0]  }
0xd8: {  	v0 =	vadd.f32 v5, v0;
	v5 =	vld [tilespmem:s19+$0xAAC0]  }
0xd9: {  	v1 =	vadd.f32 v4, v1;
	v4 =	vld [tilespmem:s19+$0xAAD0]  }
0xda: {  	v0 =	vadd.f32 v3, v0;
	v3 =	vld [tilespmem:s19+$0xAAE0]  }
0xdb: {  	v1 =	vadd.f32 v2, v1;
	v2 =	vld [tilespmem:s19+$0xAAF0]  }
0xdc: {  	v0 =	vadd.f32 v6, v0;
	v6 =	vld [tilespmem:s19+$0xAB00]  }
0xdd: {  	v1 =	vadd.f32 v5, v1;
	v5 =	vld [tilespmem:s19+$0xAB10]  }
0xde: {  	v0 =	vadd.f32 v4, v0;
	v4 =	vld [tilespmem:s19+$0xAB20]  }
0xdf: {  	v1 =	vadd.f32 v3, v1;
	v3 =	vld [tilespmem:s19+$0xAB30]  }
0xe0: {  	v0 =	vadd.f32 v2, v0;
	v2 =	vld [tilespmem:s19+$0xAB40]  }
0xe1: {  	v1 =	vadd.f32 v6, v1;
	v6 =	vld [tilespmem:s19+$0xAB50]  }
0xe2: {  	v0 =	vadd.f32 v5, v0;
	v5 =	vld [tilespmem:s19+$0xAB60]  }
0xe3: {  	v1 =	vadd.f32 v4, v1;
	v4 =	vld [tilespmem:s19+$0xAB70]  }
0xe4: {  	v0 =	vadd.f32 v3, v0;
	v3 =	vld [tilespmem:s19+$0xAB80]  }
0xe5: {  	v1 =	vadd.f32 v2, v1;
	v2 =	vld [tilespmem:s19+$0xAB90]  }
0xe6: {  	v0 =	vadd.f32 v6, v0;
	v6 =	vld [tilespmem:s19+$0xABA0]  }
0xe7: {  	v1 =	vadd.f32 v5, v1;
	v5 =	vld [tilespmem:s19+$0xABB0]  }
0xe8: {  	v0 =	vadd.f32 v4, v0;
	v4 =	vld [tilespmem:s19+$0xABC0]  }
0xe9: {  	v1 =	vadd.f32 v3, v1;
	v3 =	vld [tilespmem:s19+$0xABD0]  }
0xea: {  	v0 =	vadd.f32 v2, v0;
	v2 =	vld [tilespmem:s19+$0xABE0]  }
0xeb: {  	v1 =	vadd.f32 v6, v1;
	v6 =	vld [tilespmem:s19+$0xABF0]  }
0xec: {  	v0 =	vadd.f32 v5, v0;
	v5 =	vld [tilespmem:s19+$0xAC00]  }
0xed: {  	v1 =	vadd.f32 v4, v1;
	v4 =	vld [tilespmem:s19+$0xAC10]  }
0xee: {  	v0 =	vadd.f32 v3, v0;
	v3 =	vld [tilespmem:s19+$0xAC20]  }
0xef: {  	v1 =	vadd.f32 v2, v1;
	v2 =	vld [tilespmem:s19+$0xAC30]  }
0xf0: {  	v0 =	vadd.f32 v6, v0;
	v6 =	vld [tilespmem:s19+$0xAC40]  }
0xf1: {  	v1 =	vadd.f32 v5, v1;
	v5 =	vld [tilespmem:s19+$0xAC50]  }
0xf2: {  	v0 =	vadd.f32 v4, v0;
	v4 =	vld [tilespmem:s19+$0xAC60]  }
0xf3: {  	v1 =	vadd.f32 v3, v1;
	v3 =	vld [tilespmem:s19+$0xAC70];
	s19 =	smov.u32 s23  }
0xf4: {  	v0 =	vadd.f32 v2, v0  }
0xf5: {  	v1 =	vadd.f32 v6, v1  }
0xf6: {  	v0 =	vadd.f32 v5, v0  }
0xf7: {  	v1 =	vadd.f32 v4, v1  }
0xf8: {  	v0 =	vadd.f32 v3, v0  }
0xf9: {  	[tilespmem:s20+$0xFFFFFFF0] =	vst v1  }
0xfa: {  	[tilespmem:s20+$0x0] =	vst v0;
	s20 =	smov.u32 s21  }
0xfb: {  	v0 =	vld [tilespmem:s19+$0xAA30]  }
.Ltmp3:
0xfc: {  	v3 =	vld [tilespmem:s19+$0xAA20];
	(pc) =	sbr.rel @p1 .LBB2_5-.Ltmp3, $4  }
0xfd: {  	v5 =	vld [tilespmem:s19+$0xAA00]  }
0xfe: {  	v4 =	vld [tilespmem:s19+$0xAA10]  }
0xff: {  	v1 =	vld [tilespmem:s19+$0xAA40]  }
0x100: {  	v2 =	vld [tilespmem:s19+$0xAA50]  }
0x101: {  	v6 =	vld [tilespmem:s19+$0xAA60]  }
0x102: {  	v31 =	vld [tilespmem:s19+$0xAA70];
	v3 =	vadd.f32 v3, v5  }
0x103: {  	v32 =	vld [tilespmem:s19+$0xAA80];
	v0 =	vadd.f32 v0, v4  }
0x104: {  	v33 =	vld [tilespmem:s19+$0xAA90];
	v1 =	vadd.f32 v1, v3  }
0x105: {  	v34 =	vld [tilespmem:s19+$0xAAA0];
	v0 =	vadd.f32 v2, v0  }
0x106: {  	v35 =	vld [tilespmem:s19+$0xAAB0];
	v1 =	vadd.f32 v6, v1  }
0x107: {  	v36 =	vld [tilespmem:s19+$0xAAC0];
	v0 =	vadd.f32 v31, v0  }
0x108: {  	v37 =	vld [tilespmem:s19+$0xAAD0];
	v1 =	vadd.f32 v32, v1  }
0x109: {  	v38 =	vld [tilespmem:s19+$0xAAE0];
	v0 =	vadd.f32 v33, v0  }
0x10a: {  	v39 =	vld [tilespmem:s19+$0xAAF0];
	v1 =	vadd.f32 v34, v1  }
0x10b: {  	v40 =	vld [tilespmem:s19+$0xAB00];
	v0 =	vadd.f32 v35, v0  }
0x10c: {  	v41 =	vld [tilespmem:s19+$0xAB10];
	v1 =	vadd.f32 v36, v1  }
0x10d: {  	v42 =	vld [tilespmem:s19+$0xAB20];
	v0 =	vadd.f32 v37, v0  }
0x10e: {  	v43 =	vld [tilespmem:s19+$0xAB30];
	v1 =	vadd.f32 v38, v1  }
0x10f: {  	v44 =	vld [tilespmem:s19+$0xAB40];
	v0 =	vadd.f32 v39, v0  }
0x110: {  	v45 =	vld [tilespmem:s19+$0xAB50];
	v1 =	vadd.f32 v40, v1  }
0x111: {  	v46 =	vld [tilespmem:s19+$0xAB60];
	v0 =	vadd.f32 v41, v0  }
0x112: {  	v47 =	vld [tilespmem:s19+$0xAB70];
	v1 =	vadd.f32 v42, v1  }
0x113: {  	v48 =	vld [tilespmem:s19+$0xAB80];
	v0 =	vadd.f32 v43, v0  }
0x114: {  	v49 =	vld [tilespmem:s19+$0xAB90];
	v1 =	vadd.f32 v44, v1  }
0x115: {  	v50 =	vld [tilespmem:s19+$0xABA0];
	v0 =	vadd.f32 v45, v0  }
0x116: {  	v51 =	vld [tilespmem:s19+$0xABB0];
	v1 =	vadd.f32 v46, v1  }
0x117: {  	v52 =	vld [tilespmem:s19+$0xABC0];
	v0 =	vadd.f32 v47, v0  }
0x118: {  	v53 =	vld [tilespmem:s19+$0xABD0];
	v1 =	vadd.f32 v48, v1  }
0x119: {  	v54 =	vld [tilespmem:s19+$0xABE0];
	v0 =	vadd.f32 v49, v0  }
0x11a: {  	v55 =	vld [tilespmem:s19+$0xABF0];
	v1 =	vadd.f32 v50, v1  }
0x11b: {  	v56 =	vld [tilespmem:s19+$0xAC00];
	v0 =	vadd.f32 v51, v0  }
0x11c: {  	v57 =	vld [tilespmem:s19+$0xAC10];
	v1 =	vadd.f32 v52, v1  }
0x11d: {  	v58 =	vld [tilespmem:s19+$0xAC20];
	v0 =	vadd.f32 v53, v0  }
0x11e: {  	v59 =	vld [tilespmem:s19+$0xAC30];
	v1 =	vadd.f32 v54, v1  }
0x11f: {  	v60 =	vld [tilespmem:s19+$0xAC40];
	v0 =	vadd.f32 v55, v0  }
0x120: {  	v61 =	vld [tilespmem:s19+$0xAC50];
	v1 =	vadd.f32 v56, v1  }
0x121: {  	v62 =	vld [tilespmem:s19+$0xAC60];
	v0 =	vadd.f32 v57, v0  }
0x122: {  	v63 =	vld [tilespmem:s19+$0xAC70];
	v1 =	vadd.f32 v58, v1  }
0x123: {  	v0 =	vadd.f32 v59, v0  }
0x124: {  	v1 =	vadd.f32 v60, v1  }
0x125: {  	v0 =	vadd.f32 v61, v0  }
0x126: {  	v1 =	vadd.f32 v62, v1  }
0x127: {  	v0 =	vadd.f32 v63, v0  }
0x128: {  	s23 =	sshll.u32 s18, $0x9;
	[tilespmem:s20+$0xFFFFFFF0] =	vst v1  }
.Ltmp4:
0x129: {  	s19 =	sadd.s32 s12, s23;
	[tilespmem:s20+$0x0] =	vst v0;
	(pc) =	sbr.rel @p0 .LBB2_8-.Ltmp4, $4  }
0x12a: {  	[hbm4b:s19+s4] =	stream.linear.scatter [tilespmem:s17], [sflag:$0x3], $0x800, $0x38;
	[tilespmem:$0x15A00] =	vst v63  }
0x12b: {  	_ =	swait.ge [sflag:s13], $0x800  }
0x12c: {  	[sflag:s13] =	ssyncset.done $0x0  }
0x12d: {  	[sflag:s13] =	ssyncadd.s32 $0xFFFFF800  }
0x12e: {  	s19 =	smul.u32 $0xA00, s18;
	_ =	sdelay $0x1  }
0x12f: {  	s19 =	sadd.s32 s19, s10  }
0x130: {  	s19 =	sshrl.u32 s19, $0x3  }
0x131: {  	s19 =	sadd.s32 s1, s19  }
0x132: {  	[tilespmem:s15], [sflag:$0x3] =	stream.linear.gather [hbm4b:s19+s4], $0x500, $0x38;
	[tilespmem:$0x15A00] =	vst v63  }
0x133: {  	_ =	swait.ge [sflag:s13], $0x500  }
0x134: {  	[sflag:s13] =	ssyncset.done $0x0  }
0x135: {  	s20 =	simm.s32 $0xAA00;
	[sflag:s13] =	ssyncadd.s32 $0xFFFFFB00  }
0x136: {  	[tilespmem:s20], [sflag:$0x2] =	stream.indirect.gather [hbm4b:s6+s14], $0x20, s15, s14, $0xb8;
	[tilespmem:$0x15A00] =	vst v63  }
0x137: {  	s21 =	simm.s32 $0x580;
	s20 =	simm.s32 $0xBA00  }
0x138: {  	[tilespmem:s20], [sflag:$0x2] =	stream.indirect.gather [hbm4b:s6+s14], $0x20, s21, s14, $0xb8;
	[tilespmem:$0x15A00] =	vst v63  }
0x139: {  	s22 =	simm.s32 $0x600;
	s23 =	simm.s32 $0xCA00  }
0x13a: {  	[tilespmem:s23], [sflag:$0x2] =	stream.indirect.gather [hbm4b:s6+s14], $0x20, s22, s14, $0xb8;
	[tilespmem:$0x15A00] =	vst v63  }
0x13b: {  	s21 =	simm.s32 $0x680;
	s22 =	simm.s32 $0xDA00  }
0x13c: {  	[tilespmem:s22], [sflag:$0x2] =	stream.indirect.gather [hbm4b:s6+s14], $0x20, s21, s14, $0xb8;
	[tilespmem:$0x15A00] =	vst v63  }
0x13d: {  	s23 =	simm.s32 $0x700  }
0x13e: {  	[tilespmem:s24], [sflag:$0x2] =	stream.indirect.gather [hbm4b:s6+s14], $0x20, s23, s14, $0xb8;
	[tilespmem:$0x15A00] =	vst v63  }
0x13f: {  	_ = 	snop  }
0x140: {  	[tilespmem:s26], [sflag:$0x2] =	stream.indirect.gather [hbm4b:s6+s14], $0x20, s25, s14, $0xb8;
	[tilespmem:$0x15A00] =	vst v63  }
0x141: {  	_ = 	snop  }
0x142: {  	[tilespmem:s29], [sflag:$0x2] =	stream.indirect.gather [hbm4b:s6+s14], $0x20, s28, s14, $0xb8;
	[tilespmem:$0x15A00] =	vst v63  }
0x143: {  	_ = 	snop  }
0x144: {  	[tilespmem:s31], [sflag:$0x2] =	stream.indirect.gather [hbm4b:s6+s14], $0x20, s30, s14, $0xb8;
	[tilespmem:$0x15A00] =	vst v63  }
.Ltmp5:
0x145: {  	_ = 	snop;
	(pc) =	sbr.rel .LBB2_2-.Ltmp5, $4  }
0x146: {  	_ = 	snop  }
0x147: {  	[tilespmem:s0], [sflag:$0x2] =	stream.indirect.gather [hbm4b:s6+s14], $0x20, s2, s14, $0xb8;
	[tilespmem:$0x15A00] =	vst v63  }
0x148: {  	s18 =	sadd.s32 $0x1, s18  }
0x149: {  	[tilespmem:s11], [sflag:$0x2] =	stream.indirect.gather [hbm4b:s6+s14], $0x20, s7, s14, $0xb8;
	[tilespmem:$0x15A00] =	vst v63  }
.LBB2_9:
0x14a: {  	_ =	sfence.sel $0x180000  }
0x14b: {  	[bflag:$0x0] =	sbarrier.arrive $0xFFFF  }
0x14c: {  	_ =	strace $0x9000004A  }
0x14d: {  	s0 =	stileid.u32;
	[bflag:$0x2] =	sbarrier.arrive $0xFFFF  }
0x14e: {  	p0 =	sne.s32 s0, $0x0;
	s0 =	rddreg [dreg:$0x3]  }
0x14f: {  	s0 =	sadd.s32 @!p0 $0x100000, s0  }
0x150: {  	[sflag:s0] =	ssyncadd.tile.s32 @!p0 $0x1;
	_ =	shalt  }
.Lfunc_end2:
_tile_overlayer_lowered:
.L_overlay_start_2:
0x151: {  	(tag) =	ssettag $0x2  }
0x152: {  	s0 =	rddreg [dreg:$0x0];
	s2 =	stileid.u32  }
0x153: {  	s1 =	rddreg [dreg:$0x1];
	p0 =	sne.s32 s2, $0x0  }
0x154: {  	s3 =	rddreg [dreg:$0x2];
	[bflag:$0x3] =	sbarrier.arrive $0xFFFF;
	s2 =	simm.s32 @!p0 $0x1C03  }
0x155: {  	[timem:s3], [sflag:s2] =	dma.local @!p0 [hbm:s0], s1  }
0x156: {  	s0 =	simm.s32 @!p0 $0x3  }
0x157: {  	_ =	swait.ge @!p0 [sflag:s0], s1  }
0x158: {  	s1 =	ssub.s32 @!p0 $0x0, s1;
	[sflag:s0] =	ssyncset.done @!p0 $0x0  }
0x159: {  	[sflag:s0] =	ssyncadd.s32 @!p0 s1  }
0x15a: {  	[bflag:$0x3] =	sbarrier.arrive $0xFFFF  }
0x15b: {  	_ =	shalt  }

</sc_bundles>
